<compile_context>
chip_gen: v7x
topology: tpu7x:2x2x1
jax: 0.10.2.dev20260603
libtpu: 0.0.44.dev20260713+nightly
codegen_flags: <defaults>
</compile_context>

<pallas_src>
import functools

import jax
import jax.numpy as jnp
from jax import lax
from jax.experimental import pallas as pl
from jax.experimental.pallas import tpu as pltpu
from jax.experimental.pallas import tpu_sc as plsc

B = 8
C = 128
N = 2048
K = 20
EPS = 1e-5
SLOPE = 0.2

R = 256
NT = N // R
P = B * N



def _leaky(y):
    return jnp.where(y >= 0, y, SLOPE * y)


def _stage_a_body(xt_ref, xx_ref, idx_ref):
    b = pl.program_id(0)
    t = pl.program_id(1)
    xt = xt_ref[0]
    xr = xt_ref[0, pl.ds(t * R, R), :]

    g2 = lax.dot_general(xr, xt, (((1,), (1,)), ((), ())),
                         preferred_element_type=jnp.float32)
    xx = xx_ref[0, 0, :]
    xx_r = xx_ref[0, 0, pl.ds(t * R, R)]
    inner = -2.0 * g2
    d = (0.0 - xx_r[:, None]) - inner - xx[None, :]

    ii = lax.broadcasted_iota(jnp.int32, (R, N), 1)
    cols = []
    for _ in range(K):
        m = jnp.max(d, axis=1, keepdims=True)
        am = jnp.min(jnp.where(d == m, ii, N), axis=1, keepdims=True)
        cols.append(am)
        d = jnp.where(ii == am, -jnp.inf, d)
    idx_ref[0] = jnp.concatenate(cols, axis=1) + b * N


def _stage_a(xt, xx):
    nb = xt.shape[0]
    return pl.pallas_call(
        _stage_a_body,
        grid=(nb, NT),
        in_specs=[
            pl.BlockSpec((1, N, C), lambda b, t: (b, 0, 0)),
            pl.BlockSpec((1, 1, N), lambda b, t: (b, 0, 0)),
        ],
        out_specs=pl.BlockSpec((1, R, K), lambda b, t: (b, t, 0)),
        out_shape=jax.ShapeDtypeStruct((nb, N, K), jnp.int32),
    )(xt, xx)


NW = 32
PPW = P // NW
G = 16
NCH = PPW // G
GK = G * K


def _sc_gather_body(ppw, x_hbm, idx_hbm, g_hbm, idx_v0, idx_v1, rows_v0,
                    rows_v1, sg0, sg1, so0, so1):
    info = plsc.get_sparse_core_info()
    nc = info.num_cores
    wid = lax.axis_index("s") * nc + lax.axis_index("c")

    def pair_body(p, carry):
        base0 = wid * ppw + (2 * p) * G
        base1 = base0 + G
        pltpu.sync_copy(idx_hbm.at[pl.ds(base0 * K, GK)], idx_v0)
        g0 = pltpu.async_copy(x_hbm.at[idx_v0], rows_v0, sg0)
        pltpu.sync_copy(idx_hbm.at[pl.ds(base1 * K, GK)], idx_v1)
        g1 = pltpu.async_copy(x_hbm.at[idx_v1], rows_v1, sg1)
        g0.wait()
        o0 = pltpu.async_copy(rows_v0, g_hbm.at[pl.ds(base0 * K, GK)], so0)
        g1.wait()
        o1 = pltpu.async_copy(rows_v1, g_hbm.at[pl.ds(base1 * K, GK)], so1)
        o0.wait()
        o1.wait()
        return carry

    lax.fori_loop(0, ppw // (2 * G), pair_body, 0)


def _gather_rows(x_flat, idx_flat):
    npts = x_flat.shape[0]
    mesh = plsc.VectorSubcoreMesh(core_axis_name="c", subcore_axis_name="s")
    f = functools.partial(
        pl.kernel,
        mesh=mesh,
        out_type=jax.ShapeDtypeStruct((npts * K, C), jnp.float32),
        scratch_types=[
            pltpu.VMEM((GK,), jnp.int32),
            pltpu.VMEM((GK,), jnp.int32),
            pltpu.VMEM((GK, C), jnp.float32),
            pltpu.VMEM((GK, C), jnp.float32),
            pltpu.SemaphoreType.DMA,
            pltpu.SemaphoreType.DMA,
            pltpu.SemaphoreType.DMA,
            pltpu.SemaphoreType.DMA,
        ],
    )(functools.partial(_sc_gather_body, npts // NW))
    return f(x_flat, idx_flat)


R2 = 128
NT2 = N // R2


def _edge_body(g_ref, xt_ref, wt_ref, m_ref, sums_ref):
    b = pl.program_id(0)
    t = pl.program_id(1)
    xj = g_ref[0]
    xi = xt_ref[0]
    xi_rep = jnp.broadcast_to(xi[:, None, :], (R2, K, C)).reshape(R2 * K, C)
    feat = jnp.concatenate([xj - xi_rep, xi_rep], axis=1)
    y = jnp.dot(feat, wt_ref[...], preferred_element_type=jnp.float32)
    y3 = y.reshape(R2, K, C)
    m_ref[0] = jnp.max(y3, axis=1)
    s1 = jnp.sum(y, axis=0)
    s2 = jnp.sum(y * y, axis=0)
    new = jnp.stack([s1, s2])
    first = jnp.logical_and(b == 0, t == 0)

    @pl.when(first)
    def _():
        sums_ref[...] = new

    @pl.when(jnp.logical_not(first))
    def _():
        sums_ref[...] = sums_ref[...] + new


def _edge_matmul(gathered, xt, w_t):
    nb = xt.shape[0]
    return pl.pallas_call(
        _edge_body,
        grid=(nb, NT2),
        in_specs=[
            pl.BlockSpec((1, R2 * K, C), lambda b, t: (b, t, 0)),
            pl.BlockSpec((1, R2, C), lambda b, t: (b, t, 0)),
            pl.BlockSpec((2 * C, C), lambda b, t: (0, 0)),
        ],
        out_specs=[
            pl.BlockSpec((1, R2, C), lambda b, t: (b, t, 0)),
            pl.BlockSpec((2, C), lambda b, t: (0, 0)),
        ],
        out_shape=[
            jax.ShapeDtypeStruct((nb, N, C), jnp.float32),
            jax.ShapeDtypeStruct((2, C), jnp.float32),
        ],
    )(gathered, xt, w_t)


def _stage_b_body(m_ref, part_ref, g_ref, b_ref, out_ref):
    s1 = part_ref[0, :]
    s2 = part_ref[1, :]
    cnt = float(B * N * K)
    mean = s1 / cnt
    var = s2 / cnt - mean * mean
    inv = g_ref[...] * lax.rsqrt(var + EPS)
    xn = (m_ref[0] - mean[None, :]) * inv[None, :] + b_ref[...][None, :]
    out_ref[0] = _leaky(xn)


def _stage_b(m, parts, g, bb):
    return pl.pallas_call(
        _stage_b_body,
        grid=(B,),
        in_specs=[
            pl.BlockSpec((1, N, C), lambda b: (b, 0, 0)),
            pl.BlockSpec((2, C), lambda b: (0, 0)),
            pl.BlockSpec((C,), lambda b: (0,)),
            pl.BlockSpec((C,), lambda b: (0,)),
        ],
        out_specs=pl.BlockSpec((1, N, C), lambda b: (b, 0, 0)),
        out_shape=jax.ShapeDtypeStruct((B, N, C), jnp.float32),
    )(m, parts, g, bb)


def _final_body(x1_ref, x2_ref, x3_ref, wp_ref, mx_ref, sums_ref):
    b = pl.program_id(0)
    t = pl.program_id(1)
    cat = jnp.concatenate([x1_ref[0], x2_ref[0], x3_ref[0]], axis=1)
    yp = jnp.dot(cat, wp_ref[...], preferred_element_type=jnp.float32,
                 precision=lax.Precision.HIGHEST)
    rmax = jnp.max(yp, axis=0)
    rsum = jnp.sum(yp, axis=0)
    rsq = jnp.sum(yp * yp, axis=0)
    new = jnp.stack([rsum, rsq])

    @pl.when(t == 0)
    def _():
        mx_ref[...] = rmax[None, None, :]

    @pl.when(t != 0)
    def _():
        mx_ref[...] = jnp.maximum(mx_ref[...], rmax[None, None, :])

    first = jnp.logical_and(b == 0, t == 0)

    @pl.when(first)
    def _():
        sums_ref[...] = new

    @pl.when(jnp.logical_not(first))
    def _():
        sums_ref[...] = sums_ref[...] + new


def _final(x1, x2, x3, wp_t):
    return pl.pallas_call(
        _final_body,
        grid=(B, NT),
        in_specs=[
            pl.BlockSpec((1, R, C), lambda b, t: (b, t, 0)),
            pl.BlockSpec((1, R, C), lambda b, t: (b, t, 0)),
            pl.BlockSpec((1, R, C), lambda b, t: (b, t, 0)),
            pl.BlockSpec((3 * C, C), lambda b, t: (0, 0)),
        ],
        out_specs=[
            pl.BlockSpec((1, 1, C), lambda b, t: (b, 0, 0)),
            pl.BlockSpec((2, C), lambda b, t: (0, 0)),
        ],
        out_shape=[
            jax.ShapeDtypeStruct((B, 1, C), jnp.float32),
            jax.ShapeDtypeStruct((2, C), jnp.float32),
        ],
    )(x1, x2, x3, wp_t)


def _epilogue_body(mx_ref, sums_ref, g_ref, b_ref, out_ref):
    cnt = float(B * N)
    mean = sums_ref[0, :] / cnt
    var = sums_ref[1, :] / cnt - mean * mean
    inv = g_ref[...] * lax.rsqrt(var + EPS)
    y = (mx_ref[...] - mean[None, None, :]) * inv[None, None, :]
    out_ref[...] = _leaky(y + b_ref[...][None, None, :])


def _epilogue(mx, sums, gp, bp):
    return pl.pallas_call(
        _epilogue_body,
        out_shape=jax.ShapeDtypeStruct((B, 1, C), jnp.float32),
    )(mx, sums, gp, bp)


def _edge_stage(xt, xx, W, g, bb):
    hb = B // 2
    w_t = jnp.transpose(W)
    ms, sums = [], []
    for h in range(2):
        xth = xt[h * hb:(h + 1) * hb]
        xxh = xx[h * hb:(h + 1) * hb]
        idx = _stage_a(xth, xxh)
        gathered = _gather_rows(xth.reshape(hb * N, C),
                                idx.reshape(hb * N * K))
        m, s = _edge_matmul(gathered.reshape(hb, N * K, C), xth, w_t)
        ms.append(m)
        sums.append(s)
    return _stage_b(jnp.concatenate(ms, axis=0), sums[0] + sums[1], g, bb)


def kernel(x, pos, W1, g1, b1, W2, g2, b2, W3, g3, b3, Wp, gp, bp):
    xt = jnp.transpose(x, (0, 2, 1))
    xx0 = jnp.sum(x * x, axis=1)[:, None, :]
    x1 = _edge_stage(xt, xx0, W1, g1, b1)
    xx1 = jnp.sum(x1 * x1, axis=2)[:, None, :]
    x2 = _edge_stage(x1, xx1, W2, g2, b2)
    xx2 = jnp.sum(x2 * x2, axis=2)[:, None, :]
    x3 = _edge_stage(x2, xx2, W3, g3, b3)
    mx, sums = _final(x1, x2, x3, jnp.transpose(Wp))
    return _epilogue(mx, sums, gp, bp)

# --- scband reference (transcript-rebuilt; emitter-appended) ---
"""Pipeline reference for scband-prompt-generator-deep-81870666596640 (READ-ONLY COPY).

The authoritative reference and input builder live on the scoring server;
editing this copy changes nothing except your own understanding.
"""

import jax, jax.numpy as jnp
import numpy as np

B = 8
DIM = 128
N = 2048
K = 20
EPS = 1e-5
SLOPE = 0.2


def setup_inputs(seed: int = 0) -> dict:
    key = jax.random.key(seed)
    ks = jax.random.split(key, 8)
    inp = {
        "x": jax.random.normal(ks[0], (B, DIM, N), dtype=jnp.float32),
        "pos": jax.random.normal(ks[1], (B, 3, N), dtype=jnp.float32),
        "W1": jax.random.normal(ks[2], (DIM, 2 * DIM), dtype=jnp.float32) * 0.05,
        "g1": jnp.ones((DIM,), jnp.float32),
        "b1": jnp.zeros((DIM,), jnp.float32),
        "W2": jax.random.normal(ks[3], (DIM, 2 * DIM), dtype=jnp.float32) * 0.05,
        "g2": jnp.ones((DIM,), jnp.float32),
        "b2": jnp.zeros((DIM,), jnp.float32),
        "W3": jax.random.normal(ks[4], (DIM, 2 * DIM), dtype=jnp.float32) * 0.05,
        "g3": jnp.ones((DIM,), jnp.float32),
        "b3": jnp.zeros((DIM,), jnp.float32),
        "Wp": jax.random.normal(ks[5], (DIM, 3 * DIM), dtype=jnp.float32) * 0.05,
        "gp": jnp.ones((DIM,), jnp.float32),
        "bp": jnp.zeros((DIM,), jnp.float32),
    }
    return inp


def _knn_idx(x, k):
    # x: (B, C, N) -> idx (B, N, k) of nearest neighbors by feature distance
    inner = -2.0 * jnp.einsum('bcn,bcm->bnm', x, x)
    xx = jnp.sum(x * x, axis=1)  # (B, N)
    neg_dist = -xx[:, :, None] - inner - xx[:, None, :]
    _, idx = jax.lax.top_k(neg_dist, k)
    return idx


def _get_graph_feature(x, k):
    # x: (B, C, N) -> (B, 2C, N, k) with [x_j - x_i, x_i]
    b, c, n = x.shape
    idx = _knn_idx(x, k)  # (B, N, k) int
    xt = jnp.transpose(x, (0, 2, 1))  # (B, N, C)
    nbr = jnp.take_along_axis(xt, idx.reshape(b, n * k)[:, :, None], axis=1)
    nbr = nbr.reshape(b, n, k, c)
    center = jnp.broadcast_to(xt[:, :, None, :], (b, n, k, c))
    feat = jnp.concatenate([nbr - center, center], axis=-1)  # (B, N, k, 2C)
    return jnp.transpose(feat, (0, 3, 1, 2))  # (B, 2C, N, k)


def _bn(y, g, b, axes):
    mean = jnp.mean(y, axis=axes, keepdims=True)
    var = jnp.var(y, axis=axes, keepdims=True)
    shape = [1] * y.ndim
    shape[1] = y.shape[1]
    return (y - mean) / jnp.sqrt(var + EPS) * g.reshape(shape) + b.reshape(shape)


def _leaky(y):
    return jnp.where(y >= 0, y, SLOPE * y)


def _edge_conv(x, W, g, b, k):
    feat = _get_graph_feature(x, k)  # (B, 2C, N, k)
    y = jnp.einsum('oc,bcnk->bonk', W, feat)
    y = _leaky(_bn(y, g, b, (0, 2, 3)))
    return jnp.max(y, axis=-1)  # (B, C, N)


def reference(x, pos, W1, g1, b1, W2, g2, b2, W3, g3, b3, Wp, gp, bp):
    # pos is accepted but unused by the original forward
    x1 = _edge_conv(x, W1, g1, b1, K)
    x2 = _edge_conv(x1, W2, g2, b2, K)
    x3 = _edge_conv(x2, W3, g3, b3, K)
    cat = jnp.concatenate([x1, x2, x3], axis=1)  # (B, 3C, N)
    y = jnp.einsum('oc,bcn->bon', Wp, cat)
    y = _leaky(_bn(y, gp, bp, (0, 2)))
    out = jnp.max(y, axis=-1, keepdims=True)  # (B, C, 1)
    return jnp.transpose(out, (0, 2, 1))  # (B, 1, C)

if __name__ == "__main__":
    import jax
    _d = setup_inputs()
    print(jax.jit(kernel)(*tuple(_d.values())))

</pallas_src>

<mosaic_0001>
#map = affine_map<(d0, d1) -> (0, 0)>
#map1 = affine_map<(d0, d1) -> (0)>
module attributes {stable_mosaic.version = 14 : i64} {
  func.func @_sc_gather_body(%arg0: i32, %arg1: i32, %arg2: memref<8192x128xf32, #tpu.memory_space<hbm>>, %arg3: memref<163840xi32, #tpu.memory_space<hbm>>, %arg4: memref<163840x128xf32, #tpu.memory_space<hbm>>, %arg5: memref<320xi32, #tpu.memory_space<vmem>>, %arg6: memref<320xi32, #tpu.memory_space<vmem>>, %arg7: memref<320x128xf32, #tpu.memory_space<vmem>>, %arg8: memref<320x128xf32, #tpu.memory_space<vmem>>, %arg9: memref<!tpu.dma_semaphore, #tpu.memory_space<semaphore_mem>>, %arg10: memref<!tpu.dma_semaphore, #tpu.memory_space<semaphore_mem>>, %arg11: memref<!tpu.dma_semaphore, #tpu.memory_space<semaphore_mem>>, %arg12: memref<!tpu.dma_semaphore, #tpu.memory_space<semaphore_mem>>) attributes {dimension_semantics = [#tpu.dimension_semantics<core_parallel>, #tpu.dimension_semantics<subcore_parallel>], iteration_bounds = array<i64: 2, 16>, scalar_prefetch = 0 : i64, scratch_operands = 8 : i64, tpu.core_type = #tpu.core_type<sc_vector_subcore>, window_params = [{transform_indices = #map}, {transform_indices = #map1}, {transform_indices = #map}]} {
    %mul3A = arith.constant 2 : i32
    %mul3A_0 = arith.muli %arg1, %mul3A : i32
    %add3A = arith.addi %mul3A_0, %arg0 : i32
    %scan3A = arith.constant 0 : i32
    %scan3A_1 = arith.constant 0 : i32
    %scan3A_2 = arith.constant 8 : i32
    %scan3A_3 = arith.addi %scan3A_1, %scan3A_2 : i32
    %scan3A_4 = arith.constant 1 : i32
    scf.for %scan3A_6 = %scan3A_1 to %scan3A_3 step %scan3A_4  : i32 {
      %mul3A_7 = arith.constant 256 : i32
      %mul3A_8 = arith.muli %add3A, %mul3A_7 : i32
      %mul3A_9 = arith.constant 2 : i32
      %mul3A_10 = arith.muli %mul3A_9, %scan3A_6 : i32
      %mul3A_11 = arith.constant 16 : i32
      %mul3A_12 = arith.muli %mul3A_10, %mul3A_11 : i32
      %add3A_13 = arith.addi %mul3A_8, %mul3A_12 : i32
      %add3A_14 = arith.constant 16 : i32
      %add3A_15 = arith.addi %add3A_13, %add3A_14 : i32
      %mul3A_16 = arith.constant 20 : i32
      %mul3A_17 = arith.muli %add3A_13, %mul3A_16 : i32
      "tpu.region"() ({
        %run_scoped3A = tpu.sem_alloc : memref<!tpu.dma_semaphore, #tpu.memory_space<semaphore_mem>>
        %dma_start3A_50 = tpu.memref_slice %arg3[%mul3A_17] : memref<163840xi32, #tpu.memory_space<hbm>> -> memref<320xi32, #tpu.memory_space<hbm>>
        %dma_start3A_51 = tpu.memref_slice %arg3[%mul3A_17] : memref<163840xi32, #tpu.memory_space<hbm>> -> memref<320xi32, #tpu.memory_space<hbm>>
        tpu.enqueue_dma source(%dma_start3A_51 : memref<320xi32, #tpu.memory_space<hbm>>) target(%arg5 : memref<320xi32, #tpu.memory_space<vmem>>) target_semaphore(%run_scoped3A : memref<!tpu.dma_semaphore, #tpu.memory_space<semaphore_mem>>)
        %dma_wait3A_52 = tpu.memref_slice %arg3[%mul3A_17] : memref<163840xi32, #tpu.memory_space<hbm>> -> memref<320xi32, #tpu.memory_space<hbm>>
        %dma_wait3A_53 = tpu.memref_slice %arg3[%mul3A_17] : memref<163840xi32, #tpu.memory_space<hbm>> -> memref<320xi32, #tpu.memory_space<hbm>>
        tpu.wait_dma2 semaphore(%run_scoped3A : memref<!tpu.dma_semaphore, #tpu.memory_space<semaphore_mem>>) src(%dma_wait3A_53 : memref<320xi32, #tpu.memory_space<hbm>>) dst(%arg5 : memref<320xi32, #tpu.memory_space<vmem>>)
        tpu.yield
      }) : () -> ()
      %dma_start3A = arith.constant 0 : i32
      %dma_start3A_18 = arith.constant 0 : i32
      %dma_start3A_19 = tpu.memref_slice %arg2[%dma_start3A, %dma_start3A_18] : memref<8192x128xf32, #tpu.memory_space<hbm>> -> memref<8192x128xf32, #tpu.memory_space<hbm>>
      tpu.enqueue_indirect_dma source(%dma_start3A_19 : memref<8192x128xf32, #tpu.memory_space<hbm>>) target(%arg7 : memref<320x128xf32, #tpu.memory_space<vmem>>) offsets(%arg5 : memref<320xi32, #tpu.memory_space<vmem>>) semaphore(%arg9 : memref<!tpu.dma_semaphore, #tpu.memory_space<semaphore_mem>>)
      %mul3A_20 = arith.constant 20 : i32
      %mul3A_21 = arith.muli %add3A_15, %mul3A_20 : i32
      "tpu.region"() ({
        %run_scoped3A = tpu.sem_alloc : memref<!tpu.dma_semaphore, #tpu.memory_space<semaphore_mem>>
        %dma_start3A_50 = tpu.memref_slice %arg3[%mul3A_21] : memref<163840xi32, #tpu.memory_space<hbm>> -> memref<320xi32, #tpu.memory_space<hbm>>
        %dma_start3A_51 = tpu.memref_slice %arg3[%mul3A_21] : memref<163840xi32, #tpu.memory_space<hbm>> -> memref<320xi32, #tpu.memory_space<hbm>>
        tpu.enqueue_dma source(%dma_start3A_51 : memref<320xi32, #tpu.memory_space<hbm>>) target(%arg6 : memref<320xi32, #tpu.memory_space<vmem>>) target_semaphore(%run_scoped3A : memref<!tpu.dma_semaphore, #tpu.memory_space<semaphore_mem>>)
        %dma_wait3A_52 = tpu.memref_slice %arg3[%mul3A_21] : memref<163840xi32, #tpu.memory_space<hbm>> -> memref<320xi32, #tpu.memory_space<hbm>>
        %dma_wait3A_53 = tpu.memref_slice %arg3[%mul3A_21] : memref<163840xi32, #tpu.memory_space<hbm>> -> memref<320xi32, #tpu.memory_space<hbm>>
        tpu.wait_dma2 semaphore(%run_scoped3A : memref<!tpu.dma_semaphore, #tpu.memory_space<semaphore_mem>>) src(%dma_wait3A_53 : memref<320xi32, #tpu.memory_space<hbm>>) dst(%arg6 : memref<320xi32, #tpu.memory_space<vmem>>)
        tpu.yield
      }) : () -> ()
      %dma_start3A_22 = arith.constant 0 : i32
      %dma_start3A_23 = arith.constant 0 : i32
      %dma_start3A_24 = tpu.memref_slice %arg2[%dma_start3A_22, %dma_start3A_23] : memref<8192x128xf32, #tpu.memory_space<hbm>> -> memref<8192x128xf32, #tpu.memory_space<hbm>>
      tpu.enqueue_indirect_dma source(%dma_start3A_24 : memref<8192x128xf32, #tpu.memory_space<hbm>>) target(%arg8 : memref<320x128xf32, #tpu.memory_space<vmem>>) offsets(%arg6 : memref<320xi32, #tpu.memory_space<vmem>>) semaphore(%arg10 : memref<!tpu.dma_semaphore, #tpu.memory_space<semaphore_mem>>)
      %dma_wait3A = arith.constant 0 : i32
      %dma_wait3A_25 = arith.constant 0 : i32
      %dma_wait3A_26 = tpu.memref_slice %arg2[%dma_wait3A, %dma_wait3A_25] : memref<8192x128xf32, #tpu.memory_space<hbm>> -> memref<8192x128xf32, #tpu.memory_space<hbm>>
      tpu.wait_indirect_dma semaphore(%arg9 : memref<!tpu.dma_semaphore, #tpu.memory_space<semaphore_mem>>) src(%dma_wait3A_26 : memref<8192x128xf32, #tpu.memory_space<hbm>>) dst(%arg7 : memref<320x128xf32, #tpu.memory_space<vmem>>)
      %mul3A_27 = arith.constant 20 : i32
      %mul3A_28 = arith.muli %add3A_13, %mul3A_27 : i32
      %dma_start3A_29 = arith.constant 0 : i32
      %dma_start3A_30 = tpu.memref_slice %arg4[%mul3A_28, %dma_start3A_29] : memref<163840x128xf32, #tpu.memory_space<hbm>> -> memref<320x128xf32, #tpu.memory_space<hbm>>
      %dma_start3A_31 = arith.constant 0 : i32
      %dma_start3A_32 = tpu.memref_slice %arg4[%mul3A_28, %dma_start3A_31] : memref<163840x128xf32, #tpu.memory_space<hbm>> -> memref<320x128xf32, #tpu.memory_space<hbm>>
      tpu.enqueue_dma source(%arg7 : memref<320x128xf32, #tpu.memory_space<vmem>>) target(%dma_start3A_32 : memref<320x128xf32, #tpu.memory_space<hbm>>) target_semaphore(%arg11 : memref<!tpu.dma_semaphore, #tpu.memory_space<semaphore_mem>>)
      %dma_wait3A_33 = arith.constant 0 : i32
      %dma_wait3A_34 = arith.constant 0 : i32
      %dma_wait3A_35 = tpu.memref_slice %arg2[%dma_wait3A_33, %dma_wait3A_34] : memref<8192x128xf32, #tpu.memory_space<hbm>> -> memref<8192x128xf32, #tpu.memory_space<hbm>>
      tpu.wait_indirect_dma semaphore(%arg10 : memref<!tpu.dma_semaphore, #tpu.memory_space<semaphore_mem>>) src(%dma_wait3A_35 : memref<8192x128xf32, #tpu.memory_space<hbm>>) dst(%arg8 : memref<320x128xf32, #tpu.memory_space<vmem>>)
      %mul3A_36 = arith.constant 20 : i32
      %mul3A_37 = arith.muli %add3A_15, %mul3A_36 : i32
      %dma_start3A_38 = arith.constant 0 : i32
      %dma_start3A_39 = tpu.memref_slice %arg4[%mul3A_37, %dma_start3A_38] : memref<163840x128xf32, #tpu.memory_space<hbm>> -> memref<320x128xf32, #tpu.memory_space<hbm>>
      %dma_start3A_40 = arith.constant 0 : i32
      %dma_start3A_41 = tpu.memref_slice %arg4[%mul3A_37, %dma_start3A_40] : memref<163840x128xf32, #tpu.memory_space<hbm>> -> memref<320x128xf32, #tpu.memory_space<hbm>>
      tpu.enqueue_dma source(%arg8 : memref<320x128xf32, #tpu.memory_space<vmem>>) target(%dma_start3A_41 : memref<320x128xf32, #tpu.memory_space<hbm>>) target_semaphore(%arg12 : memref<!tpu.dma_semaphore, #tpu.memory_space<semaphore_mem>>)
      %dma_wait3A_42 = arith.constant 0 : i32
      %dma_wait3A_43 = tpu.memref_slice %arg4[%mul3A_28, %dma_wait3A_42] : memref<163840x128xf32, #tpu.memory_space<hbm>> -> memref<320x128xf32, #tpu.memory_space<hbm>>
      %dma_wait3A_44 = arith.constant 0 : i32
      %dma_wait3A_45 = tpu.memref_slice %arg4[%mul3A_28, %dma_wait3A_44] : memref<163840x128xf32, #tpu.memory_space<hbm>> -> memref<320x128xf32, #tpu.memory_space<hbm>>
      tpu.wait_dma2 semaphore(%arg11 : memref<!tpu.dma_semaphore, #tpu.memory_space<semaphore_mem>>) src(%arg7 : memref<320x128xf32, #tpu.memory_space<vmem>>) dst(%dma_wait3A_45 : memref<320x128xf32, #tpu.memory_space<hbm>>)
      %dma_wait3A_46 = arith.constant 0 : i32
      %dma_wait3A_47 = tpu.memref_slice %arg4[%mul3A_37, %dma_wait3A_46] : memref<163840x128xf32, #tpu.memory_space<hbm>> -> memref<320x128xf32, #tpu.memory_space<hbm>>
      %dma_wait3A_48 = arith.constant 0 : i32
      %dma_wait3A_49 = tpu.memref_slice %arg4[%mul3A_37, %dma_wait3A_48] : memref<163840x128xf32, #tpu.memory_space<hbm>> -> memref<320x128xf32, #tpu.memory_space<hbm>>
      tpu.wait_dma2 semaphore(%arg12 : memref<!tpu.dma_semaphore, #tpu.memory_space<semaphore_mem>>) src(%arg8 : memref<320x128xf32, #tpu.memory_space<vmem>>) dst(%dma_wait3A_49 : memref<320x128xf32, #tpu.memory_space<hbm>>)
    }
    %scan3A_5 = arith.constant 8 : i32
    return
  }
}

#map = affine_map<(d0, d1) -> (0, 0)>
#map1 = affine_map<(d0, d1) -> (0)>
module attributes {stable_mosaic.version = 14 : i64} {
  func.func @_sc_gather_body(%arg0: i32, %arg1: i32, %arg2: memref<8192x128xf32, #tpu.memory_space<hbm>>, %arg3: memref<163840xi32, #tpu.memory_space<hbm>>, %arg4: memref<163840x128xf32, #tpu.memory_space<hbm>>, %arg5: memref<320xi32, #tpu.memory_space<vmem>>, %arg6: memref<320xi32, #tpu.memory_space<vmem>>, %arg7: memref<320x128xf32, #tpu.memory_space<vmem>>, %arg8: memref<320x128xf32, #tpu.memory_space<vmem>>, %arg9: memref<!tpu.dma_semaphore, #tpu.memory_space<semaphore_mem>>, %arg10: memref<!tpu.dma_semaphore, #tpu.memory_space<semaphore_mem>>, %arg11: memref<!tpu.dma_semaphore, #tpu.memory_space<semaphore_mem>>, %arg12: memref<!tpu.dma_semaphore, #tpu.memory_space<semaphore_mem>>) attributes {dimension_semantics = [#tpu.dimension_semantics<core_parallel>, #tpu.dimension_semantics<subcore_parallel>], iteration_bounds = array<i64: 2, 16>, scalar_prefetch = 0 : i64, scratch_operands = 8 : i64, tpu.core_type = #tpu.core_type<sc_vector_subcore>, window_params = [{transform_indices = #map}, {transform_indices = #map1}, {transform_indices = #map}]} {
    %mul3A = arith.constant 2 : i32
    %mul3A_0 = arith.muli %arg1, %mul3A : i32
    %add3A = arith.addi %mul3A_0, %arg0 : i32
    %scan3A = arith.constant 0 : i32
    %scan3A_1 = arith.constant 0 : i32
    %scan3A_2 = arith.constant 8 : i32
    %scan3A_3 = arith.addi %scan3A_1, %scan3A_2 : i32
    %scan3A_4 = arith.constant 1 : i32
    scf.for %scan3A_6 = %scan3A_1 to %scan3A_3 step %scan3A_4  : i32 {
      %mul3A_7 = arith.constant 256 : i32
      %mul3A_8 = arith.muli %add3A, %mul3A_7 : i32
      %mul3A_9 = arith.constant 2 : i32
      %mul3A_10 = arith.muli %mul3A_9, %scan3A_6 : i32
      %mul3A_11 = arith.constant 16 : i32
      %mul3A_12 = arith.muli %mul3A_10, %mul3A_11 : i32
      %add3A_13 = arith.addi %mul3A_8, %mul3A_12 : i32
      %add3A_14 = arith.constant 16 : i32
      %add3A_15 = arith.addi %add3A_13, %add3A_14 : i32
      %mul3A_16 = arith.constant 20 : i32
      %mul3A_17 = arith.muli %add3A_13, %mul3A_16 : i32
      "tpu.region"() ({
        %run_scoped3A = tpu.sem_alloc : memref<!tpu.dma_semaphore, #tpu.memory_space<semaphore_mem>>
        %dma_start3A_50 = tpu.memref_slice %arg3[%mul3A_17] : memref<163840xi32, #tpu.memory_space<hbm>> -> memref<320xi32, #tpu.memory_space<hbm>>
        %dma_start3A_51 = tpu.memref_slice %arg3[%mul3A_17] : memref<163840xi32, #tpu.memory_space<hbm>> -> memref<320xi32, #tpu.memory_space<hbm>>
        tpu.enqueue_dma source(%dma_start3A_51 : memref<320xi32, #tpu.memory_space<hbm>>) target(%arg5 : memref<320xi32, #tpu.memory_space<vmem>>) target_semaphore(%run_scoped3A : memref<!tpu.dma_semaphore, #tpu.memory_space<semaphore_mem>>)
        %dma_wait3A_52 = tpu.memref_slice %arg3[%mul3A_17] : memref<163840xi32, #tpu.memory_space<hbm>> -> memref<320xi32, #tpu.memory_space<hbm>>
        %dma_wait3A_53 = tpu.memref_slice %arg3[%mul3A_17] : memref<163840xi32, #tpu.memory_space<hbm>> -> memref<320xi32, #tpu.memory_space<hbm>>
        tpu.wait_dma2 semaphore(%run_scoped3A : memref<!tpu.dma_semaphore, #tpu.memory_space<semaphore_mem>>) src(%dma_wait3A_53 : memref<320xi32, #tpu.memory_space<hbm>>) dst(%arg5 : memref<320xi32, #tpu.memory_space<vmem>>)
        tpu.yield
      }) : () -> ()
      %dma_start3A = arith.constant 0 : i32
      %dma_start3A_18 = arith.constant 0 : i32
      %dma_start3A_19 = tpu.memref_slice %arg2[%dma_start3A, %dma_start3A_18] : memref<8192x128xf32, #tpu.memory_space<hbm>> -> memref<8192x128xf32, #tpu.memory_space<hbm>>
      tpu.enqueue_indirect_dma source(%dma_start3A_19 : memref<8192x128xf32, #tpu.memory_space<hbm>>) target(%arg7 : memref<320x128xf32, #tpu.memory_space<vmem>>) offsets(%arg5 : memref<320xi32, #tpu.memory_space<vmem>>) semaphore(%arg9 : memref<!tpu.dma_semaphore, #tpu.memory_space<semaphore_mem>>)
      %mul3A_20 = arith.constant 20 : i32
      %mul3A_21 = arith.muli %add3A_15, %mul3A_20 : i32
      "tpu.region"() ({
        %run_scoped3A = tpu.sem_alloc : memref<!tpu.dma_semaphore, #tpu.memory_space<semaphore_mem>>
        %dma_start3A_50 = tpu.memref_slice %arg3[%mul3A_21] : memref<163840xi32, #tpu.memory_space<hbm>> -> memref<320xi32, #tpu.memory_space<hbm>>
        %dma_start3A_51 = tpu.memref_slice %arg3[%mul3A_21] : memref<163840xi32, #tpu.memory_space<hbm>> -> memref<320xi32, #tpu.memory_space<hbm>>
        tpu.enqueue_dma source(%dma_start3A_51 : memref<320xi32, #tpu.memory_space<hbm>>) target(%arg6 : memref<320xi32, #tpu.memory_space<vmem>>) target_semaphore(%run_scoped3A : memref<!tpu.dma_semaphore, #tpu.memory_space<semaphore_mem>>)
        %dma_wait3A_52 = tpu.memref_slice %arg3[%mul3A_21] : memref<163840xi32, #tpu.memory_space<hbm>> -> memref<320xi32, #tpu.memory_space<hbm>>
        %dma_wait3A_53 = tpu.memref_slice %arg3[%mul3A_21] : memref<163840xi32, #tpu.memory_space<hbm>> -> memref<320xi32, #tpu.memory_space<hbm>>
        tpu.wait_dma2 semaphore(%run_scoped3A : memref<!tpu.dma_semaphore, #tpu.memory_space<semaphore_mem>>) src(%dma_wait3A_53 : memref<320xi32, #tpu.memory_space<hbm>>) dst(%arg6 : memref<320xi32, #tpu.memory_space<vmem>>)
        tpu.yield
      }) : () -> ()
      %dma_start3A_22 = arith.constant 0 : i32
      %dma_start3A_23 = arith.constant 0 : i32
      %dma_start3A_24 = tpu.memref_slice %arg2[%dma_start3A_22, %dma_start3A_23] : memref<8192x128xf32, #tpu.memory_space<hbm>> -> memref<8192x128xf32, #tpu.memory_space<hbm>>
      tpu.enqueue_indirect_dma source(%dma_start3A_24 : memref<8192x128xf32, #tpu.memory_space<hbm>>) target(%arg8 : memref<320x128xf32, #tpu.memory_space<vmem>>) offsets(%arg6 : memref<320xi32, #tpu.memory_space<vmem>>) semaphore(%arg10 : memref<!tpu.dma_semaphore, #tpu.memory_space<semaphore_mem>>)
      %dma_wait3A = arith.constant 0 : i32
      %dma_wait3A_25 = arith.constant 0 : i32
      %dma_wait3A_26 = tpu.memref_slice %arg2[%dma_wait3A, %dma_wait3A_25] : memref<8192x128xf32, #tpu.memory_space<hbm>> -> memref<8192x128xf32, #tpu.memory_space<hbm>>
      tpu.wait_indirect_dma semaphore(%arg9 : memref<!tpu.dma_semaphore, #tpu.memory_space<semaphore_mem>>) src(%dma_wait3A_26 : memref<8192x128xf32, #tpu.memory_space<hbm>>) dst(%arg7 : memref<320x128xf32, #tpu.memory_space<vmem>>)
      %mul3A_27 = arith.constant 20 : i32
      %mul3A_28 = arith.muli %add3A_13, %mul3A_27 : i32
      %dma_start3A_29 = arith.constant 0 : i32
      %dma_start3A_30 = tpu.memref_slice %arg4[%mul3A_28, %dma_start3A_29] : memref<163840x128xf32, #tpu.memory_space<hbm>> -> memref<320x128xf32, #tpu.memory_space<hbm>>
      %dma_start3A_31 = arith.constant 0 : i32
      %dma_start3A_32 = tpu.memref_slice %arg4[%mul3A_28, %dma_start3A_31] : memref<163840x128xf32, #tpu.memory_space<hbm>> -> memref<320x128xf32, #tpu.memory_space<hbm>>
      tpu.enqueue_dma source(%arg7 : memref<320x128xf32, #tpu.memory_space<vmem>>) target(%dma_start3A_32 : memref<320x128xf32, #tpu.memory_space<hbm>>) target_semaphore(%arg11 : memref<!tpu.dma_semaphore, #tpu.memory_space<semaphore_mem>>)
      %dma_wait3A_33 = arith.constant 0 : i32
      %dma_wait3A_34 = arith.constant 0 : i32
      %dma_wait3A_35 = tpu.memref_slice %arg2[%dma_wait3A_33, %dma_wait3A_34] : memref<8192x128xf32, #tpu.memory_space<hbm>> -> memref<8192x128xf32, #tpu.memory_space<hbm>>
      tpu.wait_indirect_dma semaphore(%arg10 : memref<!tpu.dma_semaphore, #tpu.memory_space<semaphore_mem>>) src(%dma_wait3A_35 : memref<8192x128xf32, #tpu.memory_space<hbm>>) dst(%arg8 : memref<320x128xf32, #tpu.memory_space<vmem>>)
      %mul3A_36 = arith.constant 20 : i32
      %mul3A_37 = arith.muli %add3A_15, %mul3A_36 : i32
      %dma_start3A_38 = arith.constant 0 : i32
      %dma_start3A_39 = tpu.memref_slice %arg4[%mul3A_37, %dma_start3A_38] : memref<163840x128xf32, #tpu.memory_space<hbm>> -> memref<320x128xf32, #tpu.memory_space<hbm>>
      %dma_start3A_40 = arith.constant 0 : i32
      %dma_start3A_41 = tpu.memref_slice %arg4[%mul3A_37, %dma_start3A_40] : memref<163840x128xf32, #tpu.memory_space<hbm>> -> memref<320x128xf32, #tpu.memory_space<hbm>>
      tpu.enqueue_dma source(%arg8 : memref<320x128xf32, #tpu.memory_space<vmem>>) target(%dma_start3A_41 : memref<320x128xf32, #tpu.memory_space<hbm>>) target_semaphore(%arg12 : memref<!tpu.dma_semaphore, #tpu.memory_space<semaphore_mem>>)
      %dma_wait3A_42 = arith.constant 0 : i32
      %dma_wait3A_43 = tpu.memref_slice %arg4[%mul3A_28, %dma_wait3A_42] : memref<163840x128xf32, #tpu.memory_space<hbm>> -> memref<320x128xf32, #tpu.memory_space<hbm>>
      %dma_wait3A_44 = arith.constant 0 : i32
      %dma_wait3A_45 = tpu.memref_slice %arg4[%mul3A_28, %dma_wait3A_44] : memref<163840x128xf32, #tpu.memory_space<hbm>> -> memref<320x128xf32, #tpu.memory_space<hbm>>
      tpu.wait_dma2 semaphore(%arg11 : memref<!tpu.dma_semaphore, #tpu.memory_space<semaphore_mem>>) src(%arg7 : memref<320x128xf32, #tpu.memory_space<vmem>>) dst(%dma_wait3A_45 : memref<320x128xf32, #tpu.memory_space<hbm>>)
      %dma_wait3A_46 = arith.constant 0 : i32
      %dma_wait3A_47 = tpu.memref_slice %arg4[%mul3A_37, %dma_wait3A_46] : memref<163840x128xf32, #tpu.memory_space<hbm>> -> memref<320x128xf32, #tpu.memory_space<hbm>>
      %dma_wait3A_48 = arith.constant 0 : i32
      %dma_wait3A_49 = tpu.memref_slice %arg4[%mul3A_37, %dma_wait3A_48] : memref<163840x128xf32, #tpu.memory_space<hbm>> -> memref<320x128xf32, #tpu.memory_space<hbm>>
      tpu.wait_dma2 semaphore(%arg12 : memref<!tpu.dma_semaphore, #tpu.memory_space<semaphore_mem>>) src(%arg8 : memref<320x128xf32, #tpu.memory_space<vmem>>) dst(%dma_wait3A_49 : memref<320x128xf32, #tpu.memory_space<hbm>>)
    }
    %scan3A_5 = arith.constant 8 : i32
    return
  }
}

#map = affine_map<(d0, d1) -> (0, 0)>
#map1 = affine_map<(d0, d1) -> (0)>
module attributes {stable_mosaic.version = 14 : i64} {
  func.func @_sc_gather_body(%arg0: i32, %arg1: i32, %arg2: memref<8192x128xf32, #tpu.memory_space<hbm>>, %arg3: memref<163840xi32, #tpu.memory_space<hbm>>, %arg4: memref<163840x128xf32, #tpu.memory_space<hbm>>, %arg5: memref<320xi32, #tpu.memory_space<vmem>>, %arg6: memref<320xi32, #tpu.memory_space<vmem>>, %arg7: memref<320x128xf32, #tpu.memory_space<vmem>>, %arg8: memref<320x128xf32, #tpu.memory_space<vmem>>, %arg9: memref<!tpu.dma_semaphore, #tpu.memory_space<semaphore_mem>>, %arg10: memref<!tpu.dma_semaphore, #tpu.memory_space<semaphore_mem>>, %arg11: memref<!tpu.dma_semaphore, #tpu.memory_space<semaphore_mem>>, %arg12: memref<!tpu.dma_semaphore, #tpu.memory_space<semaphore_mem>>) attributes {dimension_semantics = [#tpu.dimension_semantics<core_parallel>, #tpu.dimension_semantics<subcore_parallel>], iteration_bounds = array<i64: 2, 16>, scalar_prefetch = 0 : i64, scratch_operands = 8 : i64, tpu.core_type = #tpu.core_type<sc_vector_subcore>, window_params = [{transform_indices = #map}, {transform_indices = #map1}, {transform_indices = #map}]} {
    %mul3A = arith.constant 2 : i32
    %mul3A_0 = arith.muli %arg1, %mul3A : i32
    %add3A = arith.addi %mul3A_0, %arg0 : i32
    %scan3A = arith.constant 0 : i32
    %scan3A_1 = arith.constant 0 : i32
    %scan3A_2 = arith.constant 8 : i32
    %scan3A_3 = arith.addi %scan3A_1, %scan3A_2 : i32
    %scan3A_4 = arith.constant 1 : i32
    scf.for %scan3A_6 = %scan3A_1 to %scan3A_3 step %scan3A_4  : i32 {
      %mul3A_7 = arith.constant 256 : i32
      %mul3A_8 = arith.muli %add3A, %mul3A_7 : i32
      %mul3A_9 = arith.constant 2 : i32
      %mul3A_10 = arith.muli %mul3A_9, %scan3A_6 : i32
      %mul3A_11 = arith.constant 16 : i32
      %mul3A_12 = arith.muli %mul3A_10, %mul3A_11 : i32
      %add3A_13 = arith.addi %mul3A_8, %mul3A_12 : i32
      %add3A_14 = arith.constant 16 : i32
      %add3A_15 = arith.addi %add3A_13, %add3A_14 : i32
      %mul3A_16 = arith.constant 20 : i32
      %mul3A_17 = arith.muli %add3A_13, %mul3A_16 : i32
      "tpu.region"() ({
        %run_scoped3A = tpu.sem_alloc : memref<!tpu.dma_semaphore, #tpu.memory_space<semaphore_mem>>
        %dma_start3A_50 = tpu.memref_slice %arg3[%mul3A_17] : memref<163840xi32, #tpu.memory_space<hbm>> -> memref<320xi32, #tpu.memory_space<hbm>>
        %dma_start3A_51 = tpu.memref_slice %arg3[%mul3A_17] : memref<163840xi32, #tpu.memory_space<hbm>> -> memref<320xi32, #tpu.memory_space<hbm>>
        tpu.enqueue_dma source(%dma_start3A_51 : memref<320xi32, #tpu.memory_space<hbm>>) target(%arg5 : memref<320xi32, #tpu.memory_space<vmem>>) target_semaphore(%run_scoped3A : memref<!tpu.dma_semaphore, #tpu.memory_space<semaphore_mem>>)
        %dma_wait3A_52 = tpu.memref_slice %arg3[%mul3A_17] : memref<163840xi32, #tpu.memory_space<hbm>> -> memref<320xi32, #tpu.memory_space<hbm>>
        %dma_wait3A_53 = tpu.memref_slice %arg3[%mul3A_17] : memref<163840xi32, #tpu.memory_space<hbm>> -> memref<320xi32, #tpu.memory_space<hbm>>
        tpu.wait_dma2 semaphore(%run_scoped3A : memref<!tpu.dma_semaphore, #tpu.memory_space<semaphore_mem>>) src(%dma_wait3A_53 : memref<320xi32, #tpu.memory_space<hbm>>) dst(%arg5 : memref<320xi32, #tpu.memory_space<vmem>>)
        tpu.yield
      }) : () -> ()
      %dma_start3A = arith.constant 0 : i32
      %dma_start3A_18 = arith.constant 0 : i32
      %dma_start3A_19 = tpu.memref_slice %arg2[%dma_start3A, %dma_start3A_18] : memref<8192x128xf32, #tpu.memory_space<hbm>> -> memref<8192x128xf32, #tpu.memory_space<hbm>>
      tpu.enqueue_indirect_dma source(%dma_start3A_19 : memref<8192x128xf32, #tpu.memory_space<hbm>>) target(%arg7 : memref<320x128xf32, #tpu.memory_space<vmem>>) offsets(%arg5 : memref<320xi32, #tpu.memory_space<vmem>>) semaphore(%arg9 : memref<!tpu.dma_semaphore, #tpu.memory_space<semaphore_mem>>)
      %mul3A_20 = arith.constant 20 : i32
      %mul3A_21 = arith.muli %add3A_15, %mul3A_20 : i32
      "tpu.region"() ({
        %run_scoped3A = tpu.sem_alloc : memref<!tpu.dma_semaphore, #tpu.memory_space<semaphore_mem>>
        %dma_start3A_50 = tpu.memref_slice %arg3[%mul3A_21] : memref<163840xi32, #tpu.memory_space<hbm>> -> memref<320xi32, #tpu.memory_space<hbm>>
        %dma_start3A_51 = tpu.memref_slice %arg3[%mul3A_21] : memref<163840xi32, #tpu.memory_space<hbm>> -> memref<320xi32, #tpu.memory_space<hbm>>
        tpu.enqueue_dma source(%dma_start3A_51 : memref<320xi32, #tpu.memory_space<hbm>>) target(%arg6 : memref<320xi32, #tpu.memory_space<vmem>>) target_semaphore(%run_scoped3A : memref<!tpu.dma_semaphore, #tpu.memory_space<semaphore_mem>>)
        %dma_wait3A_52 = tpu.memref_slice %arg3[%mul3A_21] : memref<163840xi32, #tpu.memory_space<hbm>> -> memref<320xi32, #tpu.memory_space<hbm>>
        %dma_wait3A_53 = tpu.memref_slice %arg3[%mul3A_21] : memref<163840xi32, #tpu.memory_space<hbm>> -> memref<320xi32, #tpu.memory_space<hbm>>
        tpu.wait_dma2 semaphore(%run_scoped3A : memref<!tpu.dma_semaphore, #tpu.memory_space<semaphore_mem>>) src(%dma_wait3A_53 : memref<320xi32, #tpu.memory_space<hbm>>) dst(%arg6 : memref<320xi32, #tpu.memory_space<vmem>>)
        tpu.yield
      }) : () -> ()
      %dma_start3A_22 = arith.constant 0 : i32
      %dma_start3A_23 = arith.constant 0 : i32
      %dma_start3A_24 = tpu.memref_slice %arg2[%dma_start3A_22, %dma_start3A_23] : memref<8192x128xf32, #tpu.memory_space<hbm>> -> memref<8192x128xf32, #tpu.memory_space<hbm>>
      tpu.enqueue_indirect_dma source(%dma_start3A_24 : memref<8192x128xf32, #tpu.memory_space<hbm>>) target(%arg8 : memref<320x128xf32, #tpu.memory_space<vmem>>) offsets(%arg6 : memref<320xi32, #tpu.memory_space<vmem>>) semaphore(%arg10 : memref<!tpu.dma_semaphore, #tpu.memory_space<semaphore_mem>>)
      %dma_wait3A = arith.constant 0 : i32
      %dma_wait3A_25 = arith.constant 0 : i32
      %dma_wait3A_26 = tpu.memref_slice %arg2[%dma_wait3A, %dma_wait3A_25] : memref<8192x128xf32, #tpu.memory_space<hbm>> -> memref<8192x128xf32, #tpu.memory_space<hbm>>
      tpu.wait_indirect_dma semaphore(%arg9 : memref<!tpu.dma_semaphore, #tpu.memory_space<semaphore_mem>>) src(%dma_wait3A_26 : memref<8192x128xf32, #tpu.memory_space<hbm>>) dst(%arg7 : memref<320x128xf32, #tpu.memory_space<vmem>>)
      %mul3A_27 = arith.constant 20 : i32
      %mul3A_28 = arith.muli %add3A_13, %mul3A_27 : i32
      %dma_start3A_29 = arith.constant 0 : i32
      %dma_start3A_30 = tpu.memref_slice %arg4[%mul3A_28, %dma_start3A_29] : memref<163840x128xf32, #tpu.memory_space<hbm>> -> memref<320x128xf32, #tpu.memory_space<hbm>>
      %dma_start3A_31 = arith.constant 0 : i32
      %dma_start3A_32 = tpu.memref_slice %arg4[%mul3A_28, %dma_start3A_31] : memref<163840x128xf32, #tpu.memory_space<hbm>> -> memref<320x128xf32, #tpu.memory_space<hbm>>
      tpu.enqueue_dma source(%arg7 : memref<320x128xf32, #tpu.memory_space<vmem>>) target(%dma_start3A_32 : memref<320x128xf32, #tpu.memory_space<hbm>>) target_semaphore(%arg11 : memref<!tpu.dma_semaphore, #tpu.memory_space<semaphore_mem>>)
      %dma_wait3A_33 = arith.constant 0 : i32
      %dma_wait3A_34 = arith.constant 0 : i32
      %dma_wait3A_35 = tpu.memref_slice %arg2[%dma_wait3A_33, %dma_wait3A_34] : memref<8192x128xf32, #tpu.memory_space<hbm>> -> memref<8192x128xf32, #tpu.memory_space<hbm>>
      tpu.wait_indirect_dma semaphore(%arg10 : memref<!tpu.dma_semaphore, #tpu.memory_space<semaphore_mem>>) src(%dma_wait3A_35 : memref<8192x128xf32, #tpu.memory_space<hbm>>) dst(%arg8 : memref<320x128xf32, #tpu.memory_space<vmem>>)
      %mul3A_36 = arith.constant 20 : i32
      %mul3A_37 = arith.muli %add3A_15, %mul3A_36 : i32
      %dma_start3A_38 = arith.constant 0 : i32
      %dma_start3A_39 = tpu.memref_slice %arg4[%mul3A_37, %dma_start3A_38] : memref<163840x128xf32, #tpu.memory_space<hbm>> -> memref<320x128xf32, #tpu.memory_space<hbm>>
      %dma_start3A_40 = arith.constant 0 : i32
      %dma_start3A_41 = tpu.memref_slice %arg4[%mul3A_37, %dma_start3A_40] : memref<163840x128xf32, #tpu.memory_space<hbm>> -> memref<320x128xf32, #tpu.memory_space<hbm>>
      tpu.enqueue_dma source(%arg8 : memref<320x128xf32, #tpu.memory_space<vmem>>) target(%dma_start3A_41 : memref<320x128xf32, #tpu.memory_space<hbm>>) target_semaphore(%arg12 : memref<!tpu.dma_semaphore, #tpu.memory_space<semaphore_mem>>)
      %dma_wait3A_42 = arith.constant 0 : i32
      %dma_wait3A_43 = tpu.memref_slice %arg4[%mul3A_28, %dma_wait3A_42] : memref<163840x128xf32, #tpu.memory_space<hbm>> -> memref<320x128xf32, #tpu.memory_space<hbm>>
      %dma_wait3A_44 = arith.constant 0 : i32
      %dma_wait3A_45 = tpu.memref_slice %arg4[%mul3A_28, %dma_wait3A_44] : memref<163840x128xf32, #tpu.memory_space<hbm>> -> memref<320x128xf32, #tpu.memory_space<hbm>>
      tpu.wait_dma2 semaphore(%arg11 : memref<!tpu.dma_semaphore, #tpu.memory_space<semaphore_mem>>) src(%arg7 : memref<320x128xf32, #tpu.memory_space<vmem>>) dst(%dma_wait3A_45 : memref<320x128xf32, #tpu.memory_space<hbm>>)
      %dma_wait3A_46 = arith.constant 0 : i32
      %dma_wait3A_47 = tpu.memref_slice %arg4[%mul3A_37, %dma_wait3A_46] : memref<163840x128xf32, #tpu.memory_space<hbm>> -> memref<320x128xf32, #tpu.memory_space<hbm>>
      %dma_wait3A_48 = arith.constant 0 : i32
      %dma_wait3A_49 = tpu.memref_slice %arg4[%mul3A_37, %dma_wait3A_48] : memref<163840x128xf32, #tpu.memory_space<hbm>> -> memref<320x128xf32, #tpu.memory_space<hbm>>
      tpu.wait_dma2 semaphore(%arg12 : memref<!tpu.dma_semaphore, #tpu.memory_space<semaphore_mem>>) src(%arg8 : memref<320x128xf32, #tpu.memory_space<vmem>>) dst(%dma_wait3A_49 : memref<320x128xf32, #tpu.memory_space<hbm>>)
    }
    %scan3A_5 = arith.constant 8 : i32
    return
  }
}

#map = affine_map<(d0, d1) -> (0, 0)>
#map1 = affine_map<(d0, d1) -> (0)>
module attributes {stable_mosaic.version = 14 : i64} {
  func.func @_sc_gather_body(%arg0: i32, %arg1: i32, %arg2: memref<8192x128xf32, #tpu.memory_space<hbm>>, %arg3: memref<163840xi32, #tpu.memory_space<hbm>>, %arg4: memref<163840x128xf32, #tpu.memory_space<hbm>>, %arg5: memref<320xi32, #tpu.memory_space<vmem>>, %arg6: memref<320xi32, #tpu.memory_space<vmem>>, %arg7: memref<320x128xf32, #tpu.memory_space<vmem>>, %arg8: memref<320x128xf32, #tpu.memory_space<vmem>>, %arg9: memref<!tpu.dma_semaphore, #tpu.memory_space<semaphore_mem>>, %arg10: memref<!tpu.dma_semaphore, #tpu.memory_space<semaphore_mem>>, %arg11: memref<!tpu.dma_semaphore, #tpu.memory_space<semaphore_mem>>, %arg12: memref<!tpu.dma_semaphore, #tpu.memory_space<semaphore_mem>>) attributes {dimension_semantics = [#tpu.dimension_semantics<core_parallel>, #tpu.dimension_semantics<subcore_parallel>], iteration_bounds = array<i64: 2, 16>, scalar_prefetch = 0 : i64, scratch_operands = 8 : i64, tpu.core_type = #tpu.core_type<sc_vector_subcore>, window_params = [{transform_indices = #map}, {transform_indices = #map1}, {transform_indices = #map}]} {
    %mul3A = arith.constant 2 : i32
    %mul3A_0 = arith.muli %arg1, %mul3A : i32
    %add3A = arith.addi %mul3A_0, %arg0 : i32
    %scan3A = arith.constant 0 : i32
    %scan3A_1 = arith.constant 0 : i32
    %scan3A_2 = arith.constant 8 : i32
    %scan3A_3 = arith.addi %scan3A_1, %scan3A_2 : i32
    %scan3A_4 = arith.constant 1 : i32
    scf.for %scan3A_6 = %scan3A_1 to %scan3A_3 step %scan3A_4  : i32 {
      %mul3A_7 = arith.constant 256 : i32
      %mul3A_8 = arith.muli %add3A, %mul3A_7 : i32
      %mul3A_9 = arith.constant 2 : i32
      %mul3A_10 = arith.muli %mul3A_9, %scan3A_6 : i32
      %mul3A_11 = arith.constant 16 : i32
      %mul3A_12 = arith.muli %mul3A_10, %mul3A_11 : i32
      %add3A_13 = arith.addi %mul3A_8, %mul3A_12 : i32
      %add3A_14 = arith.constant 16 : i32
      %add3A_15 = arith.addi %add3A_13, %add3A_14 : i32
      %mul3A_16 = arith.constant 20 : i32
      %mul3A_17 = arith.muli %add3A_13, %mul3A_16 : i32
      "tpu.region"() ({
        %run_scoped3A = tpu.sem_alloc : memref<!tpu.dma_semaphore, #tpu.memory_space<semaphore_mem>>
        %dma_start3A_50 = tpu.memref_slice %arg3[%mul3A_17] : memref<163840xi32, #tpu.memory_space<hbm>> -> memref<320xi32, #tpu.memory_space<hbm>>
        %dma_start3A_51 = tpu.memref_slice %arg3[%mul3A_17] : memref<163840xi32, #tpu.memory_space<hbm>> -> memref<320xi32, #tpu.memory_space<hbm>>
        tpu.enqueue_dma source(%dma_start3A_51 : memref<320xi32, #tpu.memory_space<hbm>>) target(%arg5 : memref<320xi32, #tpu.memory_space<vmem>>) target_semaphore(%run_scoped3A : memref<!tpu.dma_semaphore, #tpu.memory_space<semaphore_mem>>)
        %dma_wait3A_52 = tpu.memref_slice %arg3[%mul3A_17] : memref<163840xi32, #tpu.memory_space<hbm>> -> memref<320xi32, #tpu.memory_space<hbm>>
        %dma_wait3A_53 = tpu.memref_slice %arg3[%mul3A_17] : memref<163840xi32, #tpu.memory_space<hbm>> -> memref<320xi32, #tpu.memory_space<hbm>>
        tpu.wait_dma2 semaphore(%run_scoped3A : memref<!tpu.dma_semaphore, #tpu.memory_space<semaphore_mem>>) src(%dma_wait3A_53 : memref<320xi32, #tpu.memory_space<hbm>>) dst(%arg5 : memref<320xi32, #tpu.memory_space<vmem>>)
        tpu.yield
      }) : () -> ()
      %dma_start3A = arith.constant 0 : i32
      %dma_start3A_18 = arith.constant 0 : i32
      %dma_start3A_19 = tpu.memref_slice %arg2[%dma_start3A, %dma_start3A_18] : memref<8192x128xf32, #tpu.memory_space<hbm>> -> memref<8192x128xf32, #tpu.memory_space<hbm>>
      tpu.enqueue_indirect_dma source(%dma_start3A_19 : memref<8192x128xf32, #tpu.memory_space<hbm>>) target(%arg7 : memref<320x128xf32, #tpu.memory_space<vmem>>) offsets(%arg5 : memref<320xi32, #tpu.memory_space<vmem>>) semaphore(%arg9 : memref<!tpu.dma_semaphore, #tpu.memory_space<semaphore_mem>>)
      %mul3A_20 = arith.constant 20 : i32
      %mul3A_21 = arith.muli %add3A_15, %mul3A_20 : i32
      "tpu.region"() ({
        %run_scoped3A = tpu.sem_alloc : memref<!tpu.dma_semaphore, #tpu.memory_space<semaphore_mem>>
        %dma_start3A_50 = tpu.memref_slice %arg3[%mul3A_21] : memref<163840xi32, #tpu.memory_space<hbm>> -> memref<320xi32, #tpu.memory_space<hbm>>
        %dma_start3A_51 = tpu.memref_slice %arg3[%mul3A_21] : memref<163840xi32, #tpu.memory_space<hbm>> -> memref<320xi32, #tpu.memory_space<hbm>>
        tpu.enqueue_dma source(%dma_start3A_51 : memref<320xi32, #tpu.memory_space<hbm>>) target(%arg6 : memref<320xi32, #tpu.memory_space<vmem>>) target_semaphore(%run_scoped3A : memref<!tpu.dma_semaphore, #tpu.memory_space<semaphore_mem>>)
        %dma_wait3A_52 = tpu.memref_slice %arg3[%mul3A_21] : memref<163840xi32, #tpu.memory_space<hbm>> -> memref<320xi32, #tpu.memory_space<hbm>>
        %dma_wait3A_53 = tpu.memref_slice %arg3[%mul3A_21] : memref<163840xi32, #tpu.memory_space<hbm>> -> memref<320xi32, #tpu.memory_space<hbm>>
        tpu.wait_dma2 semaphore(%run_scoped3A : memref<!tpu.dma_semaphore, #tpu.memory_space<semaphore_mem>>) src(%dma_wait3A_53 : memref<320xi32, #tpu.memory_space<hbm>>) dst(%arg6 : memref<320xi32, #tpu.memory_space<vmem>>)
        tpu.yield
      }) : () -> ()
      %dma_start3A_22 = arith.constant 0 : i32
      %dma_start3A_23 = arith.constant 0 : i32
      %dma_start3A_24 = tpu.memref_slice %arg2[%dma_start3A_22, %dma_start3A_23] : memref<8192x128xf32, #tpu.memory_space<hbm>> -> memref<8192x128xf32, #tpu.memory_space<hbm>>
      tpu.enqueue_indirect_dma source(%dma_start3A_24 : memref<8192x128xf32, #tpu.memory_space<hbm>>) target(%arg8 : memref<320x128xf32, #tpu.memory_space<vmem>>) offsets(%arg6 : memref<320xi32, #tpu.memory_space<vmem>>) semaphore(%arg10 : memref<!tpu.dma_semaphore, #tpu.memory_space<semaphore_mem>>)
      %dma_wait3A = arith.constant 0 : i32
      %dma_wait3A_25 = arith.constant 0 : i32
      %dma_wait3A_26 = tpu.memref_slice %arg2[%dma_wait3A, %dma_wait3A_25] : memref<8192x128xf32, #tpu.memory_space<hbm>> -> memref<8192x128xf32, #tpu.memory_space<hbm>>
      tpu.wait_indirect_dma semaphore(%arg9 : memref<!tpu.dma_semaphore, #tpu.memory_space<semaphore_mem>>) src(%dma_wait3A_26 : memref<8192x128xf32, #tpu.memory_space<hbm>>) dst(%arg7 : memref<320x128xf32, #tpu.memory_space<vmem>>)
      %mul3A_27 = arith.constant 20 : i32
      %mul3A_28 = arith.muli %add3A_13, %mul3A_27 : i32
      %dma_start3A_29 = arith.constant 0 : i32
      %dma_start3A_30 = tpu.memref_slice %arg4[%mul3A_28, %dma_start3A_29] : memref<163840x128xf32, #tpu.memory_space<hbm>> -> memref<320x128xf32, #tpu.memory_space<hbm>>
      %dma_start3A_31 = arith.constant 0 : i32
      %dma_start3A_32 = tpu.memref_slice %arg4[%mul3A_28, %dma_start3A_31] : memref<163840x128xf32, #tpu.memory_space<hbm>> -> memref<320x128xf32, #tpu.memory_space<hbm>>
      tpu.enqueue_dma source(%arg7 : memref<320x128xf32, #tpu.memory_space<vmem>>) target(%dma_start3A_32 : memref<320x128xf32, #tpu.memory_space<hbm>>) target_semaphore(%arg11 : memref<!tpu.dma_semaphore, #tpu.memory_space<semaphore_mem>>)
      %dma_wait3A_33 = arith.constant 0 : i32
      %dma_wait3A_34 = arith.constant 0 : i32
      %dma_wait3A_35 = tpu.memref_slice %arg2[%dma_wait3A_33, %dma_wait3A_34] : memref<8192x128xf32, #tpu.memory_space<hbm>> -> memref<8192x128xf32, #tpu.memory_space<hbm>>
      tpu.wait_indirect_dma semaphore(%arg10 : memref<!tpu.dma_semaphore, #tpu.memory_space<semaphore_mem>>) src(%dma_wait3A_35 : memref<8192x128xf32, #tpu.memory_space<hbm>>) dst(%arg8 : memref<320x128xf32, #tpu.memory_space<vmem>>)
      %mul3A_36 = arith.constant 20 : i32
      %mul3A_37 = arith.muli %add3A_15, %mul3A_36 : i32
      %dma_start3A_38 = arith.constant 0 : i32
      %dma_start3A_39 = tpu.memref_slice %arg4[%mul3A_37, %dma_start3A_38] : memref<163840x128xf32, #tpu.memory_space<hbm>> -> memref<320x128xf32, #tpu.memory_space<hbm>>
      %dma_start3A_40 = arith.constant 0 : i32
      %dma_start3A_41 = tpu.memref_slice %arg4[%mul3A_37, %dma_start3A_40] : memref<163840x128xf32, #tpu.memory_space<hbm>> -> memref<320x128xf32, #tpu.memory_space<hbm>>
      tpu.enqueue_dma source(%arg8 : memref<320x128xf32, #tpu.memory_space<vmem>>) target(%dma_start3A_41 : memref<320x128xf32, #tpu.memory_space<hbm>>) target_semaphore(%arg12 : memref<!tpu.dma_semaphore, #tpu.memory_space<semaphore_mem>>)
      %dma_wait3A_42 = arith.constant 0 : i32
      %dma_wait3A_43 = tpu.memref_slice %arg4[%mul3A_28, %dma_wait3A_42] : memref<163840x128xf32, #tpu.memory_space<hbm>> -> memref<320x128xf32, #tpu.memory_space<hbm>>
      %dma_wait3A_44 = arith.constant 0 : i32
      %dma_wait3A_45 = tpu.memref_slice %arg4[%mul3A_28, %dma_wait3A_44] : memref<163840x128xf32, #tpu.memory_space<hbm>> -> memref<320x128xf32, #tpu.memory_space<hbm>>
      tpu.wait_dma2 semaphore(%arg11 : memref<!tpu.dma_semaphore, #tpu.memory_space<semaphore_mem>>) src(%arg7 : memref<320x128xf32, #tpu.memory_space<vmem>>) dst(%dma_wait3A_45 : memref<320x128xf32, #tpu.memory_space<hbm>>)
      %dma_wait3A_46 = arith.constant 0 : i32
      %dma_wait3A_47 = tpu.memref_slice %arg4[%mul3A_37, %dma_wait3A_46] : memref<163840x128xf32, #tpu.memory_space<hbm>> -> memref<320x128xf32, #tpu.memory_space<hbm>>
      %dma_wait3A_48 = arith.constant 0 : i32
      %dma_wait3A_49 = tpu.memref_slice %arg4[%mul3A_37, %dma_wait3A_48] : memref<163840x128xf32, #tpu.memory_space<hbm>> -> memref<320x128xf32, #tpu.memory_space<hbm>>
      tpu.wait_dma2 semaphore(%arg12 : memref<!tpu.dma_semaphore, #tpu.memory_space<semaphore_mem>>) src(%arg8 : memref<320x128xf32, #tpu.memory_space<vmem>>) dst(%dma_wait3A_49 : memref<320x128xf32, #tpu.memory_space<hbm>>)
    }
    %scan3A_5 = arith.constant 8 : i32
    return
  }
}

#map = affine_map<(d0, d1) -> (0, 0)>
#map1 = affine_map<(d0, d1) -> (0)>
module attributes {stable_mosaic.version = 14 : i64} {
  func.func @_sc_gather_body(%arg0: i32, %arg1: i32, %arg2: memref<8192x128xf32, #tpu.memory_space<hbm>>, %arg3: memref<163840xi32, #tpu.memory_space<hbm>>, %arg4: memref<163840x128xf32, #tpu.memory_space<hbm>>, %arg5: memref<320xi32, #tpu.memory_space<vmem>>, %arg6: memref<320xi32, #tpu.memory_space<vmem>>, %arg7: memref<320x128xf32, #tpu.memory_space<vmem>>, %arg8: memref<320x128xf32, #tpu.memory_space<vmem>>, %arg9: memref<!tpu.dma_semaphore, #tpu.memory_space<semaphore_mem>>, %arg10: memref<!tpu.dma_semaphore, #tpu.memory_space<semaphore_mem>>, %arg11: memref<!tpu.dma_semaphore, #tpu.memory_space<semaphore_mem>>, %arg12: memref<!tpu.dma_semaphore, #tpu.memory_space<semaphore_mem>>) attributes {dimension_semantics = [#tpu.dimension_semantics<core_parallel>, #tpu.dimension_semantics<subcore_parallel>], iteration_bounds = array<i64: 2, 16>, scalar_prefetch = 0 : i64, scratch_operands = 8 : i64, tpu.core_type = #tpu.core_type<sc_vector_subcore>, window_params = [{transform_indices = #map}, {transform_indices = #map1}, {transform_indices = #map}]} {
    %mul3A = arith.constant 2 : i32
    %mul3A_0 = arith.muli %arg1, %mul3A : i32
    %add3A = arith.addi %mul3A_0, %arg0 : i32
    %scan3A = arith.constant 0 : i32
    %scan3A_1 = arith.constant 0 : i32
    %scan3A_2 = arith.constant 8 : i32
    %scan3A_3 = arith.addi %scan3A_1, %scan3A_2 : i32
    %scan3A_4 = arith.constant 1 : i32
    scf.for %scan3A_6 = %scan3A_1 to %scan3A_3 step %scan3A_4  : i32 {
      %mul3A_7 = arith.constant 256 : i32
      %mul3A_8 = arith.muli %add3A, %mul3A_7 : i32
      %mul3A_9 = arith.constant 2 : i32
      %mul3A_10 = arith.muli %mul3A_9, %scan3A_6 : i32
      %mul3A_11 = arith.constant 16 : i32
      %mul3A_12 = arith.muli %mul3A_10, %mul3A_11 : i32
      %add3A_13 = arith.addi %mul3A_8, %mul3A_12 : i32
      %add3A_14 = arith.constant 16 : i32
      %add3A_15 = arith.addi %add3A_13, %add3A_14 : i32
      %mul3A_16 = arith.constant 20 : i32
      %mul3A_17 = arith.muli %add3A_13, %mul3A_16 : i32
      "tpu.region"() ({
        %run_scoped3A = tpu.sem_alloc : memref<!tpu.dma_semaphore, #tpu.memory_space<semaphore_mem>>
        %dma_start3A_50 = tpu.memref_slice %arg3[%mul3A_17] : memref<163840xi32, #tpu.memory_space<hbm>> -> memref<320xi32, #tpu.memory_space<hbm>>
        %dma_start3A_51 = tpu.memref_slice %arg3[%mul3A_17] : memref<163840xi32, #tpu.memory_space<hbm>> -> memref<320xi32, #tpu.memory_space<hbm>>
        tpu.enqueue_dma source(%dma_start3A_51 : memref<320xi32, #tpu.memory_space<hbm>>) target(%arg5 : memref<320xi32, #tpu.memory_space<vmem>>) target_semaphore(%run_scoped3A : memref<!tpu.dma_semaphore, #tpu.memory_space<semaphore_mem>>)
        %dma_wait3A_52 = tpu.memref_slice %arg3[%mul3A_17] : memref<163840xi32, #tpu.memory_space<hbm>> -> memref<320xi32, #tpu.memory_space<hbm>>
        %dma_wait3A_53 = tpu.memref_slice %arg3[%mul3A_17] : memref<163840xi32, #tpu.memory_space<hbm>> -> memref<320xi32, #tpu.memory_space<hbm>>
        tpu.wait_dma2 semaphore(%run_scoped3A : memref<!tpu.dma_semaphore, #tpu.memory_space<semaphore_mem>>) src(%dma_wait3A_53 : memref<320xi32, #tpu.memory_space<hbm>>) dst(%arg5 : memref<320xi32, #tpu.memory_space<vmem>>)
        tpu.yield
      }) : () -> ()
      %dma_start3A = arith.constant 0 : i32
      %dma_start3A_18 = arith.constant 0 : i32
      %dma_start3A_19 = tpu.memref_slice %arg2[%dma_start3A, %dma_start3A_18] : memref<8192x128xf32, #tpu.memory_space<hbm>> -> memref<8192x128xf32, #tpu.memory_space<hbm>>
      tpu.enqueue_indirect_dma source(%dma_start3A_19 : memref<8192x128xf32, #tpu.memory_space<hbm>>) target(%arg7 : memref<320x128xf32, #tpu.memory_space<vmem>>) offsets(%arg5 : memref<320xi32, #tpu.memory_space<vmem>>) semaphore(%arg9 : memref<!tpu.dma_semaphore, #tpu.memory_space<semaphore_mem>>)
      %mul3A_20 = arith.constant 20 : i32
      %mul3A_21 = arith.muli %add3A_15, %mul3A_20 : i32
      "tpu.region"() ({
        %run_scoped3A = tpu.sem_alloc : memref<!tpu.dma_semaphore, #tpu.memory_space<semaphore_mem>>
        %dma_start3A_50 = tpu.memref_slice %arg3[%mul3A_21] : memref<163840xi32, #tpu.memory_space<hbm>> -> memref<320xi32, #tpu.memory_space<hbm>>
        %dma_start3A_51 = tpu.memref_slice %arg3[%mul3A_21] : memref<163840xi32, #tpu.memory_space<hbm>> -> memref<320xi32, #tpu.memory_space<hbm>>
        tpu.enqueue_dma source(%dma_start3A_51 : memref<320xi32, #tpu.memory_space<hbm>>) target(%arg6 : memref<320xi32, #tpu.memory_space<vmem>>) target_semaphore(%run_scoped3A : memref<!tpu.dma_semaphore, #tpu.memory_space<semaphore_mem>>)
        %dma_wait3A_52 = tpu.memref_slice %arg3[%mul3A_21] : memref<163840xi32, #tpu.memory_space<hbm>> -> memref<320xi32, #tpu.memory_space<hbm>>
        %dma_wait3A_53 = tpu.memref_slice %arg3[%mul3A_21] : memref<163840xi32, #tpu.memory_space<hbm>> -> memref<320xi32, #tpu.memory_space<hbm>>
        tpu.wait_dma2 semaphore(%run_scoped3A : memref<!tpu.dma_semaphore, #tpu.memory_space<semaphore_mem>>) src(%dma_wait3A_53 : memref<320xi32, #tpu.memory_space<hbm>>) dst(%arg6 : memref<320xi32, #tpu.memory_space<vmem>>)
        tpu.yield
      }) : () -> ()
      %dma_start3A_22 = arith.constant 0 : i32
      %dma_start3A_23 = arith.constant 0 : i32
      %dma_start3A_24 = tpu.memref_slice %arg2[%dma_start3A_22, %dma_start3A_23] : memref<8192x128xf32, #tpu.memory_space<hbm>> -> memref<8192x128xf32, #tpu.memory_space<hbm>>
      tpu.enqueue_indirect_dma source(%dma_start3A_24 : memref<8192x128xf32, #tpu.memory_space<hbm>>) target(%arg8 : memref<320x128xf32, #tpu.memory_space<vmem>>) offsets(%arg6 : memref<320xi32, #tpu.memory_space<vmem>>) semaphore(%arg10 : memref<!tpu.dma_semaphore, #tpu.memory_space<semaphore_mem>>)
      %dma_wait3A = arith.constant 0 : i32
      %dma_wait3A_25 = arith.constant 0 : i32
      %dma_wait3A_26 = tpu.memref_slice %arg2[%dma_wait3A, %dma_wait3A_25] : memref<8192x128xf32, #tpu.memory_space<hbm>> -> memref<8192x128xf32, #tpu.memory_space<hbm>>
      tpu.wait_indirect_dma semaphore(%arg9 : memref<!tpu.dma_semaphore, #tpu.memory_space<semaphore_mem>>) src(%dma_wait3A_26 : memref<8192x128xf32, #tpu.memory_space<hbm>>) dst(%arg7 : memref<320x128xf32, #tpu.memory_space<vmem>>)
      %mul3A_27 = arith.constant 20 : i32
      %mul3A_28 = arith.muli %add3A_13, %mul3A_27 : i32
      %dma_start3A_29 = arith.constant 0 : i32
      %dma_start3A_30 = tpu.memref_slice %arg4[%mul3A_28, %dma_start3A_29] : memref<163840x128xf32, #tpu.memory_space<hbm>> -> memref<320x128xf32, #tpu.memory_space<hbm>>
      %dma_start3A_31 = arith.constant 0 : i32
      %dma_start3A_32 = tpu.memref_slice %arg4[%mul3A_28, %dma_start3A_31] : memref<163840x128xf32, #tpu.memory_space<hbm>> -> memref<320x128xf32, #tpu.memory_space<hbm>>
      tpu.enqueue_dma source(%arg7 : memref<320x128xf32, #tpu.memory_space<vmem>>) target(%dma_start3A_32 : memref<320x128xf32, #tpu.memory_space<hbm>>) target_semaphore(%arg11 : memref<!tpu.dma_semaphore, #tpu.memory_space<semaphore_mem>>)
      %dma_wait3A_33 = arith.constant 0 : i32
      %dma_wait3A_34 = arith.constant 0 : i32
      %dma_wait3A_35 = tpu.memref_slice %arg2[%dma_wait3A_33, %dma_wait3A_34] : memref<8192x128xf32, #tpu.memory_space<hbm>> -> memref<8192x128xf32, #tpu.memory_space<hbm>>
      tpu.wait_indirect_dma semaphore(%arg10 : memref<!tpu.dma_semaphore, #tpu.memory_space<semaphore_mem>>) src(%dma_wait3A_35 : memref<8192x128xf32, #tpu.memory_space<hbm>>) dst(%arg8 : memref<320x128xf32, #tpu.memory_space<vmem>>)
      %mul3A_36 = arith.constant 20 : i32
      %mul3A_37 = arith.muli %add3A_15, %mul3A_36 : i32
      %dma_start3A_38 = arith.constant 0 : i32
      %dma_start3A_39 = tpu.memref_slice %arg4[%mul3A_37, %dma_start3A_38] : memref<163840x128xf32, #tpu.memory_space<hbm>> -> memref<320x128xf32, #tpu.memory_space<hbm>>
      %dma_start3A_40 = arith.constant 0 : i32
      %dma_start3A_41 = tpu.memref_slice %arg4[%mul3A_37, %dma_start3A_40] : memref<163840x128xf32, #tpu.memory_space<hbm>> -> memref<320x128xf32, #tpu.memory_space<hbm>>
      tpu.enqueue_dma source(%arg8 : memref<320x128xf32, #tpu.memory_space<vmem>>) target(%dma_start3A_41 : memref<320x128xf32, #tpu.memory_space<hbm>>) target_semaphore(%arg12 : memref<!tpu.dma_semaphore, #tpu.memory_space<semaphore_mem>>)
      %dma_wait3A_42 = arith.constant 0 : i32
      %dma_wait3A_43 = tpu.memref_slice %arg4[%mul3A_28, %dma_wait3A_42] : memref<163840x128xf32, #tpu.memory_space<hbm>> -> memref<320x128xf32, #tpu.memory_space<hbm>>
      %dma_wait3A_44 = arith.constant 0 : i32
      %dma_wait3A_45 = tpu.memref_slice %arg4[%mul3A_28, %dma_wait3A_44] : memref<163840x128xf32, #tpu.memory_space<hbm>> -> memref<320x128xf32, #tpu.memory_space<hbm>>
      tpu.wait_dma2 semaphore(%arg11 : memref<!tpu.dma_semaphore, #tpu.memory_space<semaphore_mem>>) src(%arg7 : memref<320x128xf32, #tpu.memory_space<vmem>>) dst(%dma_wait3A_45 : memref<320x128xf32, #tpu.memory_space<hbm>>)
      %dma_wait3A_46 = arith.constant 0 : i32
      %dma_wait3A_47 = tpu.memref_slice %arg4[%mul3A_37, %dma_wait3A_46] : memref<163840x128xf32, #tpu.memory_space<hbm>> -> memref<320x128xf32, #tpu.memory_space<hbm>>
      %dma_wait3A_48 = arith.constant 0 : i32
      %dma_wait3A_49 = tpu.memref_slice %arg4[%mul3A_37, %dma_wait3A_48] : memref<163840x128xf32, #tpu.memory_space<hbm>> -> memref<320x128xf32, #tpu.memory_space<hbm>>
      tpu.wait_dma2 semaphore(%arg12 : memref<!tpu.dma_semaphore, #tpu.memory_space<semaphore_mem>>) src(%arg8 : memref<320x128xf32, #tpu.memory_space<vmem>>) dst(%dma_wait3A_49 : memref<320x128xf32, #tpu.memory_space<hbm>>)
    }
    %scan3A_5 = arith.constant 8 : i32
    return
  }
}

#map = affine_map<(d0, d1) -> (0, 0)>
#map1 = affine_map<(d0, d1) -> (0)>
module attributes {stable_mosaic.version = 14 : i64} {
  func.func @_sc_gather_body(%arg0: i32, %arg1: i32, %arg2: memref<8192x128xf32, #tpu.memory_space<hbm>>, %arg3: memref<163840xi32, #tpu.memory_space<hbm>>, %arg4: memref<163840x128xf32, #tpu.memory_space<hbm>>, %arg5: memref<320xi32, #tpu.memory_space<vmem>>, %arg6: memref<320xi32, #tpu.memory_space<vmem>>, %arg7: memref<320x128xf32, #tpu.memory_space<vmem>>, %arg8: memref<320x128xf32, #tpu.memory_space<vmem>>, %arg9: memref<!tpu.dma_semaphore, #tpu.memory_space<semaphore_mem>>, %arg10: memref<!tpu.dma_semaphore, #tpu.memory_space<semaphore_mem>>, %arg11: memref<!tpu.dma_semaphore, #tpu.memory_space<semaphore_mem>>, %arg12: memref<!tpu.dma_semaphore, #tpu.memory_space<semaphore_mem>>) attributes {dimension_semantics = [#tpu.dimension_semantics<core_parallel>, #tpu.dimension_semantics<subcore_parallel>], iteration_bounds = array<i64: 2, 16>, scalar_prefetch = 0 : i64, scratch_operands = 8 : i64, tpu.core_type = #tpu.core_type<sc_vector_subcore>, window_params = [{transform_indices = #map}, {transform_indices = #map1}, {transform_indices = #map}]} {
    %mul3A = arith.constant 2 : i32
    %mul3A_0 = arith.muli %arg1, %mul3A : i32
    %add3A = arith.addi %mul3A_0, %arg0 : i32
    %scan3A = arith.constant 0 : i32
    %scan3A_1 = arith.constant 0 : i32
    %scan3A_2 = arith.constant 8 : i32
    %scan3A_3 = arith.addi %scan3A_1, %scan3A_2 : i32
    %scan3A_4 = arith.constant 1 : i32
    scf.for %scan3A_6 = %scan3A_1 to %scan3A_3 step %scan3A_4  : i32 {
      %mul3A_7 = arith.constant 256 : i32
      %mul3A_8 = arith.muli %add3A, %mul3A_7 : i32
      %mul3A_9 = arith.constant 2 : i32
      %mul3A_10 = arith.muli %mul3A_9, %scan3A_6 : i32
      %mul3A_11 = arith.constant 16 : i32
      %mul3A_12 = arith.muli %mul3A_10, %mul3A_11 : i32
      %add3A_13 = arith.addi %mul3A_8, %mul3A_12 : i32
      %add3A_14 = arith.constant 16 : i32
      %add3A_15 = arith.addi %add3A_13, %add3A_14 : i32
      %mul3A_16 = arith.constant 20 : i32
      %mul3A_17 = arith.muli %add3A_13, %mul3A_16 : i32
      "tpu.region"() ({
        %run_scoped3A = tpu.sem_alloc : memref<!tpu.dma_semaphore, #tpu.memory_space<semaphore_mem>>
        %dma_start3A_50 = tpu.memref_slice %arg3[%mul3A_17] : memref<163840xi32, #tpu.memory_space<hbm>> -> memref<320xi32, #tpu.memory_space<hbm>>
        %dma_start3A_51 = tpu.memref_slice %arg3[%mul3A_17] : memref<163840xi32, #tpu.memory_space<hbm>> -> memref<320xi32, #tpu.memory_space<hbm>>
        tpu.enqueue_dma source(%dma_start3A_51 : memref<320xi32, #tpu.memory_space<hbm>>) target(%arg5 : memref<320xi32, #tpu.memory_space<vmem>>) target_semaphore(%run_scoped3A : memref<!tpu.dma_semaphore, #tpu.memory_space<semaphore_mem>>)
        %dma_wait3A_52 = tpu.memref_slice %arg3[%mul3A_17] : memref<163840xi32, #tpu.memory_space<hbm>> -> memref<320xi32, #tpu.memory_space<hbm>>
        %dma_wait3A_53 = tpu.memref_slice %arg3[%mul3A_17] : memref<163840xi32, #tpu.memory_space<hbm>> -> memref<320xi32, #tpu.memory_space<hbm>>
        tpu.wait_dma2 semaphore(%run_scoped3A : memref<!tpu.dma_semaphore, #tpu.memory_space<semaphore_mem>>) src(%dma_wait3A_53 : memref<320xi32, #tpu.memory_space<hbm>>) dst(%arg5 : memref<320xi32, #tpu.memory_space<vmem>>)
        tpu.yield
      }) : () -> ()
      %dma_start3A = arith.constant 0 : i32
      %dma_start3A_18 = arith.constant 0 : i32
      %dma_start3A_19 = tpu.memref_slice %arg2[%dma_start3A, %dma_start3A_18] : memref<8192x128xf32, #tpu.memory_space<hbm>> -> memref<8192x128xf32, #tpu.memory_space<hbm>>
      tpu.enqueue_indirect_dma source(%dma_start3A_19 : memref<8192x128xf32, #tpu.memory_space<hbm>>) target(%arg7 : memref<320x128xf32, #tpu.memory_space<vmem>>) offsets(%arg5 : memref<320xi32, #tpu.memory_space<vmem>>) semaphore(%arg9 : memref<!tpu.dma_semaphore, #tpu.memory_space<semaphore_mem>>)
      %mul3A_20 = arith.constant 20 : i32
      %mul3A_21 = arith.muli %add3A_15, %mul3A_20 : i32
      "tpu.region"() ({
        %run_scoped3A = tpu.sem_alloc : memref<!tpu.dma_semaphore, #tpu.memory_space<semaphore_mem>>
        %dma_start3A_50 = tpu.memref_slice %arg3[%mul3A_21] : memref<163840xi32, #tpu.memory_space<hbm>> -> memref<320xi32, #tpu.memory_space<hbm>>
        %dma_start3A_51 = tpu.memref_slice %arg3[%mul3A_21] : memref<163840xi32, #tpu.memory_space<hbm>> -> memref<320xi32, #tpu.memory_space<hbm>>
        tpu.enqueue_dma source(%dma_start3A_51 : memref<320xi32, #tpu.memory_space<hbm>>) target(%arg6 : memref<320xi32, #tpu.memory_space<vmem>>) target_semaphore(%run_scoped3A : memref<!tpu.dma_semaphore, #tpu.memory_space<semaphore_mem>>)
        %dma_wait3A_52 = tpu.memref_slice %arg3[%mul3A_21] : memref<163840xi32, #tpu.memory_space<hbm>> -> memref<320xi32, #tpu.memory_space<hbm>>
        %dma_wait3A_53 = tpu.memref_slice %arg3[%mul3A_21] : memref<163840xi32, #tpu.memory_space<hbm>> -> memref<320xi32, #tpu.memory_space<hbm>>
        tpu.wait_dma2 semaphore(%run_scoped3A : memref<!tpu.dma_semaphore, #tpu.memory_space<semaphore_mem>>) src(%dma_wait3A_53 : memref<320xi32, #tpu.memory_space<hbm>>) dst(%arg6 : memref<320xi32, #tpu.memory_space<vmem>>)
        tpu.yield
      }) : () -> ()
      %dma_start3A_22 = arith.constant 0 : i32
      %dma_start3A_23 = arith.constant 0 : i32
      %dma_start3A_24 = tpu.memref_slice %arg2[%dma_start3A_22, %dma_start3A_23] : memref<8192x128xf32, #tpu.memory_space<hbm>> -> memref<8192x128xf32, #tpu.memory_space<hbm>>
      tpu.enqueue_indirect_dma source(%dma_start3A_24 : memref<8192x128xf32, #tpu.memory_space<hbm>>) target(%arg8 : memref<320x128xf32, #tpu.memory_space<vmem>>) offsets(%arg6 : memref<320xi32, #tpu.memory_space<vmem>>) semaphore(%arg10 : memref<!tpu.dma_semaphore, #tpu.memory_space<semaphore_mem>>)
      %dma_wait3A = arith.constant 0 : i32
      %dma_wait3A_25 = arith.constant 0 : i32
      %dma_wait3A_26 = tpu.memref_slice %arg2[%dma_wait3A, %dma_wait3A_25] : memref<8192x128xf32, #tpu.memory_space<hbm>> -> memref<8192x128xf32, #tpu.memory_space<hbm>>
      tpu.wait_indirect_dma semaphore(%arg9 : memref<!tpu.dma_semaphore, #tpu.memory_space<semaphore_mem>>) src(%dma_wait3A_26 : memref<8192x128xf32, #tpu.memory_space<hbm>>) dst(%arg7 : memref<320x128xf32, #tpu.memory_space<vmem>>)
      %mul3A_27 = arith.constant 20 : i32
      %mul3A_28 = arith.muli %add3A_13, %mul3A_27 : i32
      %dma_start3A_29 = arith.constant 0 : i32
      %dma_start3A_30 = tpu.memref_slice %arg4[%mul3A_28, %dma_start3A_29] : memref<163840x128xf32, #tpu.memory_space<hbm>> -> memref<320x128xf32, #tpu.memory_space<hbm>>
      %dma_start3A_31 = arith.constant 0 : i32
      %dma_start3A_32 = tpu.memref_slice %arg4[%mul3A_28, %dma_start3A_31] : memref<163840x128xf32, #tpu.memory_space<hbm>> -> memref<320x128xf32, #tpu.memory_space<hbm>>
      tpu.enqueue_dma source(%arg7 : memref<320x128xf32, #tpu.memory_space<vmem>>) target(%dma_start3A_32 : memref<320x128xf32, #tpu.memory_space<hbm>>) target_semaphore(%arg11 : memref<!tpu.dma_semaphore, #tpu.memory_space<semaphore_mem>>)
      %dma_wait3A_33 = arith.constant 0 : i32
      %dma_wait3A_34 = arith.constant 0 : i32
      %dma_wait3A_35 = tpu.memref_slice %arg2[%dma_wait3A_33, %dma_wait3A_34] : memref<8192x128xf32, #tpu.memory_space<hbm>> -> memref<8192x128xf32, #tpu.memory_space<hbm>>
      tpu.wait_indirect_dma semaphore(%arg10 : memref<!tpu.dma_semaphore, #tpu.memory_space<semaphore_mem>>) src(%dma_wait3A_35 : memref<8192x128xf32, #tpu.memory_space<hbm>>) dst(%arg8 : memref<320x128xf32, #tpu.memory_space<vmem>>)
      %mul3A_36 = arith.constant 20 : i32
      %mul3A_37 = arith.muli %add3A_15, %mul3A_36 : i32
      %dma_start3A_38 = arith.constant 0 : i32
      %dma_start3A_39 = tpu.memref_slice %arg4[%mul3A_37, %dma_start3A_38] : memref<163840x128xf32, #tpu.memory_space<hbm>> -> memref<320x128xf32, #tpu.memory_space<hbm>>
      %dma_start3A_40 = arith.constant 0 : i32
      %dma_start3A_41 = tpu.memref_slice %arg4[%mul3A_37, %dma_start3A_40] : memref<163840x128xf32, #tpu.memory_space<hbm>> -> memref<320x128xf32, #tpu.memory_space<hbm>>
      tpu.enqueue_dma source(%arg8 : memref<320x128xf32, #tpu.memory_space<vmem>>) target(%dma_start3A_41 : memref<320x128xf32, #tpu.memory_space<hbm>>) target_semaphore(%arg12 : memref<!tpu.dma_semaphore, #tpu.memory_space<semaphore_mem>>)
      %dma_wait3A_42 = arith.constant 0 : i32
      %dma_wait3A_43 = tpu.memref_slice %arg4[%mul3A_28, %dma_wait3A_42] : memref<163840x128xf32, #tpu.memory_space<hbm>> -> memref<320x128xf32, #tpu.memory_space<hbm>>
      %dma_wait3A_44 = arith.constant 0 : i32
      %dma_wait3A_45 = tpu.memref_slice %arg4[%mul3A_28, %dma_wait3A_44] : memref<163840x128xf32, #tpu.memory_space<hbm>> -> memref<320x128xf32, #tpu.memory_space<hbm>>
      tpu.wait_dma2 semaphore(%arg11 : memref<!tpu.dma_semaphore, #tpu.memory_space<semaphore_mem>>) src(%arg7 : memref<320x128xf32, #tpu.memory_space<vmem>>) dst(%dma_wait3A_45 : memref<320x128xf32, #tpu.memory_space<hbm>>)
      %dma_wait3A_46 = arith.constant 0 : i32
      %dma_wait3A_47 = tpu.memref_slice %arg4[%mul3A_37, %dma_wait3A_46] : memref<163840x128xf32, #tpu.memory_space<hbm>> -> memref<320x128xf32, #tpu.memory_space<hbm>>
      %dma_wait3A_48 = arith.constant 0 : i32
      %dma_wait3A_49 = tpu.memref_slice %arg4[%mul3A_37, %dma_wait3A_48] : memref<163840x128xf32, #tpu.memory_space<hbm>> -> memref<320x128xf32, #tpu.memory_space<hbm>>
      tpu.wait_dma2 semaphore(%arg12 : memref<!tpu.dma_semaphore, #tpu.memory_space<semaphore_mem>>) src(%arg8 : memref<320x128xf32, #tpu.memory_space<vmem>>) dst(%dma_wait3A_49 : memref<320x128xf32, #tpu.memory_space<hbm>>)
    }
    %scan3A_5 = arith.constant 8 : i32
    return
  }
}

module attributes {stable_mosaic.version = 14 : i64} {
  func.func @_stage_a_body(%arg0: i32, %arg1: i32, %arg2: memref<1x2048x128xf32, #tpu.memory_space<vmem>>, %arg3: memref<1x1x2048xf32, #tpu.memory_space<vmem>>, %arg4: memref<1x256x20xi32, #tpu.memory_space<vmem>>) attributes {dimension_semantics = [#tpu.dimension_semantics<arbitrary>, #tpu.dimension_semantics<arbitrary>], iteration_bounds = array<i64: 4, 8>, scalar_prefetch = 0 : i64, scratch_operands = 0 : i64, tpu.core_type = #tpu.core_type<tc>, window_params = [{transform_indices = @transform_0, window_bounds = array<i64: 1, 2048, 128>}, {transform_indices = @transform_1, window_bounds = array<i64: 1, 1, 2048>}, {transform_indices = @transform_2, window_bounds = array<i64: 1, 256, 20>}]} {
    %get3A = arith.constant 0 : index
    %get3A_0 = arith.constant 0 : index
    %get3A_1 = arith.constant 0 : index
    %get3A_2 = vector.load %arg2[%get3A, %get3A_0, %get3A_1] : memref<1x2048x128xf32, #tpu.memory_space<vmem>>, vector<1x2048x128xf32>
    %get3A_3 = vector.shape_cast %get3A_2 : vector<1x2048x128xf32> to vector<2048x128xf32>
    %mul3A = arith.constant 256 : i32
    %mul3A_4 = arith.muli %arg1, %mul3A : i32
    %get3A_5 = arith.constant 0 : index
    %get3A_6 = arith.index_cast %mul3A_4 : i32 to index
    %get3A_7 = arith.constant 0 : index
    %get3A_8 = vector.load %arg2[%get3A_5, %get3A_6, %get3A_7] : memref<1x2048x128xf32, #tpu.memory_space<vmem>>, vector<1x256x128xf32>
    %get3A_9 = vector.shape_cast %get3A_8 : vector<1x256x128xf32> to vector<256x128xf32>
    %dot_general3A = arith.constant dense<0.000000e+00> : vector<256x2048xf32>
    %dot_general3A_10 = tpu.matmul %get3A_9, %get3A_3, %dot_general3A {dimension_numbers = #tpu.dot_dimension_numbers<[1], [1], [0], [0], [0, 0, 1, 0], [], []>, transpose_lhs_hint = false} : vector<256x128xf32>, vector<2048x128xf32>, vector<256x2048xf32> -> vector<256x2048xf32>
    %get3A_11 = arith.constant 0 : index
    %get3A_12 = arith.constant 0 : index
    %get3A_13 = arith.constant 0 : index
    %get3A_14 = vector.load %arg3[%get3A_11, %get3A_12, %get3A_13] : memref<1x1x2048xf32, #tpu.memory_space<vmem>>, vector<1x1x2048xf32>
    %get3A_15 = vector.shape_cast %get3A_14 : vector<1x1x2048xf32> to vector<2048xf32>
    %mul3A_16 = arith.constant 256 : i32
    %mul3A_17 = arith.muli %arg1, %mul3A_16 : i32
    %get3A_18 = arith.constant 0 : index
    %get3A_19 = arith.constant 0 : index
    %get3A_20 = arith.index_cast %mul3A_17 : i32 to index
    %get3A_21 = vector.load %arg3[%get3A_18, %get3A_19, %get3A_20] : memref<1x1x2048xf32, #tpu.memory_space<vmem>>, vector<1x1x256xf32>
    %get3A_22 = vector.shape_cast %get3A_21 : vector<1x1x256xf32> to vector<256xf32>
    %mul3A_23 = arith.constant -2.000000e+00 : f32
    %mul3A_24 = vector.broadcast %mul3A_23 : f32 to vector<256x2048xf32>
    %mul3A_25 = arith.mulf %mul3A_24, %dot_general3A_10 : vector<256x2048xf32>
    %broadcast_in_dim3A = vector.shape_cast %get3A_22 : vector<256xf32> to vector<256x1xf32>
    %sub3A = arith.constant 0.000000e+00 : f32
    %sub3A_26 = vector.broadcast %sub3A : f32 to vector<256x1xf32>
    %sub3A_27 = arith.subf %sub3A_26, %broadcast_in_dim3A : vector<256x1xf32>
    %sub3A_28 = vector.broadcast %sub3A_27 : vector<256x1xf32> to vector<256x2048xf32>
    %sub3A_29 = arith.subf %sub3A_28, %mul3A_25 : vector<256x2048xf32>
    %broadcast_in_dim3A_30 = vector.shape_cast %get3A_15 : vector<2048xf32> to vector<1x2048xf32>
    %sub3A_31 = vector.broadcast %broadcast_in_dim3A_30 : vector<1x2048xf32> to vector<256x2048xf32>
    %sub3A_32 = arith.subf %sub3A_29, %sub3A_31 : vector<256x2048xf32>
    %iota3A = tpu.iota {dimensions = array<i32: 1>} : vector<256x2048xi32>
    %reduce_max3A = arith.constant dense<0xFF800000> : vector<256xf32>
    %reduce_max3A_33 = vector.multi_reduction <maximumf>, %sub3A_32, %reduce_max3A [1] : vector<256x2048xf32> to vector<256xf32>
    %broadcast_in_dim3A_34 = vector.shape_cast %reduce_max3A_33 : vector<256xf32> to vector<256x1xf32>
    %eq3A = vector.broadcast %broadcast_in_dim3A_34 : vector<256x1xf32> to vector<256x2048xf32>
    %eq3A_35 = arith.cmpf oeq, %sub3A_32, %eq3A : vector<256x2048xf32>
    %jit3A = arith.constant 2048 : i32
    %broadcast_in_dim3A_36 = vector.broadcast %jit3A : i32 to vector<256x2048xi32>
    %select_n3A = arith.select %eq3A_35, %iota3A, %broadcast_in_dim3A_36 : vector<256x2048xi1>, vector<256x2048xi32>
    %reduce_min3A = arith.constant dense<2147483647> : vector<256xi32>
    %reduce_min3A_37 = vector.multi_reduction <minsi>, %select_n3A, %reduce_min3A [1] : vector<256x2048xi32> to vector<256xi32>
    %broadcast_in_dim3A_38 = vector.shape_cast %reduce_min3A_37 : vector<256xi32> to vector<256x1xi32>
    %eq3A_39 = vector.broadcast %broadcast_in_dim3A_38 : vector<256x1xi32> to vector<256x2048xi32>
    %eq3A_40 = arith.cmpi eq, %iota3A, %eq3A_39 : vector<256x2048xi32>
    %jit3A_41 = arith.constant 0xFF800000 : f32
    %broadcast_in_dim3A_42 = vector.broadcast %jit3A_41 : f32 to vector<256x2048xf32>
    %select_n3A_43 = arith.select %eq3A_40, %broadcast_in_dim3A_42, %sub3A_32 : vector<256x2048xi1>, vector<256x2048xf32>
    %reduce_max3A_44 = arith.constant dense<0xFF800000> : vector<256xf32>
    %reduce_max3A_45 = vector.multi_reduction <maximumf>, %select_n3A_43, %reduce_max3A_44 [1] : vector<256x2048xf32> to vector<256xf32>
    %broadcast_in_dim3A_46 = vector.shape_cast %reduce_max3A_45 : vector<256xf32> to vector<256x1xf32>
    %eq3A_47 = vector.broadcast %broadcast_in_dim3A_46 : vector<256x1xf32> to vector<256x2048xf32>
    %eq3A_48 = arith.cmpf oeq, %select_n3A_43, %eq3A_47 : vector<256x2048xf32>
    %jit3A_49 = arith.constant 2048 : i32
    %broadcast_in_dim3A_50 = vector.broadcast %jit3A_49 : i32 to vector<256x2048xi32>
    %select_n3A_51 = arith.select %eq3A_48, %iota3A, %broadcast_in_dim3A_50 : vector<256x2048xi1>, vector<256x2048xi32>
    %reduce_min3A_52 = arith.constant dense<2147483647> : vector<256xi32>
    %reduce_min3A_53 = vector.multi_reduction <minsi>, %select_n3A_51, %reduce_min3A_52 [1] : vector<256x2048xi32> to vector<256xi32>
    %broadcast_in_dim3A_54 = vector.shape_cast %reduce_min3A_53 : vector<256xi32> to vector<256x1xi32>
    %eq3A_55 = vector.broadcast %broadcast_in_dim3A_54 : vector<256x1xi32> to vector<256x2048xi32>
    %eq3A_56 = arith.cmpi eq, %iota3A, %eq3A_55 : vector<256x2048xi32>
    %jit3A_57 = arith.constant 0xFF800000 : f32
    %broadcast_in_dim3A_58 = vector.broadcast %jit3A_57 : f32 to vector<256x2048xf32>
    %select_n3A_59 = arith.select %eq3A_56, %broadcast_in_dim3A_58, %select_n3A_43 : vector<256x2048xi1>, vector<256x2048xf32>
    %reduce_max3A_60 = arith.constant dense<0xFF800000> : vector<256xf32>
    %reduce_max3A_61 = vector.multi_reduction <maximumf>, %select_n3A_59, %reduce_max3A_60 [1] : vector<256x2048xf32> to vector<256xf32>
    %broadcast_in_dim3A_62 = vector.shape_cast %reduce_max3A_61 : vector<256xf32> to vector<256x1xf32>
    %eq3A_63 = vector.broadcast %broadcast_in_dim3A_62 : vector<256x1xf32> to vector<256x2048xf32>
    %eq3A_64 = arith.cmpf oeq, %select_n3A_59, %eq3A_63 : vector<256x2048xf32>
    %jit3A_65 = arith.constant 2048 : i32
    %broadcast_in_dim3A_66 = vector.broadcast %jit3A_65 : i32 to vector<256x2048xi32>
    %select_n3A_67 = arith.select %eq3A_64, %iota3A, %broadcast_in_dim3A_66 : vector<256x2048xi1>, vector<256x2048xi32>
    %reduce_min3A_68 = arith.constant dense<2147483647> : vector<256xi32>
    %reduce_min3A_69 = vector.multi_reduction <minsi>, %select_n3A_67, %reduce_min3A_68 [1] : vector<256x2048xi32> to vector<256xi32>
    %broadcast_in_dim3A_70 = vector.shape_cast %reduce_min3A_69 : vector<256xi32> to vector<256x1xi32>
    %eq3A_71 = vector.broadcast %broadcast_in_dim3A_70 : vector<256x1xi32> to vector<256x2048xi32>
    %eq3A_72 = arith.cmpi eq, %iota3A, %eq3A_71 : vector<256x2048xi32>
    %jit3A_73 = arith.constant 0xFF800000 : f32
    %broadcast_in_dim3A_74 = vector.broadcast %jit3A_73 : f32 to vector<256x2048xf32>
    %select_n3A_75 = arith.select %eq3A_72, %broadcast_in_dim3A_74, %select_n3A_59 : vector<256x2048xi1>, vector<256x2048xf32>
    %reduce_max3A_76 = arith.constant dense<0xFF800000> : vector<256xf32>
    %reduce_max3A_77 = vector.multi_reduction <maximumf>, %select_n3A_75, %reduce_max3A_76 [1] : vector<256x2048xf32> to vector<256xf32>
    %broadcast_in_dim3A_78 = vector.shape_cast %reduce_max3A_77 : vector<256xf32> to vector<256x1xf32>
    %eq3A_79 = vector.broadcast %broadcast_in_dim3A_78 : vector<256x1xf32> to vector<256x2048xf32>
    %eq3A_80 = arith.cmpf oeq, %select_n3A_75, %eq3A_79 : vector<256x2048xf32>
    %jit3A_81 = arith.constant 2048 : i32
    %broadcast_in_dim3A_82 = vector.broadcast %jit3A_81 : i32 to vector<256x2048xi32>
    %select_n3A_83 = arith.select %eq3A_80, %iota3A, %broadcast_in_dim3A_82 : vector<256x2048xi1>, vector<256x2048xi32>
    %reduce_min3A_84 = arith.constant dense<2147483647> : vector<256xi32>
    %reduce_min3A_85 = vector.multi_reduction <minsi>, %select_n3A_83, %reduce_min3A_84 [1] : vector<256x2048xi32> to vector<256xi32>
    %broadcast_in_dim3A_86 = vector.shape_cast %reduce_min3A_85 : vector<256xi32> to vector<256x1xi32>
    %eq3A_87 = vector.broadcast %broadcast_in_dim3A_86 : vector<256x1xi32> to vector<256x2048xi32>
    %eq3A_88 = arith.cmpi eq, %iota3A, %eq3A_87 : vector<256x2048xi32>
    %jit3A_89 = arith.constant 0xFF800000 : f32
    %broadcast_in_dim3A_90 = vector.broadcast %jit3A_89 : f32 to vector<256x2048xf32>
    %select_n3A_91 = arith.select %eq3A_88, %broadcast_in_dim3A_90, %select_n3A_75 : vector<256x2048xi1>, vector<256x2048xf32>
    %reduce_max3A_92 = arith.constant dense<0xFF800000> : vector<256xf32>
    %reduce_max3A_93 = vector.multi_reduction <maximumf>, %select_n3A_91, %reduce_max3A_92 [1] : vector<256x2048xf32> to vector<256xf32>
    %broadcast_in_dim3A_94 = vector.shape_cast %reduce_max3A_93 : vector<256xf32> to vector<256x1xf32>
    %eq3A_95 = vector.broadcast %broadcast_in_dim3A_94 : vector<256x1xf32> to vector<256x2048xf32>
    %eq3A_96 = arith.cmpf oeq, %select_n3A_91, %eq3A_95 : vector<256x2048xf32>
    %jit3A_97 = arith.constant 2048 : i32
    %broadcast_in_dim3A_98 = vector.broadcast %jit3A_97 : i32 to vector<256x2048xi32>
    %select_n3A_99 = arith.select %eq3A_96, %iota3A, %broadcast_in_dim3A_98 : vector<256x2048xi1>, vector<256x2048xi32>
    %reduce_min3A_100 = arith.constant dense<2147483647> : vector<256xi32>
    %reduce_min3A_101 = vector.multi_reduction <minsi>, %select_n3A_99, %reduce_min3A_100 [1] : vector<256x2048xi32> to vector<256xi32>
    %broadcast_in_dim3A_102 = vector.shape_cast %reduce_min3A_101 : vector<256xi32> to vector<256x1xi32>
    %eq3A_103 = vector.broadcast %broadcast_in_dim3A_102 : vector<256x1xi32> to vector<256x2048xi32>
    %eq3A_104 = arith.cmpi eq, %iota3A, %eq3A_103 : vector<256x2048xi32>
    %jit3A_105 = arith.constant 0xFF800000 : f32
    %broadcast_in_dim3A_106 = vector.broadcast %jit3A_105 : f32 to vector<256x2048xf32>
    %select_n3A_107 = arith.select %eq3A_104, %broadcast_in_dim3A_106, %select_n3A_91 : vector<256x2048xi1>, vector<256x2048xf32>
    %reduce_max3A_108 = arith.constant dense<0xFF800000> : vector<256xf32>
    %reduce_max3A_109 = vector.multi_reduction <maximumf>, %select_n3A_107, %reduce_max3A_108 [1] : vector<256x2048xf32> to vector<256xf32>
    %broadcast_in_dim3A_110 = vector.shape_cast %reduce_max3A_109 : vector<256xf32> to vector<256x1xf32>
    %eq3A_111 = vector.broadcast %broadcast_in_dim3A_110 : vector<256x1xf32> to vector<256x2048xf32>
    %eq3A_112 = arith.cmpf oeq, %select_n3A_107, %eq3A_111 : vector<256x2048xf32>
    %jit3A_113 = arith.constant 2048 : i32
    %broadcast_in_dim3A_114 = vector.broadcast %jit3A_113 : i32 to vector<256x2048xi32>
    %select_n3A_115 = arith.select %eq3A_112, %iota3A, %broadcast_in_dim3A_114 : vector<256x2048xi1>, vector<256x2048xi32>
    %reduce_min3A_116 = arith.constant dense<2147483647> : vector<256xi32>
    %reduce_min3A_117 = vector.multi_reduction <minsi>, %select_n3A_115, %reduce_min3A_116 [1] : vector<256x2048xi32> to vector<256xi32>
    %broadcast_in_dim3A_118 = vector.shape_cast %reduce_min3A_117 : vector<256xi32> to vector<256x1xi32>
    %eq3A_119 = vector.broadcast %broadcast_in_dim3A_118 : vector<256x1xi32> to vector<256x2048xi32>
    %eq3A_120 = arith.cmpi eq, %iota3A, %eq3A_119 : vector<256x2048xi32>
    %jit3A_121 = arith.constant 0xFF800000 : f32
    %broadcast_in_dim3A_122 = vector.broadcast %jit3A_121 : f32 to vector<256x2048xf32>
    %select_n3A_123 = arith.select %eq3A_120, %broadcast_in_dim3A_122, %select_n3A_107 : vector<256x2048xi1>, vector<256x2048xf32>
    %reduce_max3A_124 = arith.constant dense<0xFF800000> : vector<256xf32>
    %reduce_max3A_125 = vector.multi_reduction <maximumf>, %select_n3A_123, %reduce_max3A_124 [1] : vector<256x2048xf32> to vector<256xf32>
    %broadcast_in_dim3A_126 = vector.shape_cast %reduce_max3A_125 : vector<256xf32> to vector<256x1xf32>
    %eq3A_127 = vector.broadcast %broadcast_in_dim3A_126 : vector<256x1xf32> to vector<256x2048xf32>
    %eq3A_128 = arith.cmpf oeq, %select_n3A_123, %eq3A_127 : vector<256x2048xf32>
    %jit3A_129 = arith.constant 2048 : i32
    %broadcast_in_dim3A_130 = vector.broadcast %jit3A_129 : i32 to vector<256x2048xi32>
    %select_n3A_131 = arith.select %eq3A_128, %iota3A, %broadcast_in_dim3A_130 : vector<256x2048xi1>, vector<256x2048xi32>
    %reduce_min3A_132 = arith.constant dense<2147483647> : vector<256xi32>
    %reduce_min3A_133 = vector.multi_reduction <minsi>, %select_n3A_131, %reduce_min3A_132 [1] : vector<256x2048xi32> to vector<256xi32>
    %broadcast_in_dim3A_134 = vector.shape_cast %reduce_min3A_133 : vector<256xi32> to vector<256x1xi32>
    %eq3A_135 = vector.broadcast %broadcast_in_dim3A_134 : vector<256x1xi32> to vector<256x2048xi32>
    %eq3A_136 = arith.cmpi eq, %iota3A, %eq3A_135 : vector<256x2048xi32>
    %jit3A_137 = arith.constant 0xFF800000 : f32
    %broadcast_in_dim3A_138 = vector.broadcast %jit3A_137 : f32 to vector<256x2048xf32>
    %select_n3A_139 = arith.select %eq3A_136, %broadcast_in_dim3A_138, %select_n3A_123 : vector<256x2048xi1>, vector<256x2048xf32>
    %reduce_max3A_140 = arith.constant dense<0xFF800000> : vector<256xf32>
    %reduce_max3A_141 = vector.multi_reduction <maximumf>, %select_n3A_139, %reduce_max3A_140 [1] : vector<256x2048xf32> to vector<256xf32>
    %broadcast_in_dim3A_142 = vector.shape_cast %reduce_max3A_141 : vector<256xf32> to vector<256x1xf32>
    %eq3A_143 = vector.broadcast %broadcast_in_dim3A_142 : vector<256x1xf32> to vector<256x2048xf32>
    %eq3A_144 = arith.cmpf oeq, %select_n3A_139, %eq3A_143 : vector<256x2048xf32>
    %jit3A_145 = arith.constant 2048 : i32
    %broadcast_in_dim3A_146 = vector.broadcast %jit3A_145 : i32 to vector<256x2048xi32>
    %select_n3A_147 = arith.select %eq3A_144, %iota3A, %broadcast_in_dim3A_146 : vector<256x2048xi1>, vector<256x2048xi32>
    %reduce_min3A_148 = arith.constant dense<2147483647> : vector<256xi32>
    %reduce_min3A_149 = vector.multi_reduction <minsi>, %select_n3A_147, %reduce_min3A_148 [1] : vector<256x2048xi32> to vector<256xi32>
    %broadcast_in_dim3A_150 = vector.shape_cast %reduce_min3A_149 : vector<256xi32> to vector<256x1xi32>
    %eq3A_151 = vector.broadcast %broadcast_in_dim3A_150 : vector<256x1xi32> to vector<256x2048xi32>
    %eq3A_152 = arith.cmpi eq, %iota3A, %eq3A_151 : vector<256x2048xi32>
    %jit3A_153 = arith.constant 0xFF800000 : f32
    %broadcast_in_dim3A_154 = vector.broadcast %jit3A_153 : f32 to vector<256x2048xf32>
    %select_n3A_155 = arith.select %eq3A_152, %broadcast_in_dim3A_154, %select_n3A_139 : vector<256x2048xi1>, vector<256x2048xf32>
    %reduce_max3A_156 = arith.constant dense<0xFF800000> : vector<256xf32>
    %reduce_max3A_157 = vector.multi_reduction <maximumf>, %select_n3A_155, %reduce_max3A_156 [1] : vector<256x2048xf32> to vector<256xf32>
    %broadcast_in_dim3A_158 = vector.shape_cast %reduce_max3A_157 : vector<256xf32> to vector<256x1xf32>
    %eq3A_159 = vector.broadcast %broadcast_in_dim3A_158 : vector<256x1xf32> to vector<256x2048xf32>
    %eq3A_160 = arith.cmpf oeq, %select_n3A_155, %eq3A_159 : vector<256x2048xf32>
    %jit3A_161 = arith.constant 2048 : i32
    %broadcast_in_dim3A_162 = vector.broadcast %jit3A_161 : i32 to vector<256x2048xi32>
    %select_n3A_163 = arith.select %eq3A_160, %iota3A, %broadcast_in_dim3A_162 : vector<256x2048xi1>, vector<256x2048xi32>
    %reduce_min3A_164 = arith.constant dense<2147483647> : vector<256xi32>
    %reduce_min3A_165 = vector.multi_reduction <minsi>, %select_n3A_163, %reduce_min3A_164 [1] : vector<256x2048xi32> to vector<256xi32>
    %broadcast_in_dim3A_166 = vector.shape_cast %reduce_min3A_165 : vector<256xi32> to vector<256x1xi32>
    %eq3A_167 = vector.broadcast %broadcast_in_dim3A_166 : vector<256x1xi32> to vector<256x2048xi32>
    %eq3A_168 = arith.cmpi eq, %iota3A, %eq3A_167 : vector<256x2048xi32>
    %jit3A_169 = arith.constant 0xFF800000 : f32
    %broadcast_in_dim3A_170 = vector.broadcast %jit3A_169 : f32 to vector<256x2048xf32>
    %select_n3A_171 = arith.select %eq3A_168, %broadcast_in_dim3A_170, %select_n3A_155 : vector<256x2048xi1>, vector<256x2048xf32>
    %reduce_max3A_172 = arith.constant dense<0xFF800000> : vector<256xf32>
    %reduce_max3A_173 = vector.multi_reduction <maximumf>, %select_n3A_171, %reduce_max3A_172 [1] : vector<256x2048xf32> to vector<256xf32>
    %broadcast_in_dim3A_174 = vector.shape_cast %reduce_max3A_173 : vector<256xf32> to vector<256x1xf32>
    %eq3A_175 = vector.broadcast %broadcast_in_dim3A_174 : vector<256x1xf32> to vector<256x2048xf32>
    %eq3A_176 = arith.cmpf oeq, %select_n3A_171, %eq3A_175 : vector<256x2048xf32>
    %jit3A_177 = arith.constant 2048 : i32
    %broadcast_in_dim3A_178 = vector.broadcast %jit3A_177 : i32 to vector<256x2048xi32>
    %select_n3A_179 = arith.select %eq3A_176, %iota3A, %broadcast_in_dim3A_178 : vector<256x2048xi1>, vector<256x2048xi32>
    %reduce_min3A_180 = arith.constant dense<2147483647> : vector<256xi32>
    %reduce_min3A_181 = vector.multi_reduction <minsi>, %select_n3A_179, %reduce_min3A_180 [1] : vector<256x2048xi32> to vector<256xi32>
    %broadcast_in_dim3A_182 = vector.shape_cast %reduce_min3A_181 : vector<256xi32> to vector<256x1xi32>
    %eq3A_183 = vector.broadcast %broadcast_in_dim3A_182 : vector<256x1xi32> to vector<256x2048xi32>
    %eq3A_184 = arith.cmpi eq, %iota3A, %eq3A_183 : vector<256x2048xi32>
    %jit3A_185 = arith.constant 0xFF800000 : f32
    %broadcast_in_dim3A_186 = vector.broadcast %jit3A_185 : f32 to vector<256x2048xf32>
    %select_n3A_187 = arith.select %eq3A_184, %broadcast_in_dim3A_186, %select_n3A_171 : vector<256x2048xi1>, vector<256x2048xf32>
    %reduce_max3A_188 = arith.constant dense<0xFF800000> : vector<256xf32>
    %reduce_max3A_189 = vector.multi_reduction <maximumf>, %select_n3A_187, %reduce_max3A_188 [1] : vector<256x2048xf32> to vector<256xf32>
    %broadcast_in_dim3A_190 = vector.shape_cast %reduce_max3A_189 : vector<256xf32> to vector<256x1xf32>
    %eq3A_191 = vector.broadcast %broadcast_in_dim3A_190 : vector<256x1xf32> to vector<256x2048xf32>
    %eq3A_192 = arith.cmpf oeq, %select_n3A_187, %eq3A_191 : vector<256x2048xf32>
    %jit3A_193 = arith.constant 2048 : i32
    %broadcast_in_dim3A_194 = vector.broadcast %jit3A_193 : i32 to vector<256x2048xi32>
    %select_n3A_195 = arith.select %eq3A_192, %iota3A, %broadcast_in_dim3A_194 : vector<256x2048xi1>, vector<256x2048xi32>
    %reduce_min3A_196 = arith.constant dense<2147483647> : vector<256xi32>
    %reduce_min3A_197 = vector.multi_reduction <minsi>, %select_n3A_195, %reduce_min3A_196 [1] : vector<256x2048xi32> to vector<256xi32>
    %broadcast_in_dim3A_198 = vector.shape_cast %reduce_min3A_197 : vector<256xi32> to vector<256x1xi32>
    %eq3A_199 = vector.broadcast %broadcast_in_dim3A_198 : vector<256x1xi32> to vector<256x2048xi32>
    %eq3A_200 = arith.cmpi eq, %iota3A, %eq3A_199 : vector<256x2048xi32>
    %jit3A_201 = arith.constant 0xFF800000 : f32
    %broadcast_in_dim3A_202 = vector.broadcast %jit3A_201 : f32 to vector<256x2048xf32>
    %select_n3A_203 = arith.select %eq3A_200, %broadcast_in_dim3A_202, %select_n3A_187 : vector<256x2048xi1>, vector<256x2048xf32>
    %reduce_max3A_204 = arith.constant dense<0xFF800000> : vector<256xf32>
    %reduce_max3A_205 = vector.multi_reduction <maximumf>, %select_n3A_203, %reduce_max3A_204 [1] : vector<256x2048xf32> to vector<256xf32>
    %broadcast_in_dim3A_206 = vector.shape_cast %reduce_max3A_205 : vector<256xf32> to vector<256x1xf32>
    %eq3A_207 = vector.broadcast %broadcast_in_dim3A_206 : vector<256x1xf32> to vector<256x2048xf32>
    %eq3A_208 = arith.cmpf oeq, %select_n3A_203, %eq3A_207 : vector<256x2048xf32>
    %jit3A_209 = arith.constant 2048 : i32
    %broadcast_in_dim3A_210 = vector.broadcast %jit3A_209 : i32 to vector<256x2048xi32>
    %select_n3A_211 = arith.select %eq3A_208, %iota3A, %broadcast_in_dim3A_210 : vector<256x2048xi1>, vector<256x2048xi32>
    %reduce_min3A_212 = arith.constant dense<2147483647> : vector<256xi32>
    %reduce_min3A_213 = vector.multi_reduction <minsi>, %select_n3A_211, %reduce_min3A_212 [1] : vector<256x2048xi32> to vector<256xi32>
    %broadcast_in_dim3A_214 = vector.shape_cast %reduce_min3A_213 : vector<256xi32> to vector<256x1xi32>
    %eq3A_215 = vector.broadcast %broadcast_in_dim3A_214 : vector<256x1xi32> to vector<256x2048xi32>
    %eq3A_216 = arith.cmpi eq, %iota3A, %eq3A_215 : vector<256x2048xi32>
    %jit3A_217 = arith.constant 0xFF800000 : f32
    %broadcast_in_dim3A_218 = vector.broadcast %jit3A_217 : f32 to vector<256x2048xf32>
    %select_n3A_219 = arith.select %eq3A_216, %broadcast_in_dim3A_218, %select_n3A_203 : vector<256x2048xi1>, vector<256x2048xf32>
    %reduce_max3A_220 = arith.constant dense<0xFF800000> : vector<256xf32>
    %reduce_max3A_221 = vector.multi_reduction <maximumf>, %select_n3A_219, %reduce_max3A_220 [1] : vector<256x2048xf32> to vector<256xf32>
    %broadcast_in_dim3A_222 = vector.shape_cast %reduce_max3A_221 : vector<256xf32> to vector<256x1xf32>
    %eq3A_223 = vector.broadcast %broadcast_in_dim3A_222 : vector<256x1xf32> to vector<256x2048xf32>
    %eq3A_224 = arith.cmpf oeq, %select_n3A_219, %eq3A_223 : vector<256x2048xf32>
    %jit3A_225 = arith.constant 2048 : i32
    %broadcast_in_dim3A_226 = vector.broadcast %jit3A_225 : i32 to vector<256x2048xi32>
    %select_n3A_227 = arith.select %eq3A_224, %iota3A, %broadcast_in_dim3A_226 : vector<256x2048xi1>, vector<256x2048xi32>
    %reduce_min3A_228 = arith.constant dense<2147483647> : vector<256xi32>
    %reduce_min3A_229 = vector.multi_reduction <minsi>, %select_n3A_227, %reduce_min3A_228 [1] : vector<256x2048xi32> to vector<256xi32>
    %broadcast_in_dim3A_230 = vector.shape_cast %reduce_min3A_229 : vector<256xi32> to vector<256x1xi32>
    %eq3A_231 = vector.broadcast %broadcast_in_dim3A_230 : vector<256x1xi32> to vector<256x2048xi32>
    %eq3A_232 = arith.cmpi eq, %iota3A, %eq3A_231 : vector<256x2048xi32>
    %jit3A_233 = arith.constant 0xFF800000 : f32
    %broadcast_in_dim3A_234 = vector.broadcast %jit3A_233 : f32 to vector<256x2048xf32>
    %select_n3A_235 = arith.select %eq3A_232, %broadcast_in_dim3A_234, %select_n3A_219 : vector<256x2048xi1>, vector<256x2048xf32>
    %reduce_max3A_236 = arith.constant dense<0xFF800000> : vector<256xf32>
    %reduce_max3A_237 = vector.multi_reduction <maximumf>, %select_n3A_235, %reduce_max3A_236 [1] : vector<256x2048xf32> to vector<256xf32>
    %broadcast_in_dim3A_238 = vector.shape_cast %reduce_max3A_237 : vector<256xf32> to vector<256x1xf32>
    %eq3A_239 = vector.broadcast %broadcast_in_dim3A_238 : vector<256x1xf32> to vector<256x2048xf32>
    %eq3A_240 = arith.cmpf oeq, %select_n3A_235, %eq3A_239 : vector<256x2048xf32>
    %jit3A_241 = arith.constant 2048 : i32
    %broadcast_in_dim3A_242 = vector.broadcast %jit3A_241 : i32 to vector<256x2048xi32>
    %select_n3A_243 = arith.select %eq3A_240, %iota3A, %broadcast_in_dim3A_242 : vector<256x2048xi1>, vector<256x2048xi32>
    %reduce_min3A_244 = arith.constant dense<2147483647> : vector<256xi32>
    %reduce_min3A_245 = vector.multi_reduction <minsi>, %select_n3A_243, %reduce_min3A_244 [1] : vector<256x2048xi32> to vector<256xi32>
    %broadcast_in_dim3A_246 = vector.shape_cast %reduce_min3A_245 : vector<256xi32> to vector<256x1xi32>
    %eq3A_247 = vector.broadcast %broadcast_in_dim3A_246 : vector<256x1xi32> to vector<256x2048xi32>
    %eq3A_248 = arith.cmpi eq, %iota3A, %eq3A_247 : vector<256x2048xi32>
    %jit3A_249 = arith.constant 0xFF800000 : f32
    %broadcast_in_dim3A_250 = vector.broadcast %jit3A_249 : f32 to vector<256x2048xf32>
    %select_n3A_251 = arith.select %eq3A_248, %broadcast_in_dim3A_250, %select_n3A_235 : vector<256x2048xi1>, vector<256x2048xf32>
    %reduce_max3A_252 = arith.constant dense<0xFF800000> : vector<256xf32>
    %reduce_max3A_253 = vector.multi_reduction <maximumf>, %select_n3A_251, %reduce_max3A_252 [1] : vector<256x2048xf32> to vector<256xf32>
    %broadcast_in_dim3A_254 = vector.shape_cast %reduce_max3A_253 : vector<256xf32> to vector<256x1xf32>
    %eq3A_255 = vector.broadcast %broadcast_in_dim3A_254 : vector<256x1xf32> to vector<256x2048xf32>
    %eq3A_256 = arith.cmpf oeq, %select_n3A_251, %eq3A_255 : vector<256x2048xf32>
    %jit3A_257 = arith.constant 2048 : i32
    %broadcast_in_dim3A_258 = vector.broadcast %jit3A_257 : i32 to vector<256x2048xi32>
    %select_n3A_259 = arith.select %eq3A_256, %iota3A, %broadcast_in_dim3A_258 : vector<256x2048xi1>, vector<256x2048xi32>
    %reduce_min3A_260 = arith.constant dense<2147483647> : vector<256xi32>
    %reduce_min3A_261 = vector.multi_reduction <minsi>, %select_n3A_259, %reduce_min3A_260 [1] : vector<256x2048xi32> to vector<256xi32>
    %broadcast_in_dim3A_262 = vector.shape_cast %reduce_min3A_261 : vector<256xi32> to vector<256x1xi32>
    %eq3A_263 = vector.broadcast %broadcast_in_dim3A_262 : vector<256x1xi32> to vector<256x2048xi32>
    %eq3A_264 = arith.cmpi eq, %iota3A, %eq3A_263 : vector<256x2048xi32>
    %jit3A_265 = arith.constant 0xFF800000 : f32
    %broadcast_in_dim3A_266 = vector.broadcast %jit3A_265 : f32 to vector<256x2048xf32>
    %select_n3A_267 = arith.select %eq3A_264, %broadcast_in_dim3A_266, %select_n3A_251 : vector<256x2048xi1>, vector<256x2048xf32>
    %reduce_max3A_268 = arith.constant dense<0xFF800000> : vector<256xf32>
    %reduce_max3A_269 = vector.multi_reduction <maximumf>, %select_n3A_267, %reduce_max3A_268 [1] : vector<256x2048xf32> to vector<256xf32>
    %broadcast_in_dim3A_270 = vector.shape_cast %reduce_max3A_269 : vector<256xf32> to vector<256x1xf32>
    %eq3A_271 = vector.broadcast %broadcast_in_dim3A_270 : vector<256x1xf32> to vector<256x2048xf32>
    %eq3A_272 = arith.cmpf oeq, %select_n3A_267, %eq3A_271 : vector<256x2048xf32>
    %jit3A_273 = arith.constant 2048 : i32
    %broadcast_in_dim3A_274 = vector.broadcast %jit3A_273 : i32 to vector<256x2048xi32>
    %select_n3A_275 = arith.select %eq3A_272, %iota3A, %broadcast_in_dim3A_274 : vector<256x2048xi1>, vector<256x2048xi32>
    %reduce_min3A_276 = arith.constant dense<2147483647> : vector<256xi32>
    %reduce_min3A_277 = vector.multi_reduction <minsi>, %select_n3A_275, %reduce_min3A_276 [1] : vector<256x2048xi32> to vector<256xi32>
    %broadcast_in_dim3A_278 = vector.shape_cast %reduce_min3A_277 : vector<256xi32> to vector<256x1xi32>
    %eq3A_279 = vector.broadcast %broadcast_in_dim3A_278 : vector<256x1xi32> to vector<256x2048xi32>
    %eq3A_280 = arith.cmpi eq, %iota3A, %eq3A_279 : vector<256x2048xi32>
    %jit3A_281 = arith.constant 0xFF800000 : f32
    %broadcast_in_dim3A_282 = vector.broadcast %jit3A_281 : f32 to vector<256x2048xf32>
    %select_n3A_283 = arith.select %eq3A_280, %broadcast_in_dim3A_282, %select_n3A_267 : vector<256x2048xi1>, vector<256x2048xf32>
    %reduce_max3A_284 = arith.constant dense<0xFF800000> : vector<256xf32>
    %reduce_max3A_285 = vector.multi_reduction <maximumf>, %select_n3A_283, %reduce_max3A_284 [1] : vector<256x2048xf32> to vector<256xf32>
    %broadcast_in_dim3A_286 = vector.shape_cast %reduce_max3A_285 : vector<256xf32> to vector<256x1xf32>
    %eq3A_287 = vector.broadcast %broadcast_in_dim3A_286 : vector<256x1xf32> to vector<256x2048xf32>
    %eq3A_288 = arith.cmpf oeq, %select_n3A_283, %eq3A_287 : vector<256x2048xf32>
    %jit3A_289 = arith.constant 2048 : i32
    %broadcast_in_dim3A_290 = vector.broadcast %jit3A_289 : i32 to vector<256x2048xi32>
    %select_n3A_291 = arith.select %eq3A_288, %iota3A, %broadcast_in_dim3A_290 : vector<256x2048xi1>, vector<256x2048xi32>
    %reduce_min3A_292 = arith.constant dense<2147483647> : vector<256xi32>
    %reduce_min3A_293 = vector.multi_reduction <minsi>, %select_n3A_291, %reduce_min3A_292 [1] : vector<256x2048xi32> to vector<256xi32>
    %broadcast_in_dim3A_294 = vector.shape_cast %reduce_min3A_293 : vector<256xi32> to vector<256x1xi32>
    %eq3A_295 = vector.broadcast %broadcast_in_dim3A_294 : vector<256x1xi32> to vector<256x2048xi32>
    %eq3A_296 = arith.cmpi eq, %iota3A, %eq3A_295 : vector<256x2048xi32>
    %jit3A_297 = arith.constant 0xFF800000 : f32
    %broadcast_in_dim3A_298 = vector.broadcast %jit3A_297 : f32 to vector<256x2048xf32>
    %select_n3A_299 = arith.select %eq3A_296, %broadcast_in_dim3A_298, %select_n3A_283 : vector<256x2048xi1>, vector<256x2048xf32>
    %reduce_max3A_300 = arith.constant dense<0xFF800000> : vector<256xf32>
    %reduce_max3A_301 = vector.multi_reduction <maximumf>, %select_n3A_299, %reduce_max3A_300 [1] : vector<256x2048xf32> to vector<256xf32>
    %broadcast_in_dim3A_302 = vector.shape_cast %reduce_max3A_301 : vector<256xf32> to vector<256x1xf32>
    %eq3A_303 = vector.broadcast %broadcast_in_dim3A_302 : vector<256x1xf32> to vector<256x2048xf32>
    %eq3A_304 = arith.cmpf oeq, %select_n3A_299, %eq3A_303 : vector<256x2048xf32>
    %jit3A_305 = arith.constant 2048 : i32
    %broadcast_in_dim3A_306 = vector.broadcast %jit3A_305 : i32 to vector<256x2048xi32>
    %select_n3A_307 = arith.select %eq3A_304, %iota3A, %broadcast_in_dim3A_306 : vector<256x2048xi1>, vector<256x2048xi32>
    %reduce_min3A_308 = arith.constant dense<2147483647> : vector<256xi32>
    %reduce_min3A_309 = vector.multi_reduction <minsi>, %select_n3A_307, %reduce_min3A_308 [1] : vector<256x2048xi32> to vector<256xi32>
    %broadcast_in_dim3A_310 = vector.shape_cast %reduce_min3A_309 : vector<256xi32> to vector<256x1xi32>
    %eq3A_311 = vector.broadcast %broadcast_in_dim3A_310 : vector<256x1xi32> to vector<256x2048xi32>
    %eq3A_312 = arith.cmpi eq, %iota3A, %eq3A_311 : vector<256x2048xi32>
    %jit3A_313 = arith.constant 0xFF800000 : f32
    %broadcast_in_dim3A_314 = vector.broadcast %jit3A_313 : f32 to vector<256x2048xf32>
    %select_n3A_315 = arith.select %eq3A_312, %broadcast_in_dim3A_314, %select_n3A_299 : vector<256x2048xi1>, vector<256x2048xf32>
    %reduce_max3A_316 = arith.constant dense<0xFF800000> : vector<256xf32>
    %reduce_max3A_317 = vector.multi_reduction <maximumf>, %select_n3A_315, %reduce_max3A_316 [1] : vector<256x2048xf32> to vector<256xf32>
    %broadcast_in_dim3A_318 = vector.shape_cast %reduce_max3A_317 : vector<256xf32> to vector<256x1xf32>
    %eq3A_319 = vector.broadcast %broadcast_in_dim3A_318 : vector<256x1xf32> to vector<256x2048xf32>
    %eq3A_320 = arith.cmpf oeq, %select_n3A_315, %eq3A_319 : vector<256x2048xf32>
    %jit3A_321 = arith.constant 2048 : i32
    %broadcast_in_dim3A_322 = vector.broadcast %jit3A_321 : i32 to vector<256x2048xi32>
    %select_n3A_323 = arith.select %eq3A_320, %iota3A, %broadcast_in_dim3A_322 : vector<256x2048xi1>, vector<256x2048xi32>
    %reduce_min3A_324 = arith.constant dense<2147483647> : vector<256xi32>
    %reduce_min3A_325 = vector.multi_reduction <minsi>, %select_n3A_323, %reduce_min3A_324 [1] : vector<256x2048xi32> to vector<256xi32>
    %broadcast_in_dim3A_326 = vector.shape_cast %reduce_min3A_325 : vector<256xi32> to vector<256x1xi32>
    %eq3A_327 = vector.broadcast %broadcast_in_dim3A_326 : vector<256x1xi32> to vector<256x2048xi32>
    %eq3A_328 = arith.cmpi eq, %iota3A, %eq3A_327 : vector<256x2048xi32>
    %jit3A_329 = arith.constant 0xFF800000 : f32
    %broadcast_in_dim3A_330 = vector.broadcast %jit3A_329 : f32 to vector<256x2048xf32>
    %select_n3A_331 = arith.select %eq3A_328, %broadcast_in_dim3A_330, %select_n3A_315 : vector<256x2048xi1>, vector<256x2048xf32>
    %reduce_max3A_332 = arith.constant dense<0xFF800000> : vector<256xf32>
    %reduce_max3A_333 = vector.multi_reduction <maximumf>, %select_n3A_331, %reduce_max3A_332 [1] : vector<256x2048xf32> to vector<256xf32>
    %broadcast_in_dim3A_334 = vector.shape_cast %reduce_max3A_333 : vector<256xf32> to vector<256x1xf32>
    %eq3A_335 = vector.broadcast %broadcast_in_dim3A_334 : vector<256x1xf32> to vector<256x2048xf32>
    %eq3A_336 = arith.cmpf oeq, %select_n3A_331, %eq3A_335 : vector<256x2048xf32>
    %jit3A_337 = arith.constant 2048 : i32
    %broadcast_in_dim3A_338 = vector.broadcast %jit3A_337 : i32 to vector<256x2048xi32>
    %select_n3A_339 = arith.select %eq3A_336, %iota3A, %broadcast_in_dim3A_338 : vector<256x2048xi1>, vector<256x2048xi32>
    %reduce_min3A_340 = arith.constant dense<2147483647> : vector<256xi32>
    %reduce_min3A_341 = vector.multi_reduction <minsi>, %select_n3A_339, %reduce_min3A_340 [1] : vector<256x2048xi32> to vector<256xi32>
    %broadcast_in_dim3A_342 = vector.shape_cast %reduce_min3A_341 : vector<256xi32> to vector<256x1xi32>
    %concatenate3A = tpu.concatenate %broadcast_in_dim3A_38, %broadcast_in_dim3A_54, %broadcast_in_dim3A_70, %broadcast_in_dim3A_86, %broadcast_in_dim3A_102, %broadcast_in_dim3A_118, %broadcast_in_dim3A_134, %broadcast_in_dim3A_150, %broadcast_in_dim3A_166, %broadcast_in_dim3A_182, %broadcast_in_dim3A_198, %broadcast_in_dim3A_214, %broadcast_in_dim3A_230, %broadcast_in_dim3A_246, %broadcast_in_dim3A_262, %broadcast_in_dim3A_278, %broadcast_in_dim3A_294, %broadcast_in_dim3A_310, %broadcast_in_dim3A_326, %broadcast_in_dim3A_342 in 1 : vector<256x1xi32>, vector<256x1xi32>, vector<256x1xi32>, vector<256x1xi32>, vector<256x1xi32>, vector<256x1xi32>, vector<256x1xi32>, vector<256x1xi32>, vector<256x1xi32>, vector<256x1xi32>, vector<256x1xi32>, vector<256x1xi32>, vector<256x1xi32>, vector<256x1xi32>, vector<256x1xi32>, vector<256x1xi32>, vector<256x1xi32>, vector<256x1xi32>, vector<256x1xi32>, vector<256x1xi32> -> vector<256x20xi32>
    %mul3A_343 = arith.constant 2048 : i32
    %mul3A_344 = arith.muli %arg0, %mul3A_343 : i32
    %add3A = vector.broadcast %mul3A_344 : i32 to vector<256x20xi32>
    %add3A_345 = arith.addi %concatenate3A, %add3A : vector<256x20xi32>
    %swap3A = arith.constant 0 : index
    %swap3A_346 = arith.constant 0 : index
    %swap3A_347 = arith.constant 0 : index
    %swap3A_348 = vector.load %arg4[%swap3A, %swap3A_346, %swap3A_347] : memref<1x256x20xi32, #tpu.memory_space<vmem>>, vector<1x256x20xi32>
    %swap3A_349 = vector.shape_cast %swap3A_348 : vector<1x256x20xi32> to vector<256x20xi32>
    %swap3A_350 = vector.shape_cast %add3A_345 : vector<256x20xi32> to vector<1x256x20xi32>
    tpu.vector_store %arg4[%swap3A, %swap3A_346, %swap3A_347], %swap3A_350 {strides = array<i32>} : memref<1x256x20xi32, #tpu.memory_space<vmem>>, vector<1x256x20xi32>,
    return
  }
  func.func @transform_0(%arg0: i32, %arg1: i32) -> (i32, i32, i32) {
    %c0_i32 = arith.constant 0 : i32
    %c0_i32_0 = arith.constant 0 : i32
    %c0_i32_1 = arith.constant 0 : i32
    return %arg0, %c0_i32, %c0_i32_0 : i32, i32, i32
  }
  func.func @transform_1(%arg0: i32, %arg1: i32) -> (i32, i32, i32) {
    %c0_i32 = arith.constant 0 : i32
    %c0_i32_0 = arith.constant 0 : i32
    %c0_i32_1 = arith.constant 0 : i32
    return %arg0, %c0_i32, %c0_i32_0 : i32, i32, i32
  }
  func.func @transform_2(%arg0: i32, %arg1: i32) -> (i32, i32, i32) {
    %c0_i32 = arith.constant 0 : i32
    %c0_i32_0 = arith.constant 0 : i32
    return %arg0, %arg1, %c0_i32 : i32, i32, i32
  }
}

module attributes {stable_mosaic.version = 14 : i64} {
  func.func @_edge_body(%arg0: i32, %arg1: i32, %arg2: memref<1x2560x128xf32, #tpu.memory_space<vmem>>, %arg3: memref<1x128x128xf32, #tpu.memory_space<vmem>>, %arg4: memref<256x128xf32, #tpu.memory_space<vmem>>, %arg5: memref<1x128x128xf32, #tpu.memory_space<vmem>>, %arg6: memref<2x128xf32, #tpu.memory_space<vmem>>) attributes {dimension_semantics = [#tpu.dimension_semantics<arbitrary>, #tpu.dimension_semantics<arbitrary>], iteration_bounds = array<i64: 4, 16>, scalar_prefetch = 0 : i64, scratch_operands = 0 : i64, tpu.core_type = #tpu.core_type<tc>, window_params = [{transform_indices = @transform_0, window_bounds = array<i64: 1, 2560, 128>}, {transform_indices = @transform_1, window_bounds = array<i64: 1, 128, 128>}, {pipeline_mode = #tpu.pipeline_mode<synchronous>, transform_indices = @transform_2, window_bounds = array<i64: 256, 128>}, {transform_indices = @transform_3, window_bounds = array<i64: 1, 128, 128>}, {pipeline_mode = #tpu.pipeline_mode<synchronous>, transform_indices = @transform_4, window_bounds = array<i64: 2, 128>}]} {
    %get3A = arith.constant 0 : index
    %get3A_0 = arith.constant 0 : index
    %get3A_1 = arith.constant 0 : index
    %get3A_2 = vector.load %arg2[%get3A, %get3A_0, %get3A_1] : memref<1x2560x128xf32, #tpu.memory_space<vmem>>, vector<1x2560x128xf32>
    %get3A_3 = vector.shape_cast %get3A_2 : vector<1x2560x128xf32> to vector<2560x128xf32>
    %get3A_4 = arith.constant 0 : index
    %get3A_5 = arith.constant 0 : index
    %get3A_6 = arith.constant 0 : index
    %get3A_7 = vector.load %arg3[%get3A_4, %get3A_5, %get3A_6] : memref<1x128x128xf32, #tpu.memory_space<vmem>>, vector<1x128x128xf32>
    %get3A_8 = vector.shape_cast %get3A_7 : vector<1x128x128xf32> to vector<128x128xf32>
    %broadcast_in_dim3A = vector.shape_cast %get3A_8 : vector<128x128xf32> to vector<128x1x128xf32>
    %broadcast_in_dim3A_9 = vector.shape_cast %broadcast_in_dim3A : vector<128x1x128xf32> to vector<128x1x128xf32>
    %broadcast_in_dim3A_10 = vector.broadcast %broadcast_in_dim3A_9 : vector<128x1x128xf32> to vector<128x20x128xf32>
    %reshape3A = vector.shape_cast %broadcast_in_dim3A_10 : vector<128x20x128xf32> to vector<2560x128xf32>
    %sub3A = arith.subf %get3A_3, %reshape3A : vector<2560x128xf32>
    %concatenate3A = tpu.concatenate %sub3A, %reshape3A in 1 : vector<2560x128xf32>, vector<2560x128xf32> -> vector<2560x256xf32>
    %get3A_11 = arith.constant 0 : index
    %get3A_12 = arith.constant 0 : index
    %get3A_13 = vector.load %arg4[%get3A_11, %get3A_12] : memref<256x128xf32, #tpu.memory_space<vmem>>, vector<256x128xf32>
    %dot_general3A = arith.constant dense<0.000000e+00> : vector<2560x128xf32>
    %dot_general3A_14 = tpu.matmul %concatenate3A, %get3A_13, %dot_general3A {dimension_numbers = #tpu.dot_dimension_numbers<[1], [0], [0], [1], [0, 0, 1, 1], [], []>, transpose_lhs_hint = false} : vector<2560x256xf32>, vector<256x128xf32>, vector<2560x128xf32> -> vector<2560x128xf32>
    %reshape3A_15 = vector.shape_cast %dot_general3A_14 : vector<2560x128xf32> to vector<128x20x128xf32>
    %reduce_max3A = arith.constant dense<0xFF800000> : vector<128x128xf32>
    %reduce_max3A_16 = vector.multi_reduction <maximumf>, %reshape3A_15, %reduce_max3A [1] : vector<128x20x128xf32> to vector<128x128xf32>
    %swap3A = arith.constant 0 : index
    %swap3A_17 = arith.constant 0 : index
    %swap3A_18 = arith.constant 0 : index
    %swap3A_19 = vector.load %arg5[%swap3A, %swap3A_17, %swap3A_18] : memref<1x128x128xf32, #tpu.memory_space<vmem>>, vector<1x128x128xf32>
    %swap3A_20 = vector.shape_cast %swap3A_19 : vector<1x128x128xf32> to vector<128x128xf32>
    %swap3A_21 = vector.shape_cast %reduce_max3A_16 : vector<128x128xf32> to vector<1x128x128xf32>
    tpu.vector_store %arg5[%swap3A, %swap3A_17, %swap3A_18], %swap3A_21 {strides = array<i32>} : memref<1x128x128xf32, #tpu.memory_space<vmem>>, vector<1x128x128xf32>,
    %reduce_sum3A = arith.constant dense<0.000000e+00> : vector<128xf32>
    %reduce_sum3A_22 = vector.multi_reduction <add>, %dot_general3A_14, %reduce_sum3A [0] : vector<2560x128xf32> to vector<128xf32>
    %mul3A = arith.mulf %dot_general3A_14, %dot_general3A_14 : vector<2560x128xf32>
    %reduce_sum3A_23 = arith.constant dense<0.000000e+00> : vector<128xf32>
    %reduce_sum3A_24 = vector.multi_reduction <add>, %mul3A, %reduce_sum3A_23 [0] : vector<2560x128xf32> to vector<128xf32>
    %stack3A = vector.shape_cast %reduce_sum3A_22 : vector<128xf32> to vector<1x128xf32>
    %stack3A_25 = vector.shape_cast %reduce_sum3A_24 : vector<128xf32> to vector<1x128xf32>
    %stack3A_26 = tpu.concatenate %stack3A, %stack3A_25 in 0 : vector<1x128xf32>, vector<1x128xf32> -> vector<2x128xf32>
    %eq3A = arith.constant 0 : i32
    %eq3A_27 = arith.cmpi eq, %arg0, %eq3A : i32
    %eq3A_28 = arith.constant 0 : i32
    %eq3A_29 = arith.cmpi eq, %arg1, %eq3A_28 : i32
    %and3A = arith.andi %eq3A_27, %eq3A_29 : i1
    %convert_element_type3A = arith.extui %and3A : i1 to i32
    %cond3A = arith.constant 0 : i32
    %cond3A_30 = arith.cmpi ne, %convert_element_type3A, %cond3A : i32
    scf.if %cond3A_30 {
      %swap3A_35 = arith.constant 0 : index
      %swap3A_36 = arith.constant 0 : index
      %swap3A_37 = vector.load %arg6[%swap3A_35, %swap3A_36] : memref<2x128xf32, #tpu.memory_space<vmem>>, vector<2x128xf32>
      tpu.vector_store %arg6[%swap3A_35, %swap3A_36], %stack3A_26 {strides = array<i32>} : memref<2x128xf32, #tpu.memory_space<vmem>>, vector<2x128xf32>,
    } else {
    }
    %not3A = arith.constant true
    %not3A_31 = arith.xori %and3A, %not3A : i1
    %convert_element_type3A_32 = arith.extui %not3A_31 : i1 to i32
    %cond3A_33 = arith.constant 0 : i32
    %cond3A_34 = arith.cmpi ne, %convert_element_type3A_32, %cond3A_33 : i32
    scf.if %cond3A_34 {
      %get3A_35 = arith.constant 0 : index
      %get3A_36 = arith.constant 0 : index
      %get3A_37 = vector.load %arg6[%get3A_35, %get3A_36] : memref<2x128xf32, #tpu.memory_space<vmem>>, vector<2x128xf32>
      %add3A = arith.addf %get3A_37, %stack3A_26 : vector<2x128xf32>
      %swap3A_38 = arith.constant 0 : index
      %swap3A_39 = arith.constant 0 : index
      %swap3A_40 = vector.load %arg6[%swap3A_38, %swap3A_39] : memref<2x128xf32, #tpu.memory_space<vmem>>, vector<2x128xf32>
      tpu.vector_store %arg6[%swap3A_38, %swap3A_39], %add3A {strides = array<i32>} : memref<2x128xf32, #tpu.memory_space<vmem>>, vector<2x128xf32>,
    } else {
    }
    return
  }
  func.func @transform_0(%arg0: i32, %arg1: i32) -> (i32, i32, i32) {
    %c0_i32 = arith.constant 0 : i32
    %c0_i32_0 = arith.constant 0 : i32
    return %arg0, %arg1, %c0_i32 : i32, i32, i32
  }
  func.func @transform_1(%arg0: i32, %arg1: i32) -> (i32, i32, i32) {
    %c0_i32 = arith.constant 0 : i32
    %c0_i32_0 = arith.constant 0 : i32
    return %arg0, %arg1, %c0_i32 : i32, i32, i32
  }
  func.func @transform_2(%arg0: i32, %arg1: i32) -> (i32, i32) {
    %c0_i32 = arith.constant 0 : i32
    %c0_i32_0 = arith.constant 0 : i32
    %c0_i32_1 = arith.constant 0 : i32
    return %c0_i32, %c0_i32_0 : i32, i32
  }
  func.func @transform_3(%arg0: i32, %arg1: i32) -> (i32, i32, i32) {
    %c0_i32 = arith.constant 0 : i32
    %c0_i32_0 = arith.constant 0 : i32
    return %arg0, %arg1, %c0_i32 : i32, i32, i32
  }
  func.func @transform_4(%arg0: i32, %arg1: i32) -> (i32, i32) {
    %c0_i32 = arith.constant 0 : i32
    %c0_i32_0 = arith.constant 0 : i32
    %c0_i32_1 = arith.constant 0 : i32
    return %c0_i32, %c0_i32_0 : i32, i32
  }
}

module attributes {stable_mosaic.version = 14 : i64} {
  func.func @_stage_b_body(%arg0: i32, %arg1: memref<1x2048x128xf32, #tpu.memory_space<vmem>>, %arg2: memref<2x128xf32, #tpu.memory_space<vmem>>, %arg3: memref<128xf32, #tpu.memory_space<vmem>>, %arg4: memref<128xf32, #tpu.memory_space<vmem>>, %arg5: memref<1x2048x128xf32, #tpu.memory_space<vmem>>) attributes {dimension_semantics = [#tpu.dimension_semantics<arbitrary>], iteration_bounds = array<i64: 8>, scalar_prefetch = 0 : i64, scratch_operands = 0 : i64, tpu.core_type = #tpu.core_type<tc>, window_params = [{transform_indices = @transform_0, window_bounds = array<i64: 1, 2048, 128>}, {pipeline_mode = #tpu.pipeline_mode<synchronous>, transform_indices = @transform_1, window_bounds = array<i64: 2, 128>}, {pipeline_mode = #tpu.pipeline_mode<synchronous>, transform_indices = @transform_2, window_bounds = array<i64: 128>}, {pipeline_mode = #tpu.pipeline_mode<synchronous>, transform_indices = @transform_3, window_bounds = array<i64: 128>}, {transform_indices = @transform_4, window_bounds = array<i64: 1, 2048, 128>}]} {
    %get3A = arith.constant 0 : index
    %get3A_0 = arith.constant 0 : index
    %get3A_1 = vector.load %arg2[%get3A, %get3A_0] : memref<2x128xf32, #tpu.memory_space<vmem>>, vector<1x128xf32>
    %get3A_2 = vector.shape_cast %get3A_1 : vector<1x128xf32> to vector<128xf32>
    %get3A_3 = arith.constant 1 : index
    %get3A_4 = arith.constant 0 : index
    %get3A_5 = vector.load %arg2[%get3A_3, %get3A_4] : memref<2x128xf32, #tpu.memory_space<vmem>>, vector<1x128xf32>
    %get3A_6 = vector.shape_cast %get3A_5 : vector<1x128xf32> to vector<128xf32>
    %div3A = arith.constant 3.276800e+05 : f32
    %div3A_7 = vector.broadcast %div3A : f32 to vector<128xf32>
    %div3A_8 = arith.divf %get3A_2, %div3A_7 : vector<128xf32>
    %div3A_9 = arith.constant 3.276800e+05 : f32
    %div3A_10 = vector.broadcast %div3A_9 : f32 to vector<128xf32>
    %div3A_11 = arith.divf %get3A_6, %div3A_10 : vector<128xf32>
    %mul3A = arith.mulf %div3A_8, %div3A_8 : vector<128xf32>
    %sub3A = arith.subf %div3A_11, %mul3A : vector<128xf32>
    %get3A_12 = arith.constant 0 : index
    %get3A_13 = vector.load %arg3[%get3A_12] : memref<128xf32, #tpu.memory_space<vmem>>, vector<128xf32>
    %add3A = arith.constant 9.99999974E-6 : f32
    %add3A_14 = vector.broadcast %add3A : f32 to vector<128xf32>
    %add3A_15 = arith.addf %sub3A, %add3A_14 : vector<128xf32>
    %rsqrt3A = math.rsqrt %add3A_15 : vector<128xf32>
    %mul3A_16 = arith.mulf %get3A_13, %rsqrt3A : vector<128xf32>
    %get3A_17 = arith.constant 0 : index
    %get3A_18 = arith.constant 0 : index
    %get3A_19 = arith.constant 0 : index
    %get3A_20 = vector.load %arg1[%get3A_17, %get3A_18, %get3A_19] : memref<1x2048x128xf32, #tpu.memory_space<vmem>>, vector<1x2048x128xf32>
    %get3A_21 = vector.shape_cast %get3A_20 : vector<1x2048x128xf32> to vector<2048x128xf32>
    %broadcast_in_dim3A = vector.shape_cast %div3A_8 : vector<128xf32> to vector<1x128xf32>
    %sub3A_22 = vector.broadcast %broadcast_in_dim3A : vector<1x128xf32> to vector<2048x128xf32>
    %sub3A_23 = arith.subf %get3A_21, %sub3A_22 : vector<2048x128xf32>
    %broadcast_in_dim3A_24 = vector.shape_cast %mul3A_16 : vector<128xf32> to vector<1x128xf32>
    %mul3A_25 = vector.broadcast %broadcast_in_dim3A_24 : vector<1x128xf32> to vector<2048x128xf32>
    %mul3A_26 = arith.mulf %sub3A_23, %mul3A_25 : vector<2048x128xf32>
    %get3A_27 = arith.constant 0 : index
    %get3A_28 = vector.load %arg4[%get3A_27] : memref<128xf32, #tpu.memory_space<vmem>>, vector<128xf32>
    %broadcast_in_dim3A_29 = vector.shape_cast %get3A_28 : vector<128xf32> to vector<1x128xf32>
    %add3A_30 = vector.broadcast %broadcast_in_dim3A_29 : vector<1x128xf32> to vector<2048x128xf32>
    %add3A_31 = arith.addf %mul3A_26, %add3A_30 : vector<2048x128xf32>
    %ge3A = arith.constant 0.000000e+00 : f32
    %ge3A_32 = vector.broadcast %ge3A : f32 to vector<2048x128xf32>
    %ge3A_33 = arith.cmpf oge, %add3A_31, %ge3A_32 : vector<2048x128xf32>
    %mul3A_34 = arith.constant 2.000000e-01 : f32
    %mul3A_35 = vector.broadcast %mul3A_34 : f32 to vector<2048x128xf32>
    %mul3A_36 = arith.mulf %mul3A_35, %add3A_31 : vector<2048x128xf32>
    %select_n3A = arith.select %ge3A_33, %add3A_31, %mul3A_36 : vector<2048x128xi1>, vector<2048x128xf32>
    %swap3A = arith.constant 0 : index
    %swap3A_37 = arith.constant 0 : index
    %swap3A_38 = arith.constant 0 : index
    %swap3A_39 = vector.load %arg5[%swap3A, %swap3A_37, %swap3A_38] : memref<1x2048x128xf32, #tpu.memory_space<vmem>>, vector<1x2048x128xf32>
    %swap3A_40 = vector.shape_cast %swap3A_39 : vector<1x2048x128xf32> to vector<2048x128xf32>
    %swap3A_41 = vector.shape_cast %select_n3A : vector<2048x128xf32> to vector<1x2048x128xf32>
    tpu.vector_store %arg5[%swap3A, %swap3A_37, %swap3A_38], %swap3A_41 {strides = array<i32>} : memref<1x2048x128xf32, #tpu.memory_space<vmem>>, vector<1x2048x128xf32>,
    return
  }
  func.func @transform_0(%arg0: i32) -> (i32, i32, i32) {
    %c0_i32 = arith.constant 0 : i32
    %c0_i32_0 = arith.constant 0 : i32
    %c0_i32_1 = arith.constant 0 : i32
    return %arg0, %c0_i32, %c0_i32_0 : i32, i32, i32
  }
  func.func @transform_1(%arg0: i32) -> (i32, i32) {
    %c0_i32 = arith.constant 0 : i32
    %c0_i32_0 = arith.constant 0 : i32
    %c0_i32_1 = arith.constant 0 : i32
    return %c0_i32, %c0_i32_0 : i32, i32
  }
  func.func @transform_2(%arg0: i32) -> i32 {
    %c0_i32 = arith.constant 0 : i32
    %c0_i32_0 = arith.constant 0 : i32
    return %c0_i32 : i32
  }
  func.func @transform_3(%arg0: i32) -> i32 {
    %c0_i32 = arith.constant 0 : i32
    %c0_i32_0 = arith.constant 0 : i32
    return %c0_i32 : i32
  }
  func.func @transform_4(%arg0: i32) -> (i32, i32, i32) {
    %c0_i32 = arith.constant 0 : i32
    %c0_i32_0 = arith.constant 0 : i32
    %c0_i32_1 = arith.constant 0 : i32
    return %arg0, %c0_i32, %c0_i32_0 : i32, i32, i32
  }
}

module attributes {stable_mosaic.version = 14 : i64} {
  func.func @_final_body(%arg0: i32, %arg1: i32, %arg2: memref<1x256x128xf32, #tpu.memory_space<vmem>>, %arg3: memref<1x256x128xf32, #tpu.memory_space<vmem>>, %arg4: memref<1x256x128xf32, #tpu.memory_space<vmem>>, %arg5: memref<384x128xf32, #tpu.memory_space<vmem>>, %arg6: memref<1x1x128xf32, #tpu.memory_space<vmem>>, %arg7: memref<2x128xf32, #tpu.memory_space<vmem>>) attributes {dimension_semantics = [#tpu.dimension_semantics<arbitrary>, #tpu.dimension_semantics<arbitrary>], iteration_bounds = array<i64: 8, 8>, scalar_prefetch = 0 : i64, scratch_operands = 0 : i64, tpu.core_type = #tpu.core_type<tc>, window_params = [{transform_indices = @transform_0, window_bounds = array<i64: 1, 256, 128>}, {transform_indices = @transform_1, window_bounds = array<i64: 1, 256, 128>}, {transform_indices = @transform_2, window_bounds = array<i64: 1, 256, 128>}, {pipeline_mode = #tpu.pipeline_mode<synchronous>, transform_indices = @transform_3, window_bounds = array<i64: 384, 128>}, {transform_indices = @transform_4, window_bounds = array<i64: 1, 1, 128>}, {pipeline_mode = #tpu.pipeline_mode<synchronous>, transform_indices = @transform_5, window_bounds = array<i64: 2, 128>}]} {
    %get3A = arith.constant 0 : index
    %get3A_0 = arith.constant 0 : index
    %get3A_1 = arith.constant 0 : index
    %get3A_2 = vector.load %arg2[%get3A, %get3A_0, %get3A_1] : memref<1x256x128xf32, #tpu.memory_space<vmem>>, vector<1x256x128xf32>
    %get3A_3 = vector.shape_cast %get3A_2 : vector<1x256x128xf32> to vector<256x128xf32>
    %get3A_4 = arith.constant 0 : index
    %get3A_5 = arith.constant 0 : index
    %get3A_6 = arith.constant 0 : index
    %get3A_7 = vector.load %arg3[%get3A_4, %get3A_5, %get3A_6] : memref<1x256x128xf32, #tpu.memory_space<vmem>>, vector<1x256x128xf32>
    %get3A_8 = vector.shape_cast %get3A_7 : vector<1x256x128xf32> to vector<256x128xf32>
    %get3A_9 = arith.constant 0 : index
    %get3A_10 = arith.constant 0 : index
    %get3A_11 = arith.constant 0 : index
    %get3A_12 = vector.load %arg4[%get3A_9, %get3A_10, %get3A_11] : memref<1x256x128xf32, #tpu.memory_space<vmem>>, vector<1x256x128xf32>
    %get3A_13 = vector.shape_cast %get3A_12 : vector<1x256x128xf32> to vector<256x128xf32>
    %concatenate3A = tpu.concatenate %get3A_3, %get3A_8, %get3A_13 in 1 : vector<256x128xf32>, vector<256x128xf32>, vector<256x128xf32> -> vector<256x384xf32>
    %get3A_14 = arith.constant 0 : index
    %get3A_15 = arith.constant 0 : index
    %get3A_16 = vector.load %arg5[%get3A_14, %get3A_15] : memref<384x128xf32, #tpu.memory_space<vmem>>, vector<384x128xf32>
    %dot_general3A = arith.constant dense<0.000000e+00> : vector<256x128xf32>
    %dot_general3A_17 = tpu.matmul %concatenate3A, %get3A_16, %dot_general3A {dimension_numbers = #tpu.dot_dimension_numbers<[1], [0], [0], [1], [0, 0, 1, 1], [], []>, precision = #tpu.contract_precision<fp32>, transpose_lhs_hint = false} : vector<256x384xf32>, vector<384x128xf32>, vector<256x128xf32> -> vector<256x128xf32>
    %reduce_max3A = arith.constant dense<0xFF800000> : vector<128xf32>
    %reduce_max3A_18 = vector.multi_reduction <maximumf>, %dot_general3A_17, %reduce_max3A [0] : vector<256x128xf32> to vector<128xf32>
    %reduce_sum3A = arith.constant dense<0.000000e+00> : vector<128xf32>
    %reduce_sum3A_19 = vector.multi_reduction <add>, %dot_general3A_17, %reduce_sum3A [0] : vector<256x128xf32> to vector<128xf32>
    %mul3A = arith.mulf %dot_general3A_17, %dot_general3A_17 : vector<256x128xf32>
    %reduce_sum3A_20 = arith.constant dense<0.000000e+00> : vector<128xf32>
    %reduce_sum3A_21 = vector.multi_reduction <add>, %mul3A, %reduce_sum3A_20 [0] : vector<256x128xf32> to vector<128xf32>
    %stack3A = vector.shape_cast %reduce_sum3A_19 : vector<128xf32> to vector<1x128xf32>
    %stack3A_22 = vector.shape_cast %reduce_sum3A_21 : vector<128xf32> to vector<1x128xf32>
    %stack3A_23 = tpu.concatenate %stack3A, %stack3A_22 in 0 : vector<1x128xf32>, vector<1x128xf32> -> vector<2x128xf32>
    %eq3A = arith.constant 0 : i32
    %eq3A_24 = arith.cmpi eq, %arg1, %eq3A : i32
    %convert_element_type3A = arith.extui %eq3A_24 : i1 to i32
    %cond3A = arith.constant 0 : i32
    %cond3A_25 = arith.cmpi ne, %convert_element_type3A, %cond3A : i32
    scf.if %cond3A_25 {
      %broadcast_in_dim3A = vector.shape_cast %reduce_max3A_18 : vector<128xf32> to vector<1x1x128xf32>
      %swap3A = arith.constant 0 : index
      %swap3A_41 = arith.constant 0 : index
      %swap3A_42 = arith.constant 0 : index
      %swap3A_43 = vector.load %arg6[%swap3A, %swap3A_41, %swap3A_42] : memref<1x1x128xf32, #tpu.memory_space<vmem>>, vector<1x1x128xf32>
      tpu.vector_store %arg6[%swap3A, %swap3A_41, %swap3A_42], %broadcast_in_dim3A {strides = array<i32>} : memref<1x1x128xf32, #tpu.memory_space<vmem>>, vector<1x1x128xf32>,
    } else {
    }
    %ne3A = arith.constant 0 : i32
    %ne3A_26 = arith.cmpi ne, %arg1, %ne3A : i32
    %convert_element_type3A_27 = arith.extui %ne3A_26 : i1 to i32
    %cond3A_28 = arith.constant 0 : i32
    %cond3A_29 = arith.cmpi ne, %convert_element_type3A_27, %cond3A_28 : i32
    scf.if %cond3A_29 {
      %get3A_41 = arith.constant 0 : index
      %get3A_42 = arith.constant 0 : index
      %get3A_43 = arith.constant 0 : index
      %get3A_44 = vector.load %arg6[%get3A_41, %get3A_42, %get3A_43] : memref<1x1x128xf32, #tpu.memory_space<vmem>>, vector<1x1x128xf32>
      %broadcast_in_dim3A = vector.shape_cast %reduce_max3A_18 : vector<128xf32> to vector<1x1x128xf32>
      %max3A = arith.maximumf %get3A_44, %broadcast_in_dim3A : vector<1x1x128xf32>
      %swap3A = arith.constant 0 : index
      %swap3A_45 = arith.constant 0 : index
      %swap3A_46 = arith.constant 0 : index
      %swap3A_47 = vector.load %arg6[%swap3A, %swap3A_45, %swap3A_46] : memref<1x1x128xf32, #tpu.memory_space<vmem>>, vector<1x1x128xf32>
      tpu.vector_store %arg6[%swap3A, %swap3A_45, %swap3A_46], %max3A {strides = array<i32>} : memref<1x1x128xf32, #tpu.memory_space<vmem>>, vector<1x1x128xf32>,
    } else {
    }
    %eq3A_30 = arith.constant 0 : i32
    %eq3A_31 = arith.cmpi eq, %arg0, %eq3A_30 : i32
    %eq3A_32 = arith.constant 0 : i32
    %eq3A_33 = arith.cmpi eq, %arg1, %eq3A_32 : i32
    %and3A = arith.andi %eq3A_31, %eq3A_33 : i1
    %convert_element_type3A_34 = arith.extui %and3A : i1 to i32
    %cond3A_35 = arith.constant 0 : i32
    %cond3A_36 = arith.cmpi ne, %convert_element_type3A_34, %cond3A_35 : i32
    scf.if %cond3A_36 {
      %swap3A = arith.constant 0 : index
      %swap3A_41 = arith.constant 0 : index
      %swap3A_42 = vector.load %arg7[%swap3A, %swap3A_41] : memref<2x128xf32, #tpu.memory_space<vmem>>, vector<2x128xf32>
      tpu.vector_store %arg7[%swap3A, %swap3A_41], %stack3A_23 {strides = array<i32>} : memref<2x128xf32, #tpu.memory_space<vmem>>, vector<2x128xf32>,
    } else {
    }
    %not3A = arith.constant true
    %not3A_37 = arith.xori %and3A, %not3A : i1
    %convert_element_type3A_38 = arith.extui %not3A_37 : i1 to i32
    %cond3A_39 = arith.constant 0 : i32
    %cond3A_40 = arith.cmpi ne, %convert_element_type3A_38, %cond3A_39 : i32
    scf.if %cond3A_40 {
      %get3A_41 = arith.constant 0 : index
      %get3A_42 = arith.constant 0 : index
      %get3A_43 = vector.load %arg7[%get3A_41, %get3A_42] : memref<2x128xf32, #tpu.memory_space<vmem>>, vector<2x128xf32>
      %add3A = arith.addf %get3A_43, %stack3A_23 : vector<2x128xf32>
      %swap3A = arith.constant 0 : index
      %swap3A_44 = arith.constant 0 : index
      %swap3A_45 = vector.load %arg7[%swap3A, %swap3A_44] : memref<2x128xf32, #tpu.memory_space<vmem>>, vector<2x128xf32>
      tpu.vector_store %arg7[%swap3A, %swap3A_44], %add3A {strides = array<i32>} : memref<2x128xf32, #tpu.memory_space<vmem>>, vector<2x128xf32>,
    } else {
    }
    return
  }
  func.func @transform_0(%arg0: i32, %arg1: i32) -> (i32, i32, i32) {
    %c0_i32 = arith.constant 0 : i32
    %c0_i32_0 = arith.constant 0 : i32
    return %arg0, %arg1, %c0_i32 : i32, i32, i32
  }
  func.func @transform_1(%arg0: i32, %arg1: i32) -> (i32, i32, i32) {
    %c0_i32 = arith.constant 0 : i32
    %c0_i32_0 = arith.constant 0 : i32
    return %arg0, %arg1, %c0_i32 : i32, i32, i32
  }
  func.func @transform_2(%arg0: i32, %arg1: i32) -> (i32, i32, i32) {
    %c0_i32 = arith.constant 0 : i32
    %c0_i32_0 = arith.constant 0 : i32
    return %arg0, %arg1, %c0_i32 : i32, i32, i32
  }
  func.func @transform_3(%arg0: i32, %arg1: i32) -> (i32, i32) {
    %c0_i32 = arith.constant 0 : i32
    %c0_i32_0 = arith.constant 0 : i32
    %c0_i32_1 = arith.constant 0 : i32
    return %c0_i32, %c0_i32_0 : i32, i32
  }
  func.func @transform_4(%arg0: i32, %arg1: i32) -> (i32, i32, i32) {
    %c0_i32 = arith.constant 0 : i32
    %c0_i32_0 = arith.constant 0 : i32
    %c0_i32_1 = arith.constant 0 : i32
    return %arg0, %c0_i32, %c0_i32_0 : i32, i32, i32
  }
  func.func @transform_5(%arg0: i32, %arg1: i32) -> (i32, i32) {
    %c0_i32 = arith.constant 0 : i32
    %c0_i32_0 = arith.constant 0 : i32
    %c0_i32_1 = arith.constant 0 : i32
    return %c0_i32, %c0_i32_0 : i32, i32
  }
}

module attributes {stable_mosaic.version = 14 : i64} {
  func.func @_epilogue_body(%arg0: memref<8x1x128xf32, #tpu.memory_space<vmem>>, %arg1: memref<2x128xf32, #tpu.memory_space<vmem>>, %arg2: memref<128xf32, #tpu.memory_space<vmem>>, %arg3: memref<128xf32, #tpu.memory_space<vmem>>, %arg4: memref<8x1x128xf32, #tpu.memory_space<vmem>>) attributes {dimension_semantics = [], scalar_prefetch = 0 : i64, scratch_operands = 0 : i64, tpu.core_type = #tpu.core_type<tc>} {
    %get3A = arith.constant 0 : index
    %get3A_0 = arith.constant 0 : index
    %get3A_1 = vector.load %arg1[%get3A, %get3A_0] : memref<2x128xf32, #tpu.memory_space<vmem>>, vector<1x128xf32>
    %get3A_2 = vector.shape_cast %get3A_1 : vector<1x128xf32> to vector<128xf32>
    %div3A = arith.constant 1.638400e+04 : f32
    %div3A_3 = vector.broadcast %div3A : f32 to vector<128xf32>
    %div3A_4 = arith.divf %get3A_2, %div3A_3 : vector<128xf32>
    %get3A_5 = arith.constant 1 : index
    %get3A_6 = arith.constant 0 : index
    %get3A_7 = vector.load %arg1[%get3A_5, %get3A_6] : memref<2x128xf32, #tpu.memory_space<vmem>>, vector<1x128xf32>
    %get3A_8 = vector.shape_cast %get3A_7 : vector<1x128xf32> to vector<128xf32>
    %div3A_9 = arith.constant 1.638400e+04 : f32
    %div3A_10 = vector.broadcast %div3A_9 : f32 to vector<128xf32>
    %div3A_11 = arith.divf %get3A_8, %div3A_10 : vector<128xf32>
    %mul3A = arith.mulf %div3A_4, %div3A_4 : vector<128xf32>
    %sub3A = arith.subf %div3A_11, %mul3A : vector<128xf32>
    %get3A_12 = arith.constant 0 : index
    %get3A_13 = vector.load %arg2[%get3A_12] : memref<128xf32, #tpu.memory_space<vmem>>, vector<128xf32>
    %add3A = arith.constant 9.99999974E-6 : f32
    %add3A_14 = vector.broadcast %add3A : f32 to vector<128xf32>
    %add3A_15 = arith.addf %sub3A, %add3A_14 : vector<128xf32>
    %rsqrt3A = math.rsqrt %add3A_15 : vector<128xf32>
    %mul3A_16 = arith.mulf %get3A_13, %rsqrt3A : vector<128xf32>
    %get3A_17 = arith.constant 0 : index
    %get3A_18 = arith.constant 0 : index
    %get3A_19 = arith.constant 0 : index
    %get3A_20 = vector.load %arg0[%get3A_17, %get3A_18, %get3A_19] : memref<8x1x128xf32, #tpu.memory_space<vmem>>, vector<8x1x128xf32>
    %broadcast_in_dim3A = vector.shape_cast %div3A_4 : vector<128xf32> to vector<1x1x128xf32>
    %sub3A_21 = vector.broadcast %broadcast_in_dim3A : vector<1x1x128xf32> to vector<8x1x128xf32>
    %sub3A_22 = arith.subf %get3A_20, %sub3A_21 : vector<8x1x128xf32>
    %broadcast_in_dim3A_23 = vector.shape_cast %mul3A_16 : vector<128xf32> to vector<1x1x128xf32>
    %mul3A_24 = vector.broadcast %broadcast_in_dim3A_23 : vector<1x1x128xf32> to vector<8x1x128xf32>
    %mul3A_25 = arith.mulf %sub3A_22, %mul3A_24 : vector<8x1x128xf32>
    %get3A_26 = arith.constant 0 : index
    %get3A_27 = vector.load %arg3[%get3A_26] : memref<128xf32, #tpu.memory_space<vmem>>, vector<128xf32>
    %broadcast_in_dim3A_28 = vector.shape_cast %get3A_27 : vector<128xf32> to vector<1x1x128xf32>
    %add3A_29 = vector.broadcast %broadcast_in_dim3A_28 : vector<1x1x128xf32> to vector<8x1x128xf32>
    %add3A_30 = arith.addf %mul3A_25, %add3A_29 : vector<8x1x128xf32>
    %ge3A = arith.constant 0.000000e+00 : f32
    %ge3A_31 = vector.broadcast %ge3A : f32 to vector<8x1x128xf32>
    %ge3A_32 = arith.cmpf oge, %add3A_30, %ge3A_31 : vector<8x1x128xf32>
    %mul3A_33 = arith.constant 2.000000e-01 : f32
    %mul3A_34 = vector.broadcast %mul3A_33 : f32 to vector<8x1x128xf32>
    %mul3A_35 = arith.mulf %mul3A_34, %add3A_30 : vector<8x1x128xf32>
    %select_n3A = arith.select %ge3A_32, %add3A_30, %mul3A_35 : vector<8x1x128xi1>, vector<8x1x128xf32>
    %swap3A = arith.constant 0 : index
    %swap3A_36 = arith.constant 0 : index
    %swap3A_37 = arith.constant 0 : index
    %swap3A_38 = vector.load %arg4[%swap3A, %swap3A_36, %swap3A_37] : memref<8x1x128xf32, #tpu.memory_space<vmem>>, vector<8x1x128xf32>
    tpu.vector_store %arg4[%swap3A, %swap3A_36, %swap3A_37], %select_n3A {strides = array<i32>} : memref<8x1x128xf32, #tpu.memory_space<vmem>>, vector<8x1x128xf32>,
    return
  }
}

</mosaic_0001>

<sc_bundles>
// kernel: kernel.25.cloned.1.call-start
scs
__scs_entry_jumppad:
0x0: {  	(pc) =	sbr.rel $0x88, $3  }
0x1: {  	(tag) =	ssettag $0x0;
	lr =	simm.s32 $0x1  }
0x2: {  	[smem:$0x3F94] =	sst lr;
	_ =	strace $0xD0000000  }
0x3: {  	_ = 	snop  }
0x4: {  	_ = 	snop  }
0x5: {  	_ = 	snop  }
0x6: {  	_ = 	snop  }
0x7: {  	_ = 	snop  }
__scs_overlays_trampoline_lowered:
0x8: {  	[smem:$0x3FA3] =	sst s0  }
0x9: {  	[smem:$0x3FA4] =	sst s1  }
0xa: {  	[smem:$0x3FA5] =	sst s2  }
0xb: {  	[smem:$0x3FA6] =	sst s3  }
0xc: {  	[smem:$0x3FA7] =	sst s4  }
0xd: {  	[smem:$0x3FA8] =	sst s5  }
0xe: {  	[smem:$0x3FA9] =	sst s6  }
0xf: {  	[smem:$0x3FAA] =	sst s7  }
0x10: {  	[smem:$0x3FAB] =	sst s8  }
0x11: {  	[smem:$0x3FAC] =	sst s9;
	s0 =	simm.s32 @!p0 $0x0  }
0x12: {  	s1 =	sld [smem:$0x3F92];
	s0 =	simm.s32 @p0 $0x1  }
0x13: {  	[smem:$0x3FAD] =	sst s0;
	s0 =	simm.s32 @!p1 $0x0  }
0x14: {  	s2 =	sld [smem:$0x3F91];
	s0 =	simm.s32 @p1 $0x1  }
0x15: {  	[smem:$0x3FAE] =	sst s0;
	s0 =	simm.s32 @!p2 $0x0  }
0x16: {  	s3 =	sld [smem:$0x3FDB];
	s0 =	simm.s32 @p2 $0x1  }
0x17: {  	s4 =	simm.s32 $0x1BF5;
	[smem:$0x3FB0] =	sst s0  }
0x18: {  	s0 =	sld [smem:$0x3F93];
	_ =	swait.ge [sflag:s4], $0x0  }
0x19: {  	s7 =	sld [smem:$0x3F94]  }
0x1a: {  	s8 =	sadd.s32 $0xFFFFE003, lr  }
0x1b: {  	s9 =	sadd.s32 $0xFFFFFEF7, lr;
	s5 =	simm.s32 $0xFFFFFFFF;
	p2 =	slt.u32 s8, $0xFFFFF086  }
0x1c: {  	p1 =	slt.u32 s9, $0xF7A;
	s5 =	simm.s32 @!p2 $0x0  }
0x1d: {  	s5 =	simm.s32 @p1 $0x1;
	p0 =	seq.s32 s7, s2  }
0x1e: {  	s7 =	smul.u32 @!p0 $0xF7A, s2;
	p2 =	seq.s32 @!p0 s5, $0x0  }
0x1f: {  	s9 =	smul.u32 $0xF7A, s1;
	s8 =	simm.s32 @!p0 $0x1BF5;
	p2 =	por !p2, p0  }
0x20: {  	[sflag:s8] =	ssyncset.s32 @!p0 $0xFFFFF086;
	s6 =	sadd.s32 @!p0 s3, s7;
	s7 =	simm.s32 @!p0 $0x108  }
0x21: {  	s3 =	sadd.s32 s3, s9;
	s6 =	sadd.s32 @!p0 $0x88, s6;
	s7 =	simm.s32 @p2 $0x1082  }
0x22: {  	[simem:s7], [sflag:s8] =	dma.local @!p0 [hbm:s6], $0xF7A  }
0x23: {  	s9 =	sor.u32 $0xD0000000, s2;
	s6 =	simm.s32 $0x108;
	_ =	swait.ge @!p0 [sflag:s8], $0x0  }
0x24: {  	s3 =	sadd.s32 $0x88, s3;
	s6 =	simm.s32 @!p1 $0x1082;
	[sflag:s4] =	ssyncset.s32 $0xFFFFF086  }
0x25: {  	[simem:s6], [sflag:s4] =	dma.local [hbm:s3], $0xF7A  }
0x26: {  	[smem:$0x3F94] =	sst s1;
	(tag) =	ssettag s2;
	_ =	strace s9  }
0x27: {  	s1 =	sld [smem:$0x3FA4]  }
0x28: {  	s2 =	sld [smem:$0x3FA5]  }
0x29: {  	s4 =	sld [smem:$0x3FA7]  }
0x2a: {  	p0 =	seq.s32 s5, $0x0;
	s5 =	sld [smem:$0x3FA8]  }
0x2b: {  	s6 =	sld [smem:$0x3FA9]  }
0x2c: {  	s7 =	sld [smem:$0x3FAA]  }
0x2d: {  	s3 =	simm.s32 $0x108;
	s8 =	sld [smem:$0x3FAB]  }
0x2e: {  	s3 =	simm.s32 @!p0 $0x1082;
	s9 =	sld [smem:$0x3FAC]  }
0x2f: {  	lr =	sadd.s32 s0, s3;
	s0 =	sld [smem:$0x3FA3]  }
0x30: {  	s3 =	sld [smem:$0x3FA6]  }
0x31: {  	[smem:$0x3FAF] =	sst s10  }
0x32: {  	s10 =	sld [smem:$0x3FAD];
	_ =	sdelay $0x3  }
0x33: {  	p0 =	seq.s32 s10, $0x1;
	s10 =	sld [smem:$0x3FAF];
	_ =	sdelay $0x3  }
0x34: {  	[smem:$0x3FAF] =	sst s10  }
0x35: {  	s10 =	sld [smem:$0x3FAE];
	_ =	sdelay $0x3  }
0x36: {  	p1 =	seq.s32 s10, $0x1;
	s10 =	sld [smem:$0x3FAF];
	_ =	sdelay $0x3  }
0x37: {  	[smem:$0x3FAF] =	sst s10  }
0x38: {  	s10 =	sld [smem:$0x3FB0]  }
0x39: {  	_ = 	snop;
	(pc) =	sbr.ind lr, $3  }
0x3a: {  	_ = 	snop  }
0x3b: {  	_ = 	snop  }
0x3c: {  	p2 =	seq.s32 s10, $0x1;
	s10 =	sld [smem:$0x3FAF]  }
0x3d: {  	_ =	shalt  }
0x3e: {  	_ =	shalt  }
0x3f: {  	_ =	shalt  }
0x40: {  	_ =	shalt  }
0x41: {  	_ =	shalt  }
0x42: {  	_ =	shalt  }
0x43: {  	_ =	shalt  }
0x44: {  	_ =	shalt  }
0x45: {  	_ =	shalt  }
0x46: {  	_ =	shalt  }
0x47: {  	_ =	shalt  }
0x48: {  	_ =	shalt  }
0x49: {  	_ =	shalt  }
0x4a: {  	_ =	shalt  }
0x4b: {  	_ =	shalt  }
0x4c: {  	_ =	shalt  }
0x4d: {  	_ =	shalt  }
0x4e: {  	_ =	shalt  }
0x4f: {  	_ =	shalt  }
0x50: {  	_ =	shalt  }
0x51: {  	_ =	shalt  }
0x52: {  	_ =	shalt  }
0x53: {  	_ =	shalt  }
0x54: {  	_ =	shalt  }
0x55: {  	_ =	shalt  }
0x56: {  	_ =	shalt  }
0x57: {  	_ =	shalt  }
0x58: {  	_ =	shalt  }
0x59: {  	_ =	shalt  }
0x5a: {  	_ =	shalt  }
0x5b: {  	_ =	shalt  }
0x5c: {  	_ =	shalt  }
0x5d: {  	_ =	shalt  }
0x5e: {  	_ =	shalt  }
0x5f: {  	_ =	shalt  }
0x60: {  	_ =	shalt  }
0x61: {  	_ =	shalt  }
0x62: {  	_ =	shalt  }
0x63: {  	_ =	shalt  }
0x64: {  	_ =	shalt  }
0x65: {  	_ =	shalt  }
0x66: {  	_ =	shalt  }
0x67: {  	_ =	shalt  }
0x68: {  	_ =	shalt  }
0x69: {  	_ =	shalt  }
0x6a: {  	_ =	shalt  }
0x6b: {  	_ =	shalt  }
0x6c: {  	_ =	shalt  }
0x6d: {  	_ =	shalt  }
0x6e: {  	_ =	shalt  }
0x6f: {  	_ =	shalt  }
0x70: {  	_ =	shalt  }
0x71: {  	_ =	shalt  }
0x72: {  	_ =	shalt  }
0x73: {  	_ =	shalt  }
0x74: {  	_ =	shalt  }
0x75: {  	_ =	shalt  }
0x76: {  	_ =	shalt  }
0x77: {  	_ =	shalt  }
0x78: {  	_ =	shalt  }
0x79: {  	_ =	shalt  }
0x7a: {  	_ =	shalt  }
0x7b: {  	_ =	shalt  }
0x7c: {  	_ =	shalt  }
0x7d: {  	_ =	shalt  }
0x7e: {  	_ =	shalt  }
0x7f: {  	_ =	shalt  }
0x80: {  	_ =	shalt  }
0x81: {  	_ =	shalt  }
0x82: {  	_ =	shalt  }
0x83: {  	_ =	shalt  }
0x84: {  	_ =	shalt  }
0x85: {  	_ =	shalt  }
0x86: {  	_ =	shalt  }
0x87: {  	_ =	shalt  }
.Lfunc_end0:
.L_simem_size_0:
called_computation_lowered:
.L_overlay_start_0:
0x88: {  	s2 =	sld [smem:$0x3FD9]  }
0x89: {  	s3 =	sld [smem:$0x3FFE];
	_ =	sdelay $0x1  }
0x8a: {  	s1 =	srdreg.scid  }
0x8b: {  	s0 =	sand.u32 $0x1, s1  }
0x8c: {  	s16 =	sshll.u32 s0, $0xA;
	s2 =	sadd.s32 s3, s2  }
0x8d: {  	s2 =	sadd.s32 s2, s16  }
0x8e: {  	[smem:$0x3FBB] =	sst s2  }
0x8f: {  	_ = 	snop  }
0x90: {  	(tm) =	ssettm $0x1  }
0x91: {  	s17 =	sld [smem:$0x3FFB];
	_ =	sdelay $0x3  }
0x92: {  	_ =	strace s17  }
0x93: {  	s2 =	sld [smem:$0x3FFC];
	_ =	sdelay $0x3  }
0x94: {  	_ =	strace s2  }
0x95: {  	s2 =	sld [smem:$0x3FFD];
	_ =	sdelay $0x3  }
0x96: {  	_ =	strace s2  }
0x97: {  	_ =	strace $0x8FFFFFFF  }
0x98: {  	s18 =	sld [smem:$0x3FDB];
	_ =	sdelay $0x1  }
0x99: {  	s19 =	simm.s32 $_scs_section_size  }
0x9a: {  	s4 =	simm.s32 $_size__tile_overlayer_lowered;
	s5 =	simm.s32 $_tile_overlayer_lowered  }
0x9b: {  	s22 =	simm.s32 $0x1BFF;
	s21 =	sshll.u32 s5, $0x1;
	s2 =	sadd.s32 s19, s18  }
0x9c: {  	s6 =	simm.s32 $0x0;
	s20 =	sshll.u32 s4, $0x1;
	s4 =	sadd.s32 s21, s2  }
0x9d: {  	[timem:s6], [sflag:s22] =	dma.local [hbm:s4], s20  }
0x9e: {  	_ =	swait.ge [sflag:s22], s20  }
0x9f: {  	s3 =	ssub.s32 $0x0, s20;
	[sflag:s22] =	ssyncset.done $0x0  }
0xa0: {  	[sflag:s22] =	ssyncadd.s32 s3;
	_ =	sdelay $0x1  }
0xa1: {  	s23 =	simm.s32 $0x1B8B  }
0xa2: {  	_ =	swait.ge [sflag:s23], $0x1  }
0xa3: {  	[sflag:s23] =	ssyncset.done $0x0  }
0xa4: {  	s25 =	simm.s32 $0x1B8E;
	s24 =	sld [smem:$0x3FFE];
	[sflag:s23] =	ssyncadd.s32 $0xFFFFFFFF  }
0xa5: {  	s26 =	simm.s32 $execute0_lowered;
	[smem:$0x3FD2] =	sst s25  }
0xa6: {  	s4 =	sshll.u32 s26, $0x1;
	_ =	strace $0x80000046;
	[dreg:$0x1] =	wrdreg $0xFFFFFFFF  }
0xa7: {  	s28 =	simm.s32 $_size_execute0_lowered;
	s2 =	sadd.s32 s2, s4;
	[dreg:$0x0] =	wrdreg $0x0  }
0xa8: {  	s4 =	sshll.u32 s28, $0x1;
	[dreg:$0x2] =	wrdreg s2  }
0xa9: {  	[dreg:$0x3] =	wrdreg s4  }
0xaa: {  	[dreg:$0x4] =	wrdreg $0xC0  }
0xab: {  	_ =	task [dreg:s6], $0x5FFFF  }
0xac: {  	[dreg:$0x1] =	wrdreg $0xFFFFFFFF  }
0xad: {  	[dreg:$0x0] =	wrdreg $0x60  }
0xae: {  	[dreg:$0x2] =	wrdreg s24  }
0xaf: {  	[dreg:$0x3] =	wrdreg $0x9  }
0xb0: {  	_ =	task.clear_ibuf [dreg:s6], $0x4FFFF;
	_ =	strace $0x90000046  }
0xb1: {  	s29 =	simm.s32 $0x9;
	_ =	strace $0x80000048  }
0xb2: {  	_ =	swait.ge [sflag:s29], $0x1  }
0xb3: {  	[sflag:s29] =	ssyncadd.s32 $0xFFFFFFFF  }
0xb4: {  	_ =	strace $0x90000048  }
0xb5: {  	_ =	sfence  }
0xb6: {  	s30 =	sld [smem:$0x0];
	_ =	sdelay $0x2  }
0xb7: {  	s31 =	sshll.u32 s1, $0xD;
	s1 =	sshrl.u32 s1, $0x2  }
0xb8: {  	s3 =	sand.u32 $0x4000, s31;
	s1 =	sadd.s32 s1, s30  }
0xb9: {  	s0 =	sor.u32 s3, s0;
	s1 =	sshll.u32 s1, $0x11  }
0xba: {  	s0 =	sor.u32 s1, s0  }
0xbb: {  	s0 =	sadd.s32 $0x8F2B, s0  }
0xbc: {  	[sflag:s0] =	ssyncadd.remote.s32 $0x1  }
0xbd: {  	_ =	sfence.sel $0xFFFF  }
0xbe: {  	[dreg:$0x0] =	wrdreg $0xFFFFFFFF;
	(pc) =	sbr.abs _section_cstart, $3  }
0xbf: {  	[dreg:$0x1] =	wrdreg $0xFFFFFFFF  }
0xc0: {  	_ =	task.clear_ibuf [dreg:s6], $0x2FFFF;
	_ =	strace $0x9FFFFFFF  }
0xc1: {  	(tm) =	ssettm $0x7FFFFFFF  }
tec
execute0_lowered:
.L_overlay_start_1:
0x0: {  	(tag) =	ssettag $0x1  }
0x1: {  	s4 =	rddreg [dreg:$0x0]  }
0x2: {  	s0 =	rddreg [dreg:$0x1];
	s2 =	simm.s32 $0x0;
	s1 =	stileid.u32  }
0x3: {  	s3 =	srdreg.scid;
	s12 =	simm.s32 $0xA300;
	s13 =	simm.s32 $0x1  }
0x4: {  	s14 =	simm.s32 $0x2;
	s15 =	simm.s32 $0x3;
	s16 =	simm.s32 $0x4  }
0x5: {  	s17 =	simm.s32 $0x0;
	[smem:$0x7FF] =	sst s2;
	s5 =	smul.u32 $0x28000, s1  }
0x6: {  	s6 =	sand.u32 $0x1, s3;
	s7 =	smul.u32 $0x2800, s1;
	s3 =	sadd.s32 $0x5E00, s4  }
0x7: {  	s10 =	sadd.s32 $0x45E00, s4;
	s8 =	ssub.s32 $0x2, s6;
	s9 =	smul.u32 $0x1400, s6  }
0x8: {  	_ =	strace $0x80000047;
	s6 =	smul.u32 $0x14000, s6;
	s11 =	sshrl.u32 s8, $0x1  }
0x9: {  	s5 =	sadd.s32 s5, s4;
	s30 =	ssub.s32 s8, s11;
	s7 =	sadd.s32 s9, s7  }
0xa: {  	s5 =	sadd.s32 s6, s5;
	s8 =	simm.s32 $0x5;
	s9 =	simm.s32 $0x140  }
0xb: {  	s11 =	simm.s32 $0x180;
	s4 =	smax.u32 s30, $0x1;
	s31 =	sor.u32 $0x140, s7  }
0xc: {  	s5 =	sadd.s32 $0x4C200, s5;
	s7 =	sshrl.u32 s7, $0x3;
	s6 =	sshrl.u32 s31, $0x3  }
0xd: {  	s7 =	sadd.s32 s7, s10;
	s6 =	sadd.s32 s6, s10;
	s10 =	simm.s32 $0x300  }
.LBB2_1:
0xe: {  	s18 =	sadd.s32 $0x0, s7  }
0xf: {  	[tilespmem:s2], [sflag:$0x5] =	stream.linear.gather [hbm4b:s18+s2], $0x140, $0x38;
	[tilespmem:$0x14300] =	vst v63  }
0x10: {  	_ =	swait.ge [sflag:s8], $0x140  }
0x11: {  	[sflag:s8] =	ssyncset.done $0x0  }
0x12: {  	[sflag:s8] =	ssyncadd.s32 $0xFFFFFEC0  }
0x13: {  	[tilespmem:s10], [sflag:$0x1] =	stream.indirect.gather [hbm4b:s3+s9], $0x80, s2, s9, $0xb8;
	[tilespmem:$0x14300] =	vst v63  }
0x14: {  	s30 =	sadd.s32 $0x0, s6  }
0x15: {  	[tilespmem:s11], [sflag:$0x5] =	stream.linear.gather [hbm4b:s30+s2], $0x140, $0x38;
	[tilespmem:$0x14300] =	vst v63  }
0x16: {  	_ =	swait.ge [sflag:s8], $0x140  }
0x17: {  	[sflag:s8] =	ssyncset.done $0x0  }
0x18: {  	[sflag:s8] =	ssyncadd.s32 $0xFFFFFEC0  }
0x19: {  	[tilespmem:s12], [sflag:$0x2] =	stream.indirect.gather [hbm4b:s3+s9], $0x80, s11, s9, $0xb8;
	[tilespmem:$0x14300] =	vst v63  }
0x1a: {  	_ =	swait.ge [sflag:s13], $0xA000  }
0x1b: {  	[sflag:s13] =	ssyncset.done $0x0  }
0x1c: {  	s31 =	sadd.s32 $0xFFFFEC00, s5;
	[sflag:s13] =	ssyncadd.s32 $0xFFFF6000  }
0x1d: {  	[hbm4b:s31+s2] =	stream.linear.scatter [tilespmem:s10], [sflag:$0x3], $0xA000, $0x38;
	[tilespmem:$0x14300] =	vst v63  }
0x1e: {  	_ =	swait.ge [sflag:s14], $0xA000  }
0x1f: {  	[sflag:s14] =	ssyncset.done $0x0  }
0x20: {  	[sflag:s14] =	ssyncadd.s32 $0xFFFF6000  }
0x21: {  	[hbm4b:s5+s2] =	stream.linear.scatter [tilespmem:s12], [sflag:$0x4], $0xA000, $0x38;
	[tilespmem:$0x14300] =	vst v63  }
0x22: {  	_ =	swait.ge [sflag:s15], $0xA000  }
0x23: {  	[sflag:s15] =	ssyncset.done $0x0  }
0x24: {  	[sflag:s15] =	ssyncadd.s32 $0xFFFF6000  }
0x25: {  	s19 =	simm.s32 $0x50;
	_ =	swait.ge [sflag:s16], $0xA000  }
0x26: {  	s20 =	simm.s32 $0xA0;
	s18 =	sadd.s32 $0x2800, s5;
	[sflag:s16] =	ssyncset.done $0x0  }
.LBB2_2:
0x27: {  	s21 =	sadd.s32 s19, s7  }
0x28: {  	[sflag:s16] =	ssyncadd.s32 $0xFFFF6000;
	s22 =	smov.u32 s20;
	s23 =	sadd.s32 $0x50, s20  }
0x29: {  	[tilespmem:s2], [sflag:$0x5] =	stream.linear.gather [hbm4b:s21+s2], $0x140, $0x38;
	[tilespmem:$0x14300] =	vst v63  }
0x2a: {  	p0 =	sne.s32 s20, $0x230;
	_ =	swait.ge [sflag:s8], $0x140  }
0x2b: {  	[sflag:s8] =	ssyncset.done $0x0  }
0x2c: {  	[sflag:s8] =	ssyncadd.s32 $0xFFFFFEC0  }
0x2d: {  	[tilespmem:s10], [sflag:$0x1] =	stream.indirect.gather [hbm4b:s3+s9], $0x80, s2, s9, $0xb8;
	[tilespmem:$0x14300] =	vst v63  }
0x2e: {  	s20 =	sadd.s32 s19, s6;
	s19 =	smov.u32 s22  }
0x2f: {  	[tilespmem:s11], [sflag:$0x5] =	stream.linear.gather [hbm4b:s20+s2], $0x140, $0x38;
	[tilespmem:$0x14300] =	vst v63  }
0x30: {  	_ =	swait.ge [sflag:s8], $0x140  }
0x31: {  	[sflag:s8] =	ssyncset.done $0x0  }
0x32: {  	[sflag:s8] =	ssyncadd.s32 $0xFFFFFEC0  }
0x33: {  	[tilespmem:s12], [sflag:$0x2] =	stream.indirect.gather [hbm4b:s3+s9], $0x80, s11, s9, $0xb8;
	[tilespmem:$0x14300] =	vst v63  }
0x34: {  	_ =	swait.ge [sflag:s13], $0xA000  }
0x35: {  	[sflag:s13] =	ssyncset.done $0x0  }
0x36: {  	s20 =	sadd.s32 $0xFFFFEC00, s18;
	[sflag:s13] =	ssyncadd.s32 $0xFFFF6000  }
0x37: {  	[hbm4b:s20+s2] =	stream.linear.scatter [tilespmem:s10], [sflag:$0x3], $0xA000, $0x38;
	[tilespmem:$0x14300] =	vst v63  }
0x38: {  	_ =	swait.ge [sflag:s14], $0xA000  }
0x39: {  	[sflag:s14] =	ssyncset.done $0x0  }
0x3a: {  	[sflag:s14] =	ssyncadd.s32 $0xFFFF6000  }
0x3b: {  	[hbm4b:s18+s2] =	stream.linear.scatter [tilespmem:s12], [sflag:$0x4], $0xA000, $0x38;
	[tilespmem:$0x14300] =	vst v63  }
.Ltmp0:
0x3c: {  	_ =	swait.ge [sflag:s15], $0xA000;
	(pc) =	sbr.rel @p0 .LBB2_2-.Ltmp0, $4  }
0x3d: {  	[sflag:s15] =	ssyncset.done $0x0  }
0x3e: {  	[sflag:s15] =	ssyncadd.s32 $0xFFFF6000  }
0x3f: {  	_ =	swait.ge [sflag:s16], $0xA000  }
0x40: {  	s20 =	smov.u32 s23;
	s18 =	sadd.s32 $0x2800, s18;
	[sflag:s16] =	ssyncset.done $0x0  }
0x41: {  	s20 =	sadd.s32 s19, s7;
	[sflag:s16] =	ssyncadd.s32 $0xFFFF6000  }
0x42: {  	[tilespmem:s2], [sflag:$0x5] =	stream.linear.gather [hbm4b:s20+s2], $0x140, $0x38;
	[tilespmem:$0x14300] =	vst v63  }
0x43: {  	_ =	swait.ge [sflag:s8], $0x140  }
0x44: {  	[sflag:s8] =	ssyncset.done $0x0  }
0x45: {  	[sflag:s8] =	ssyncadd.s32 $0xFFFFFEC0  }
0x46: {  	[tilespmem:s10], [sflag:$0x1] =	stream.indirect.gather [hbm4b:s3+s9], $0x80, s2, s9, $0xb8;
	[tilespmem:$0x14300] =	vst v63  }
0x47: {  	s30 =	sadd.s32 s19, s6  }
0x48: {  	[tilespmem:s11], [sflag:$0x5] =	stream.linear.gather [hbm4b:s30+s2], $0x140, $0x38;
	[tilespmem:$0x14300] =	vst v63  }
0x49: {  	_ =	swait.ge [sflag:s8], $0x140  }
0x4a: {  	[sflag:s8] =	ssyncset.done $0x0  }
0x4b: {  	[sflag:s8] =	ssyncadd.s32 $0xFFFFFEC0  }
0x4c: {  	[tilespmem:s12], [sflag:$0x2] =	stream.indirect.gather [hbm4b:s3+s9], $0x80, s11, s9, $0xb8;
	[tilespmem:$0x14300] =	vst v63  }
0x4d: {  	_ =	swait.ge [sflag:s13], $0xA000  }
0x4e: {  	[sflag:s13] =	ssyncset.done $0x0  }
0x4f: {  	s31 =	sadd.s32 $0xFFFFEC00, s18;
	[sflag:s13] =	ssyncadd.s32 $0xFFFF6000  }
0x50: {  	[hbm4b:s31+s2] =	stream.linear.scatter [tilespmem:s10], [sflag:$0x3], $0xA000, $0x38;
	[tilespmem:$0x14300] =	vst v63  }
0x51: {  	_ =	swait.ge [sflag:s14], $0xA000  }
0x52: {  	[sflag:s14] =	ssyncset.done $0x0  }
0x53: {  	s17 =	sadd.s32 $0x1, s17;
	[sflag:s14] =	ssyncadd.s32 $0xFFFF6000  }
0x54: {  	[hbm4b:s18+s2] =	stream.linear.scatter [tilespmem:s12], [sflag:$0x4], $0xA000, $0x38;
	[tilespmem:$0x14300] =	vst v63  }
0x55: {  	p0 =	sne.s32 s17, s4;
	_ =	swait.ge [sflag:s15], $0xA000  }
.Ltmp1:
0x56: {  	[sflag:s15] =	ssyncset.done $0x0;
	(pc) =	sbr.rel @p0 .LBB2_1-.Ltmp1, $4  }
0x57: {  	[sflag:s15] =	ssyncadd.s32 $0xFFFF6000  }
0x58: {  	_ =	swait.ge [sflag:s16], $0xA000  }
0x59: {  	[sflag:s16] =	ssyncset.done $0x0  }
0x5a: {  	[sflag:s16] =	ssyncadd.s32 $0xFFFF6000  }
0x5b: {  	_ =	sfence.sel $0x180000  }
0x5c: {  	[bflag:$0x0] =	sbarrier.arrive $0xFFFF  }
0x5d: {  	p0 =	sne.s32 s1, $0x0;
	_ =	strace $0x90000047  }
0x5e: {  	s0 =	sadd.s32 @!p0 $0x100000, s0;
	[bflag:$0x2] =	sbarrier.arrive $0xFFFF  }
0x5f: {  	[sflag:s0] =	ssyncadd.tile.s32 @!p0 $0x1;
	_ =	shalt  }
.Lfunc_end2:
_tile_overlayer_lowered:
.L_overlay_start_2:
0x60: {  	(tag) =	ssettag $0x2  }
0x61: {  	s0 =	rddreg [dreg:$0x0];
	s2 =	stileid.u32  }
0x62: {  	s1 =	rddreg [dreg:$0x1];
	p0 =	sne.s32 s2, $0x0  }
0x63: {  	s3 =	rddreg [dreg:$0x2];
	[bflag:$0x3] =	sbarrier.arrive $0xFFFF;
	s2 =	simm.s32 @!p0 $0x1C05  }
0x64: {  	[timem:s3], [sflag:s2] =	dma.local @!p0 [hbm:s0], s1  }
0x65: {  	s0 =	simm.s32 @!p0 $0x5  }
0x66: {  	_ =	swait.ge @!p0 [sflag:s0], s1  }
0x67: {  	s1 =	ssub.s32 @!p0 $0x0, s1;
	[sflag:s0] =	ssyncset.done @!p0 $0x0  }
0x68: {  	[sflag:s0] =	ssyncadd.s32 @!p0 s1  }
0x69: {  	[bflag:$0x3] =	sbarrier.arrive $0xFFFF  }
0x6a: {  	_ =	shalt  }

// kernel: kernel.28.cloned.1.call-start
scs
__scs_entry_jumppad:
0x0: {  	(pc) =	sbr.rel $0x88, $3  }
0x1: {  	(tag) =	ssettag $0x0;
	lr =	simm.s32 $0x1  }
0x2: {  	[smem:$0x3F94] =	sst lr;
	_ =	strace $0xD0000000  }
0x3: {  	_ = 	snop  }
0x4: {  	_ = 	snop  }
0x5: {  	_ = 	snop  }
0x6: {  	_ = 	snop  }
0x7: {  	_ = 	snop  }
__scs_overlays_trampoline_lowered:
0x8: {  	[smem:$0x3FA3] =	sst s0  }
0x9: {  	[smem:$0x3FA4] =	sst s1  }
0xa: {  	[smem:$0x3FA5] =	sst s2  }
0xb: {  	[smem:$0x3FA6] =	sst s3  }
0xc: {  	[smem:$0x3FA7] =	sst s4  }
0xd: {  	[smem:$0x3FA8] =	sst s5  }
0xe: {  	[smem:$0x3FA9] =	sst s6  }
0xf: {  	[smem:$0x3FAA] =	sst s7  }
0x10: {  	[smem:$0x3FAB] =	sst s8  }
0x11: {  	[smem:$0x3FAC] =	sst s9;
	s0 =	simm.s32 @!p0 $0x0  }
0x12: {  	s1 =	sld [smem:$0x3F92];
	s0 =	simm.s32 @p0 $0x1  }
0x13: {  	[smem:$0x3FAD] =	sst s0;
	s0 =	simm.s32 @!p1 $0x0  }
0x14: {  	s2 =	sld [smem:$0x3F91];
	s0 =	simm.s32 @p1 $0x1  }
0x15: {  	[smem:$0x3FAE] =	sst s0;
	s0 =	simm.s32 @!p2 $0x0  }
0x16: {  	s3 =	sld [smem:$0x3FDB];
	s0 =	simm.s32 @p2 $0x1  }
0x17: {  	s4 =	simm.s32 $0x1BF5;
	[smem:$0x3FB0] =	sst s0  }
0x18: {  	s0 =	sld [smem:$0x3F93];
	_ =	swait.ge [sflag:s4], $0x0  }
0x19: {  	s7 =	sld [smem:$0x3F94]  }
0x1a: {  	s8 =	sadd.s32 $0xFFFFE003, lr  }
0x1b: {  	s9 =	sadd.s32 $0xFFFFFEF7, lr;
	s5 =	simm.s32 $0xFFFFFFFF;
	p2 =	slt.u32 s8, $0xFFFFF086  }
0x1c: {  	p1 =	slt.u32 s9, $0xF7A;
	s5 =	simm.s32 @!p2 $0x0  }
0x1d: {  	s5 =	simm.s32 @p1 $0x1;
	p0 =	seq.s32 s7, s2  }
0x1e: {  	s7 =	smul.u32 @!p0 $0xF7A, s2;
	p2 =	seq.s32 @!p0 s5, $0x0  }
0x1f: {  	s9 =	smul.u32 $0xF7A, s1;
	s8 =	simm.s32 @!p0 $0x1BF5;
	p2 =	por !p2, p0  }
0x20: {  	[sflag:s8] =	ssyncset.s32 @!p0 $0xFFFFF086;
	s6 =	sadd.s32 @!p0 s3, s7;
	s7 =	simm.s32 @!p0 $0x108  }
0x21: {  	s3 =	sadd.s32 s3, s9;
	s6 =	sadd.s32 @!p0 $0x88, s6;
	s7 =	simm.s32 @p2 $0x1082  }
0x22: {  	[simem:s7], [sflag:s8] =	dma.local @!p0 [hbm:s6], $0xF7A  }
0x23: {  	s9 =	sor.u32 $0xD0000000, s2;
	s6 =	simm.s32 $0x108;
	_ =	swait.ge @!p0 [sflag:s8], $0x0  }
0x24: {  	s3 =	sadd.s32 $0x88, s3;
	s6 =	simm.s32 @!p1 $0x1082;
	[sflag:s4] =	ssyncset.s32 $0xFFFFF086  }
0x25: {  	[simem:s6], [sflag:s4] =	dma.local [hbm:s3], $0xF7A  }
0x26: {  	[smem:$0x3F94] =	sst s1;
	(tag) =	ssettag s2;
	_ =	strace s9  }
0x27: {  	s1 =	sld [smem:$0x3FA4]  }
0x28: {  	s2 =	sld [smem:$0x3FA5]  }
0x29: {  	s4 =	sld [smem:$0x3FA7]  }
0x2a: {  	p0 =	seq.s32 s5, $0x0;
	s5 =	sld [smem:$0x3FA8]  }
0x2b: {  	s6 =	sld [smem:$0x3FA9]  }
0x2c: {  	s7 =	sld [smem:$0x3FAA]  }
0x2d: {  	s3 =	simm.s32 $0x108;
	s8 =	sld [smem:$0x3FAB]  }
0x2e: {  	s3 =	simm.s32 @!p0 $0x1082;
	s9 =	sld [smem:$0x3FAC]  }
0x2f: {  	lr =	sadd.s32 s0, s3;
	s0 =	sld [smem:$0x3FA3]  }
0x30: {  	s3 =	sld [smem:$0x3FA6]  }
0x31: {  	[smem:$0x3FAF] =	sst s10  }
0x32: {  	s10 =	sld [smem:$0x3FAD];
	_ =	sdelay $0x3  }
0x33: {  	p0 =	seq.s32 s10, $0x1;
	s10 =	sld [smem:$0x3FAF];
	_ =	sdelay $0x3  }
0x34: {  	[smem:$0x3FAF] =	sst s10  }
0x35: {  	s10 =	sld [smem:$0x3FAE];
	_ =	sdelay $0x3  }
0x36: {  	p1 =	seq.s32 s10, $0x1;
	s10 =	sld [smem:$0x3FAF];
	_ =	sdelay $0x3  }
0x37: {  	[smem:$0x3FAF] =	sst s10  }
0x38: {  	s10 =	sld [smem:$0x3FB0]  }
0x39: {  	_ = 	snop;
	(pc) =	sbr.ind lr, $3  }
0x3a: {  	_ = 	snop  }
0x3b: {  	_ = 	snop  }
0x3c: {  	p2 =	seq.s32 s10, $0x1;
	s10 =	sld [smem:$0x3FAF]  }
0x3d: {  	_ =	shalt  }
0x3e: {  	_ =	shalt  }
0x3f: {  	_ =	shalt  }
0x40: {  	_ =	shalt  }
0x41: {  	_ =	shalt  }
0x42: {  	_ =	shalt  }
0x43: {  	_ =	shalt  }
0x44: {  	_ =	shalt  }
0x45: {  	_ =	shalt  }
0x46: {  	_ =	shalt  }
0x47: {  	_ =	shalt  }
0x48: {  	_ =	shalt  }
0x49: {  	_ =	shalt  }
0x4a: {  	_ =	shalt  }
0x4b: {  	_ =	shalt  }
0x4c: {  	_ =	shalt  }
0x4d: {  	_ =	shalt  }
0x4e: {  	_ =	shalt  }
0x4f: {  	_ =	shalt  }
0x50: {  	_ =	shalt  }
0x51: {  	_ =	shalt  }
0x52: {  	_ =	shalt  }
0x53: {  	_ =	shalt  }
0x54: {  	_ =	shalt  }
0x55: {  	_ =	shalt  }
0x56: {  	_ =	shalt  }
0x57: {  	_ =	shalt  }
0x58: {  	_ =	shalt  }
0x59: {  	_ =	shalt  }
0x5a: {  	_ =	shalt  }
0x5b: {  	_ =	shalt  }
0x5c: {  	_ =	shalt  }
0x5d: {  	_ =	shalt  }
0x5e: {  	_ =	shalt  }
0x5f: {  	_ =	shalt  }
0x60: {  	_ =	shalt  }
0x61: {  	_ =	shalt  }
0x62: {  	_ =	shalt  }
0x63: {  	_ =	shalt  }
0x64: {  	_ =	shalt  }
0x65: {  	_ =	shalt  }
0x66: {  	_ =	shalt  }
0x67: {  	_ =	shalt  }
0x68: {  	_ =	shalt  }
0x69: {  	_ =	shalt  }
0x6a: {  	_ =	shalt  }
0x6b: {  	_ =	shalt  }
0x6c: {  	_ =	shalt  }
0x6d: {  	_ =	shalt  }
0x6e: {  	_ =	shalt  }
0x6f: {  	_ =	shalt  }
0x70: {  	_ =	shalt  }
0x71: {  	_ =	shalt  }
0x72: {  	_ =	shalt  }
0x73: {  	_ =	shalt  }
0x74: {  	_ =	shalt  }
0x75: {  	_ =	shalt  }
0x76: {  	_ =	shalt  }
0x77: {  	_ =	shalt  }
0x78: {  	_ =	shalt  }
0x79: {  	_ =	shalt  }
0x7a: {  	_ =	shalt  }
0x7b: {  	_ =	shalt  }
0x7c: {  	_ =	shalt  }
0x7d: {  	_ =	shalt  }
0x7e: {  	_ =	shalt  }
0x7f: {  	_ =	shalt  }
0x80: {  	_ =	shalt  }
0x81: {  	_ =	shalt  }
0x82: {  	_ =	shalt  }
0x83: {  	_ =	shalt  }
0x84: {  	_ =	shalt  }
0x85: {  	_ =	shalt  }
0x86: {  	_ =	shalt  }
0x87: {  	_ =	shalt  }
.Lfunc_end0:
.L_simem_size_0:
called_computation.1_lowered:
.L_overlay_start_0:
0x88: {  	s2 =	sld [smem:$0x3FD9]  }
0x89: {  	s3 =	sld [smem:$0x3FFE];
	_ =	sdelay $0x1  }
0x8a: {  	s1 =	srdreg.scid  }
0x8b: {  	s0 =	sand.u32 $0x1, s1  }
0x8c: {  	s17 =	sshll.u32 s0, $0xA;
	s2 =	sadd.s32 s3, s2  }
0x8d: {  	s2 =	sadd.s32 s2, s17  }
0x8e: {  	[smem:$0x3FBB] =	sst s2  }
0x8f: {  	_ = 	snop  }
0x90: {  	(tm) =	ssettm $0x1  }
0x91: {  	s18 =	sld [smem:$0x3FFB];
	_ =	sdelay $0x3  }
0x92: {  	_ =	strace s18  }
0x93: {  	s2 =	sld [smem:$0x3FFC];
	_ =	sdelay $0x3  }
0x94: {  	_ =	strace s2  }
0x95: {  	s2 =	sld [smem:$0x3FFD];
	_ =	sdelay $0x3  }
0x96: {  	_ =	strace s2  }
0x97: {  	_ =	strace $0x8FFFFFFF  }
0x98: {  	s19 =	sld [smem:$0x3FDB];
	_ =	sdelay $0x1  }
0x99: {  	s20 =	simm.s32 $_scs_section_size  }
0x9a: {  	s4 =	simm.s32 $_size__tile_overlayer_lowered;
	s5 =	simm.s32 $_tile_overlayer_lowered  }
0x9b: {  	s6 =	simm.s32 $0x1BFF;
	s21 =	sshll.u32 s5, $0x1;
	s3 =	sadd.s32 s20, s19  }
0x9c: {  	s22 =	simm.s32 $0x0;
	s4 =	sshll.u32 s4, $0x1;
	s5 =	sadd.s32 s21, s3  }
0x9d: {  	[timem:s22], [sflag:s6] =	dma.local [hbm:s5], s4  }
0x9e: {  	_ =	swait.ge [sflag:s6], s4  }
0x9f: {  	s4 =	ssub.s32 $0x0, s4;
	[sflag:s6] =	ssyncset.done $0x0  }
0xa0: {  	[sflag:s6] =	ssyncadd.s32 s4;
	_ =	sdelay $0x1  }
0xa1: {  	s23 =	simm.s32 $0x1B8B  }
0xa2: {  	_ =	swait.ge [sflag:s23], $0x1  }
0xa3: {  	[sflag:s23] =	ssyncset.done $0x0  }
0xa4: {  	[sflag:s23] =	ssyncadd.s32 $0xFFFFFFFF  }
0xa5: {  	s4 =	sld [smem:$0x0]  }
0xa6: {  	s5 =	sand.u32 $0xFFFFFFFE, s1  }
0xa7: {  	p0 =	sne.s32 s1, s5  }
0xa8: {  	s5 =	sshll.u32 @p0 s5, $0xE  }
0xa9: {  	s5 =	sadd.s32 @p0 $0x11B8D, s5;
	s6 =	sshll.u32 @p0 s4, $0x11  }
0xaa: {  	s5 =	sor.u32 @p0 s6, s5  }
0xab: {  	[sflag:s5] =	ssyncadd.remote.s32 @p0 $0x1;
	_ =	sdelay $0x1  }
0xac: {  	s5 =	simm.s32 @p0 $0x1B8D  }
0xad: {  	_ =	swait.eq @p0 [sflag:s5], $0x1  }
0xae: {  	[sflag:s5] =	ssyncadd.s32 @p0 $0xFFFFFFFF  }
0xaf: {  	s6 =	sshll.u32 @!p0 s1, $0xE  }
0xb0: {  	s6 =	sor.u32 @!p0 $0x4000, s6;
	s5 =	simm.s32 @!p0 $0x1B8D  }
0xb1: {  	s4 =	sshll.u32 @!p0 s4, $0x11;
	s6 =	sadd.s32 @!p0 $0x11B8D, s6;
	_ =	swait.eq @!p0 [sflag:s5], $0x1  }
0xb2: {  	s4 =	sor.u32 @!p0 s4, s6;
	[sflag:s5] =	ssyncadd.s32 @!p0 $0xFFFFFFFF  }
0xb3: {  	s25 =	simm.s32 $0x1B8E;
	s24 =	sld [smem:$0x3FFE];
	[sflag:s4] =	ssyncadd.remote.s32 @!p0 $0x1  }
0xb4: {  	s26 =	simm.s32 $execute0_lowered;
	[smem:$0x3FD2] =	sst s25  }
0xb5: {  	s5 =	sshll.u32 s26, $0x1;
	_ =	strace $0x80000049;
	[dreg:$0x1] =	wrdreg $0xFFFFFFFF  }
0xb6: {  	s28 =	simm.s32 $_size_execute0_lowered;
	s3 =	sadd.s32 s3, s5;
	[dreg:$0x0] =	wrdreg $0x0  }
0xb7: {  	s5 =	sshll.u32 s28, $0x1;
	[dreg:$0x2] =	wrdreg s3  }
0xb8: {  	[dreg:$0x3] =	wrdreg s5  }
0xb9: {  	[dreg:$0x4] =	wrdreg $0xC0  }
0xba: {  	_ =	task [dreg:s22], $0x5FFFF  }
0xbb: {  	[dreg:$0x1] =	wrdreg $0xFFFFFFFF  }
0xbc: {  	[dreg:$0x0] =	wrdreg $0x60  }
0xbd: {  	[dreg:$0x2] =	wrdreg s24  }
0xbe: {  	[dreg:$0x3] =	wrdreg $0xA  }
0xbf: {  	_ =	task.clear_ibuf [dreg:s22], $0x4FFFF;
	_ =	strace $0x90000049  }
0xc0: {  	s29 =	simm.s32 $0xA;
	_ =	strace $0x8000004B  }
0xc1: {  	_ =	swait.ge [sflag:s29], $0x1  }
0xc2: {  	[sflag:s29] =	ssyncadd.s32 $0xFFFFFFFF  }
0xc3: {  	_ =	strace $0x9000004B  }
0xc4: {  	_ =	sfence  }
0xc5: {  	s30 =	sld [smem:$0x0];
	_ =	sdelay $0x2  }
0xc6: {  	s31 =	sshll.u32 s1, $0xD;
	s1 =	sshrl.u32 s1, $0x2  }
0xc7: {  	s4 =	sand.u32 $0x4000, s31;
	s1 =	sadd.s32 s1, s30  }
0xc8: {  	s0 =	sor.u32 s4, s0;
	s1 =	sshll.u32 s1, $0x11  }
0xc9: {  	s0 =	sor.u32 s1, s0  }
0xca: {  	s0 =	sadd.s32 $0x8F2B, s0  }
0xcb: {  	[sflag:s0] =	ssyncadd.remote.s32 $0x1  }
0xcc: {  	_ =	sfence.sel $0xFFFF  }
0xcd: {  	[dreg:$0x0] =	wrdreg $0xFFFFFFFF;
	(pc) =	sbr.abs _section_cstart, $3  }
0xce: {  	[dreg:$0x1] =	wrdreg $0xFFFFFFFF  }
0xcf: {  	_ =	task.clear_ibuf [dreg:s22], $0x2FFFF;
	_ =	strace $0x9FFFFFFF  }
0xd0: {  	(tm) =	ssettm $0x7FFFFFFF  }
0xd1: {  	_ =	shalt  }
tec
execute0_lowered:
.L_overlay_start_1:
0x0: {  	(tag) =	ssettag $0x1  }
0x1: {  	s4 =	rddreg [dreg:$0x0]  }
0x2: {  	s0 =	rddreg [dreg:$0x1];
	s2 =	simm.s32 $0x0;
	s1 =	stileid.u32  }
0x3: {  	s3 =	srdreg.scid;
	s12 =	simm.s32 $0xA300;
	s13 =	simm.s32 $0x1  }
0x4: {  	s14 =	simm.s32 $0x2;
	s15 =	simm.s32 $0x3;
	s16 =	simm.s32 $0x4  }
0x5: {  	s17 =	simm.s32 $0x0;
	[smem:$0x7FF] =	sst s2;
	s5 =	smul.u32 $0x28000, s1  }
0x6: {  	s6 =	sand.u32 $0x1, s3;
	s7 =	smul.u32 $0x2800, s1;
	s3 =	sadd.s32 $0x25E00, s4  }
0x7: {  	s10 =	sadd.s32 $0x2CAE00, s4;
	s8 =	ssub.s32 $0x2, s6;
	s9 =	smul.u32 $0x1400, s6  }
0x8: {  	_ =	strace $0x8000004A;
	s6 =	smul.u32 $0x14000, s6;
	s11 =	sshrl.u32 s8, $0x1  }
0x9: {  	s5 =	sadd.s32 s5, s4;
	s30 =	ssub.s32 s8, s11;
	s7 =	sadd.s32 s9, s7  }
0xa: {  	s5 =	sadd.s32 s6, s5;
	s8 =	simm.s32 $0x5;
	s9 =	simm.s32 $0x140  }
0xb: {  	s11 =	simm.s32 $0x180;
	s4 =	smax.u32 s30, $0x1;
	s31 =	sor.u32 $0x140, s7  }
0xc: {  	s5 =	sadd.s32 $0x2D1200, s5;
	s7 =	sshrl.u32 s7, $0x3;
	s6 =	sshrl.u32 s31, $0x3  }
0xd: {  	s7 =	sadd.s32 s7, s10;
	s6 =	sadd.s32 s6, s10;
	s10 =	simm.s32 $0x300  }
.LBB2_1:
0xe: {  	s18 =	sadd.s32 $0x0, s7  }
0xf: {  	[tilespmem:s2], [sflag:$0x5] =	stream.linear.gather [hbm4b:s18+s2], $0x140, $0x38;
	[tilespmem:$0x14300] =	vst v63  }
0x10: {  	_ =	swait.ge [sflag:s8], $0x140  }
0x11: {  	[sflag:s8] =	ssyncset.done $0x0  }
0x12: {  	[sflag:s8] =	ssyncadd.s32 $0xFFFFFEC0  }
0x13: {  	[tilespmem:s10], [sflag:$0x1] =	stream.indirect.gather [hbm4b:s3+s9], $0x80, s2, s9, $0xb8;
	[tilespmem:$0x14300] =	vst v63  }
0x14: {  	s30 =	sadd.s32 $0x0, s6  }
0x15: {  	[tilespmem:s11], [sflag:$0x5] =	stream.linear.gather [hbm4b:s30+s2], $0x140, $0x38;
	[tilespmem:$0x14300] =	vst v63  }
0x16: {  	_ =	swait.ge [sflag:s8], $0x140  }
0x17: {  	[sflag:s8] =	ssyncset.done $0x0  }
0x18: {  	[sflag:s8] =	ssyncadd.s32 $0xFFFFFEC0  }
0x19: {  	[tilespmem:s12], [sflag:$0x2] =	stream.indirect.gather [hbm4b:s3+s9], $0x80, s11, s9, $0xb8;
	[tilespmem:$0x14300] =	vst v63  }
0x1a: {  	_ =	swait.ge [sflag:s13], $0xA000  }
0x1b: {  	[sflag:s13] =	ssyncset.done $0x0  }
0x1c: {  	s31 =	sadd.s32 $0xFFFFEC00, s5;
	[sflag:s13] =	ssyncadd.s32 $0xFFFF6000  }
0x1d: {  	[hbm4b:s31+s2] =	stream.linear.scatter [tilespmem:s10], [sflag:$0x3], $0xA000, $0x38;
	[tilespmem:$0x14300] =	vst v63  }
0x1e: {  	_ =	swait.ge [sflag:s14], $0xA000  }
0x1f: {  	[sflag:s14] =	ssyncset.done $0x0  }
0x20: {  	[sflag:s14] =	ssyncadd.s32 $0xFFFF6000  }
0x21: {  	[hbm4b:s5+s2] =	stream.linear.scatter [tilespmem:s12], [sflag:$0x4], $0xA000, $0x38;
	[tilespmem:$0x14300] =	vst v63  }
0x22: {  	_ =	swait.ge [sflag:s15], $0xA000  }
0x23: {  	[sflag:s15] =	ssyncset.done $0x0  }
0x24: {  	[sflag:s15] =	ssyncadd.s32 $0xFFFF6000  }
0x25: {  	s19 =	simm.s32 $0x50;
	_ =	swait.ge [sflag:s16], $0xA000  }
0x26: {  	s20 =	simm.s32 $0xA0;
	s18 =	sadd.s32 $0x2800, s5;
	[sflag:s16] =	ssyncset.done $0x0  }
.LBB2_2:
0x27: {  	s21 =	sadd.s32 s19, s7  }
0x28: {  	[sflag:s16] =	ssyncadd.s32 $0xFFFF6000;
	s22 =	smov.u32 s20;
	s23 =	sadd.s32 $0x50, s20  }
0x29: {  	[tilespmem:s2], [sflag:$0x5] =	stream.linear.gather [hbm4b:s21+s2], $0x140, $0x38;
	[tilespmem:$0x14300] =	vst v63  }
0x2a: {  	p0 =	sne.s32 s20, $0x230;
	_ =	swait.ge [sflag:s8], $0x140  }
0x2b: {  	[sflag:s8] =	ssyncset.done $0x0  }
0x2c: {  	[sflag:s8] =	ssyncadd.s32 $0xFFFFFEC0  }
0x2d: {  	[tilespmem:s10], [sflag:$0x1] =	stream.indirect.gather [hbm4b:s3+s9], $0x80, s2, s9, $0xb8;
	[tilespmem:$0x14300] =	vst v63  }
0x2e: {  	s20 =	sadd.s32 s19, s6;
	s19 =	smov.u32 s22  }
0x2f: {  	[tilespmem:s11], [sflag:$0x5] =	stream.linear.gather [hbm4b:s20+s2], $0x140, $0x38;
	[tilespmem:$0x14300] =	vst v63  }
0x30: {  	_ =	swait.ge [sflag:s8], $0x140  }
0x31: {  	[sflag:s8] =	ssyncset.done $0x0  }
0x32: {  	[sflag:s8] =	ssyncadd.s32 $0xFFFFFEC0  }
0x33: {  	[tilespmem:s12], [sflag:$0x2] =	stream.indirect.gather [hbm4b:s3+s9], $0x80, s11, s9, $0xb8;
	[tilespmem:$0x14300] =	vst v63  }
0x34: {  	_ =	swait.ge [sflag:s13], $0xA000  }
0x35: {  	[sflag:s13] =	ssyncset.done $0x0  }
0x36: {  	s20 =	sadd.s32 $0xFFFFEC00, s18;
	[sflag:s13] =	ssyncadd.s32 $0xFFFF6000  }
0x37: {  	[hbm4b:s20+s2] =	stream.linear.scatter [tilespmem:s10], [sflag:$0x3], $0xA000, $0x38;
	[tilespmem:$0x14300] =	vst v63  }
0x38: {  	_ =	swait.ge [sflag:s14], $0xA000  }
0x39: {  	[sflag:s14] =	ssyncset.done $0x0  }
0x3a: {  	[sflag:s14] =	ssyncadd.s32 $0xFFFF6000  }
0x3b: {  	[hbm4b:s18+s2] =	stream.linear.scatter [tilespmem:s12], [sflag:$0x4], $0xA000, $0x38;
	[tilespmem:$0x14300] =	vst v63  }
.Ltmp0:
0x3c: {  	_ =	swait.ge [sflag:s15], $0xA000;
	(pc) =	sbr.rel @p0 .LBB2_2-.Ltmp0, $4  }
0x3d: {  	[sflag:s15] =	ssyncset.done $0x0  }
0x3e: {  	[sflag:s15] =	ssyncadd.s32 $0xFFFF6000  }
0x3f: {  	_ =	swait.ge [sflag:s16], $0xA000  }
0x40: {  	s20 =	smov.u32 s23;
	s18 =	sadd.s32 $0x2800, s18;
	[sflag:s16] =	ssyncset.done $0x0  }
0x41: {  	s20 =	sadd.s32 s19, s7;
	[sflag:s16] =	ssyncadd.s32 $0xFFFF6000  }
0x42: {  	[tilespmem:s2], [sflag:$0x5] =	stream.linear.gather [hbm4b:s20+s2], $0x140, $0x38;
	[tilespmem:$0x14300] =	vst v63  }
0x43: {  	_ =	swait.ge [sflag:s8], $0x140  }
0x44: {  	[sflag:s8] =	ssyncset.done $0x0  }
0x45: {  	[sflag:s8] =	ssyncadd.s32 $0xFFFFFEC0  }
0x46: {  	[tilespmem:s10], [sflag:$0x1] =	stream.indirect.gather [hbm4b:s3+s9], $0x80, s2, s9, $0xb8;
	[tilespmem:$0x14300] =	vst v63  }
0x47: {  	s30 =	sadd.s32 s19, s6  }
0x48: {  	[tilespmem:s11], [sflag:$0x5] =	stream.linear.gather [hbm4b:s30+s2], $0x140, $0x38;
	[tilespmem:$0x14300] =	vst v63  }
0x49: {  	_ =	swait.ge [sflag:s8], $0x140  }
0x4a: {  	[sflag:s8] =	ssyncset.done $0x0  }
0x4b: {  	[sflag:s8] =	ssyncadd.s32 $0xFFFFFEC0  }
0x4c: {  	[tilespmem:s12], [sflag:$0x2] =	stream.indirect.gather [hbm4b:s3+s9], $0x80, s11, s9, $0xb8;
	[tilespmem:$0x14300] =	vst v63  }
0x4d: {  	_ =	swait.ge [sflag:s13], $0xA000  }
0x4e: {  	[sflag:s13] =	ssyncset.done $0x0  }
0x4f: {  	s31 =	sadd.s32 $0xFFFFEC00, s18;
	[sflag:s13] =	ssyncadd.s32 $0xFFFF6000  }
0x50: {  	[hbm4b:s31+s2] =	stream.linear.scatter [tilespmem:s10], [sflag:$0x3], $0xA000, $0x38;
	[tilespmem:$0x14300] =	vst v63  }
0x51: {  	_ =	swait.ge [sflag:s14], $0xA000  }
0x52: {  	[sflag:s14] =	ssyncset.done $0x0  }
0x53: {  	s17 =	sadd.s32 $0x1, s17;
	[sflag:s14] =	ssyncadd.s32 $0xFFFF6000  }
0x54: {  	[hbm4b:s18+s2] =	stream.linear.scatter [tilespmem:s12], [sflag:$0x4], $0xA000, $0x38;
	[tilespmem:$0x14300] =	vst v63  }
0x55: {  	p0 =	sne.s32 s17, s4;
	_ =	swait.ge [sflag:s15], $0xA000  }
.Ltmp1:
0x56: {  	[sflag:s15] =	ssyncset.done $0x0;
	(pc) =	sbr.rel @p0 .LBB2_1-.Ltmp1, $4  }
0x57: {  	[sflag:s15] =	ssyncadd.s32 $0xFFFF6000  }
0x58: {  	_ =	swait.ge [sflag:s16], $0xA000  }
0x59: {  	[sflag:s16] =	ssyncset.done $0x0  }
0x5a: {  	[sflag:s16] =	ssyncadd.s32 $0xFFFF6000  }
0x5b: {  	_ =	sfence.sel $0x180000  }
0x5c: {  	[bflag:$0x0] =	sbarrier.arrive $0xFFFF  }
0x5d: {  	p0 =	sne.s32 s1, $0x0;
	_ =	strace $0x9000004A  }
0x5e: {  	s0 =	sadd.s32 @!p0 $0x100000, s0;
	[bflag:$0x2] =	sbarrier.arrive $0xFFFF  }
0x5f: {  	[sflag:s0] =	ssyncadd.tile.s32 @!p0 $0x1;
	_ =	shalt  }
.Lfunc_end2:
_tile_overlayer_lowered:
.L_overlay_start_2:
0x60: {  	(tag) =	ssettag $0x2  }
0x61: {  	s0 =	rddreg [dreg:$0x0];
	s2 =	stileid.u32  }
0x62: {  	s1 =	rddreg [dreg:$0x1];
	p0 =	sne.s32 s2, $0x0  }
0x63: {  	s3 =	rddreg [dreg:$0x2];
	[bflag:$0x3] =	sbarrier.arrive $0xFFFF;
	s2 =	simm.s32 @!p0 $0x1C05  }
0x64: {  	[timem:s3], [sflag:s2] =	dma.local @!p0 [hbm:s0], s1  }
0x65: {  	s0 =	simm.s32 @!p0 $0x5  }
0x66: {  	_ =	swait.ge @!p0 [sflag:s0], s1  }
0x67: {  	s1 =	ssub.s32 @!p0 $0x0, s1;
	[sflag:s0] =	ssyncset.done @!p0 $0x0  }
0x68: {  	[sflag:s0] =	ssyncadd.s32 @!p0 s1  }
0x69: {  	[bflag:$0x3] =	sbarrier.arrive $0xFFFF  }
0x6a: {  	_ =	shalt  }

// kernel: kernel.31.cloned.1.call-start
scs
__scs_entry_jumppad:
0x0: {  	(pc) =	sbr.rel $0x88, $3  }
0x1: {  	(tag) =	ssettag $0x0;
	lr =	simm.s32 $0x1  }
0x2: {  	[smem:$0x3F94] =	sst lr;
	_ =	strace $0xD0000000  }
0x3: {  	_ = 	snop  }
0x4: {  	_ = 	snop  }
0x5: {  	_ = 	snop  }
0x6: {  	_ = 	snop  }
0x7: {  	_ = 	snop  }
__scs_overlays_trampoline_lowered:
0x8: {  	[smem:$0x3FA3] =	sst s0  }
0x9: {  	[smem:$0x3FA4] =	sst s1  }
0xa: {  	[smem:$0x3FA5] =	sst s2  }
0xb: {  	[smem:$0x3FA6] =	sst s3  }
0xc: {  	[smem:$0x3FA7] =	sst s4  }
0xd: {  	[smem:$0x3FA8] =	sst s5  }
0xe: {  	[smem:$0x3FA9] =	sst s6  }
0xf: {  	[smem:$0x3FAA] =	sst s7  }
0x10: {  	[smem:$0x3FAB] =	sst s8  }
0x11: {  	[smem:$0x3FAC] =	sst s9;
	s0 =	simm.s32 @!p0 $0x0  }
0x12: {  	s1 =	sld [smem:$0x3F92];
	s0 =	simm.s32 @p0 $0x1  }
0x13: {  	[smem:$0x3FAD] =	sst s0;
	s0 =	simm.s32 @!p1 $0x0  }
0x14: {  	s2 =	sld [smem:$0x3F91];
	s0 =	simm.s32 @p1 $0x1  }
0x15: {  	[smem:$0x3FAE] =	sst s0;
	s0 =	simm.s32 @!p2 $0x0  }
0x16: {  	s3 =	sld [smem:$0x3FDB];
	s0 =	simm.s32 @p2 $0x1  }
0x17: {  	s4 =	simm.s32 $0x1BF5;
	[smem:$0x3FB0] =	sst s0  }
0x18: {  	s0 =	sld [smem:$0x3F93];
	_ =	swait.ge [sflag:s4], $0x0  }
0x19: {  	s7 =	sld [smem:$0x3F94]  }
0x1a: {  	s8 =	sadd.s32 $0xFFFFE003, lr  }
0x1b: {  	s9 =	sadd.s32 $0xFFFFFEF7, lr;
	s5 =	simm.s32 $0xFFFFFFFF;
	p2 =	slt.u32 s8, $0xFFFFF086  }
0x1c: {  	p1 =	slt.u32 s9, $0xF7A;
	s5 =	simm.s32 @!p2 $0x0  }
0x1d: {  	s5 =	simm.s32 @p1 $0x1;
	p0 =	seq.s32 s7, s2  }
0x1e: {  	s7 =	smul.u32 @!p0 $0xF7A, s2;
	p2 =	seq.s32 @!p0 s5, $0x0  }
0x1f: {  	s9 =	smul.u32 $0xF7A, s1;
	s8 =	simm.s32 @!p0 $0x1BF5;
	p2 =	por !p2, p0  }
0x20: {  	[sflag:s8] =	ssyncset.s32 @!p0 $0xFFFFF086;
	s6 =	sadd.s32 @!p0 s3, s7;
	s7 =	simm.s32 @!p0 $0x108  }
0x21: {  	s3 =	sadd.s32 s3, s9;
	s6 =	sadd.s32 @!p0 $0x88, s6;
	s7 =	simm.s32 @p2 $0x1082  }
0x22: {  	[simem:s7], [sflag:s8] =	dma.local @!p0 [hbm:s6], $0xF7A  }
0x23: {  	s9 =	sor.u32 $0xD0000000, s2;
	s6 =	simm.s32 $0x108;
	_ =	swait.ge @!p0 [sflag:s8], $0x0  }
0x24: {  	s3 =	sadd.s32 $0x88, s3;
	s6 =	simm.s32 @!p1 $0x1082;
	[sflag:s4] =	ssyncset.s32 $0xFFFFF086  }
0x25: {  	[simem:s6], [sflag:s4] =	dma.local [hbm:s3], $0xF7A  }
0x26: {  	[smem:$0x3F94] =	sst s1;
	(tag) =	ssettag s2;
	_ =	strace s9  }
0x27: {  	s1 =	sld [smem:$0x3FA4]  }
0x28: {  	s2 =	sld [smem:$0x3FA5]  }
0x29: {  	s4 =	sld [smem:$0x3FA7]  }
0x2a: {  	p0 =	seq.s32 s5, $0x0;
	s5 =	sld [smem:$0x3FA8]  }
0x2b: {  	s6 =	sld [smem:$0x3FA9]  }
0x2c: {  	s7 =	sld [smem:$0x3FAA]  }
0x2d: {  	s3 =	simm.s32 $0x108;
	s8 =	sld [smem:$0x3FAB]  }
0x2e: {  	s3 =	simm.s32 @!p0 $0x1082;
	s9 =	sld [smem:$0x3FAC]  }
0x2f: {  	lr =	sadd.s32 s0, s3;
	s0 =	sld [smem:$0x3FA3]  }
0x30: {  	s3 =	sld [smem:$0x3FA6]  }
0x31: {  	[smem:$0x3FAF] =	sst s10  }
0x32: {  	s10 =	sld [smem:$0x3FAD];
	_ =	sdelay $0x3  }
0x33: {  	p0 =	seq.s32 s10, $0x1;
	s10 =	sld [smem:$0x3FAF];
	_ =	sdelay $0x3  }
0x34: {  	[smem:$0x3FAF] =	sst s10  }
0x35: {  	s10 =	sld [smem:$0x3FAE];
	_ =	sdelay $0x3  }
0x36: {  	p1 =	seq.s32 s10, $0x1;
	s10 =	sld [smem:$0x3FAF];
	_ =	sdelay $0x3  }
0x37: {  	[smem:$0x3FAF] =	sst s10  }
0x38: {  	s10 =	sld [smem:$0x3FB0]  }
0x39: {  	_ = 	snop;
	(pc) =	sbr.ind lr, $3  }
0x3a: {  	_ = 	snop  }
0x3b: {  	_ = 	snop  }
0x3c: {  	p2 =	seq.s32 s10, $0x1;
	s10 =	sld [smem:$0x3FAF]  }
0x3d: {  	_ =	shalt  }
0x3e: {  	_ =	shalt  }
0x3f: {  	_ =	shalt  }
0x40: {  	_ =	shalt  }
0x41: {  	_ =	shalt  }
0x42: {  	_ =	shalt  }
0x43: {  	_ =	shalt  }
0x44: {  	_ =	shalt  }
0x45: {  	_ =	shalt  }
0x46: {  	_ =	shalt  }
0x47: {  	_ =	shalt  }
0x48: {  	_ =	shalt  }
0x49: {  	_ =	shalt  }
0x4a: {  	_ =	shalt  }
0x4b: {  	_ =	shalt  }
0x4c: {  	_ =	shalt  }
0x4d: {  	_ =	shalt  }
0x4e: {  	_ =	shalt  }
0x4f: {  	_ =	shalt  }
0x50: {  	_ =	shalt  }
0x51: {  	_ =	shalt  }
0x52: {  	_ =	shalt  }
0x53: {  	_ =	shalt  }
0x54: {  	_ =	shalt  }
0x55: {  	_ =	shalt  }
0x56: {  	_ =	shalt  }
0x57: {  	_ =	shalt  }
0x58: {  	_ =	shalt  }
0x59: {  	_ =	shalt  }
0x5a: {  	_ =	shalt  }
0x5b: {  	_ =	shalt  }
0x5c: {  	_ =	shalt  }
0x5d: {  	_ =	shalt  }
0x5e: {  	_ =	shalt  }
0x5f: {  	_ =	shalt  }
0x60: {  	_ =	shalt  }
0x61: {  	_ =	shalt  }
0x62: {  	_ =	shalt  }
0x63: {  	_ =	shalt  }
0x64: {  	_ =	shalt  }
0x65: {  	_ =	shalt  }
0x66: {  	_ =	shalt  }
0x67: {  	_ =	shalt  }
0x68: {  	_ =	shalt  }
0x69: {  	_ =	shalt  }
0x6a: {  	_ =	shalt  }
0x6b: {  	_ =	shalt  }
0x6c: {  	_ =	shalt  }
0x6d: {  	_ =	shalt  }
0x6e: {  	_ =	shalt  }
0x6f: {  	_ =	shalt  }
0x70: {  	_ =	shalt  }
0x71: {  	_ =	shalt  }
0x72: {  	_ =	shalt  }
0x73: {  	_ =	shalt  }
0x74: {  	_ =	shalt  }
0x75: {  	_ =	shalt  }
0x76: {  	_ =	shalt  }
0x77: {  	_ =	shalt  }
0x78: {  	_ =	shalt  }
0x79: {  	_ =	shalt  }
0x7a: {  	_ =	shalt  }
0x7b: {  	_ =	shalt  }
0x7c: {  	_ =	shalt  }
0x7d: {  	_ =	shalt  }
0x7e: {  	_ =	shalt  }
0x7f: {  	_ =	shalt  }
0x80: {  	_ =	shalt  }
0x81: {  	_ =	shalt  }
0x82: {  	_ =	shalt  }
0x83: {  	_ =	shalt  }
0x84: {  	_ =	shalt  }
0x85: {  	_ =	shalt  }
0x86: {  	_ =	shalt  }
0x87: {  	_ =	shalt  }
.Lfunc_end0:
.L_simem_size_0:
called_computation.2_lowered:
.L_overlay_start_0:
0x88: {  	s2 =	sld [smem:$0x3FD9]  }
0x89: {  	s3 =	sld [smem:$0x3FFE];
	_ =	sdelay $0x1  }
0x8a: {  	s1 =	srdreg.scid  }
0x8b: {  	s0 =	sand.u32 $0x1, s1  }
0x8c: {  	s16 =	sshll.u32 s0, $0xA;
	s2 =	sadd.s32 s3, s2  }
0x8d: {  	s2 =	sadd.s32 s2, s16  }
0x8e: {  	[smem:$0x3FBB] =	sst s2  }
0x8f: {  	_ = 	snop  }
0x90: {  	(tm) =	ssettm $0x1  }
0x91: {  	s17 =	sld [smem:$0x3FFB];
	_ =	sdelay $0x3  }
0x92: {  	_ =	strace s17  }
0x93: {  	s2 =	sld [smem:$0x3FFC];
	_ =	sdelay $0x3  }
0x94: {  	_ =	strace s2  }
0x95: {  	s2 =	sld [smem:$0x3FFD];
	_ =	sdelay $0x3  }
0x96: {  	_ =	strace s2  }
0x97: {  	_ =	strace $0x8FFFFFFF  }
0x98: {  	s18 =	sld [smem:$0x3FDB];
	_ =	sdelay $0x1  }
0x99: {  	s19 =	simm.s32 $_scs_section_size  }
0x9a: {  	s4 =	simm.s32 $_size__tile_overlayer_lowered;
	s5 =	simm.s32 $_tile_overlayer_lowered  }
0x9b: {  	s22 =	simm.s32 $0x1BFF;
	s21 =	sshll.u32 s5, $0x1;
	s2 =	sadd.s32 s19, s18  }
0x9c: {  	s6 =	simm.s32 $0x0;
	s20 =	sshll.u32 s4, $0x1;
	s4 =	sadd.s32 s21, s2  }
0x9d: {  	[timem:s6], [sflag:s22] =	dma.local [hbm:s4], s20  }
0x9e: {  	_ =	swait.ge [sflag:s22], s20  }
0x9f: {  	s3 =	ssub.s32 $0x0, s20;
	[sflag:s22] =	ssyncset.done $0x0  }
0xa0: {  	[sflag:s22] =	ssyncadd.s32 s3;
	_ =	sdelay $0x1  }
0xa1: {  	s23 =	simm.s32 $0x1B8B  }
0xa2: {  	_ =	swait.ge [sflag:s23], $0x1  }
0xa3: {  	[sflag:s23] =	ssyncset.done $0x0  }
0xa4: {  	s25 =	simm.s32 $0x1B8E;
	s24 =	sld [smem:$0x3FFE];
	[sflag:s23] =	ssyncadd.s32 $0xFFFFFFFF  }
0xa5: {  	s26 =	simm.s32 $execute0_lowered;
	[smem:$0x3FD2] =	sst s25  }
0xa6: {  	s4 =	sshll.u32 s26, $0x1;
	_ =	strace $0x8000004C;
	[dreg:$0x1] =	wrdreg $0xFFFFFFFF  }
0xa7: {  	s28 =	simm.s32 $_size_execute0_lowered;
	s2 =	sadd.s32 s2, s4;
	[dreg:$0x0] =	wrdreg $0x0  }
0xa8: {  	s4 =	sshll.u32 s28, $0x1;
	[dreg:$0x2] =	wrdreg s2  }
0xa9: {  	[dreg:$0x3] =	wrdreg s4  }
0xaa: {  	[dreg:$0x4] =	wrdreg $0xC0  }
0xab: {  	_ =	task [dreg:s6], $0x5FFFF  }
0xac: {  	[dreg:$0x1] =	wrdreg $0xFFFFFFFF  }
0xad: {  	[dreg:$0x0] =	wrdreg $0x60  }
0xae: {  	[dreg:$0x2] =	wrdreg s24  }
0xaf: {  	[dreg:$0x3] =	wrdreg $0x9  }
0xb0: {  	_ =	task.clear_ibuf [dreg:s6], $0x4FFFF;
	_ =	strace $0x9000004C  }
0xb1: {  	s29 =	simm.s32 $0x9;
	_ =	strace $0x8000004E  }
0xb2: {  	_ =	swait.ge [sflag:s29], $0x1  }
0xb3: {  	[sflag:s29] =	ssyncadd.s32 $0xFFFFFFFF  }
0xb4: {  	_ =	strace $0x9000004E  }
0xb5: {  	_ =	sfence  }
0xb6: {  	s30 =	sld [smem:$0x0];
	_ =	sdelay $0x2  }
0xb7: {  	s31 =	sshll.u32 s1, $0xD;
	s1 =	sshrl.u32 s1, $0x2  }
0xb8: {  	s3 =	sand.u32 $0x4000, s31;
	s1 =	sadd.s32 s1, s30  }
0xb9: {  	s0 =	sor.u32 s3, s0;
	s1 =	sshll.u32 s1, $0x11  }
0xba: {  	s0 =	sor.u32 s1, s0  }
0xbb: {  	s0 =	sadd.s32 $0x8F2B, s0  }
0xbc: {  	[sflag:s0] =	ssyncadd.remote.s32 $0x1  }
0xbd: {  	_ =	sfence.sel $0xFFFF  }
0xbe: {  	[dreg:$0x0] =	wrdreg $0xFFFFFFFF;
	(pc) =	sbr.abs _section_cstart, $3  }
0xbf: {  	[dreg:$0x1] =	wrdreg $0xFFFFFFFF  }
0xc0: {  	_ =	task.clear_ibuf [dreg:s6], $0x2FFFF;
	_ =	strace $0x9FFFFFFF  }
0xc1: {  	(tm) =	ssettm $0x7FFFFFFF  }
tec
execute0_lowered:
.L_overlay_start_1:
0x0: {  	(tag) =	ssettag $0x1  }
0x1: {  	s4 =	rddreg [dreg:$0x0]  }
0x2: {  	s0 =	rddreg [dreg:$0x1];
	s2 =	simm.s32 $0x0;
	s1 =	stileid.u32  }
0x3: {  	s3 =	srdreg.scid;
	s12 =	simm.s32 $0xA300;
	s13 =	simm.s32 $0x1  }
0x4: {  	s14 =	simm.s32 $0x2;
	s15 =	simm.s32 $0x3;
	s16 =	simm.s32 $0x4  }
0x5: {  	s17 =	simm.s32 $0x0;
	[smem:$0x7FF] =	sst s2;
	s5 =	smul.u32 $0x28000, s1  }
0x6: {  	s6 =	sand.u32 $0x1, s3;
	s7 =	smul.u32 $0x2800, s1;
	s3 =	sadd.s32 $0x45E00, s4  }
0x7: {  	s10 =	sadd.s32 $0x85E00, s4;
	s8 =	ssub.s32 $0x2, s6;
	s9 =	smul.u32 $0x1400, s6  }
0x8: {  	_ =	strace $0x8000004D;
	s6 =	smul.u32 $0x14000, s6;
	s11 =	sshrl.u32 s8, $0x1  }
0x9: {  	s5 =	sadd.s32 s5, s4;
	s30 =	ssub.s32 s8, s11;
	s7 =	sadd.s32 s9, s7  }
0xa: {  	s5 =	sadd.s32 s6, s5;
	s8 =	simm.s32 $0x5;
	s9 =	simm.s32 $0x140  }
0xb: {  	s11 =	simm.s32 $0x180;
	s4 =	smax.u32 s30, $0x1;
	s31 =	sor.u32 $0x140, s7  }
0xc: {  	s5 =	sadd.s32 $0x8C200, s5;
	s7 =	sshrl.u32 s7, $0x3;
	s6 =	sshrl.u32 s31, $0x3  }
0xd: {  	s7 =	sadd.s32 s7, s10;
	s6 =	sadd.s32 s6, s10;
	s10 =	simm.s32 $0x300  }
.LBB2_1:
0xe: {  	s18 =	sadd.s32 $0x0, s7  }
0xf: {  	[tilespmem:s2], [sflag:$0x5] =	stream.linear.gather [hbm4b:s18+s2], $0x140, $0x38;
	[tilespmem:$0x14300] =	vst v63  }
0x10: {  	_ =	swait.ge [sflag:s8], $0x140  }
0x11: {  	[sflag:s8] =	ssyncset.done $0x0  }
0x12: {  	[sflag:s8] =	ssyncadd.s32 $0xFFFFFEC0  }
0x13: {  	[tilespmem:s10], [sflag:$0x1] =	stream.indirect.gather [hbm4b:s3+s9], $0x80, s2, s9, $0xb8;
	[tilespmem:$0x14300] =	vst v63  }
0x14: {  	s30 =	sadd.s32 $0x0, s6  }
0x15: {  	[tilespmem:s11], [sflag:$0x5] =	stream.linear.gather [hbm4b:s30+s2], $0x140, $0x38;
	[tilespmem:$0x14300] =	vst v63  }
0x16: {  	_ =	swait.ge [sflag:s8], $0x140  }
0x17: {  	[sflag:s8] =	ssyncset.done $0x0  }
0x18: {  	[sflag:s8] =	ssyncadd.s32 $0xFFFFFEC0  }
0x19: {  	[tilespmem:s12], [sflag:$0x2] =	stream.indirect.gather [hbm4b:s3+s9], $0x80, s11, s9, $0xb8;
	[tilespmem:$0x14300] =	vst v63  }
0x1a: {  	_ =	swait.ge [sflag:s13], $0xA000  }
0x1b: {  	[sflag:s13] =	ssyncset.done $0x0  }
0x1c: {  	s31 =	sadd.s32 $0xFFFFEC00, s5;
	[sflag:s13] =	ssyncadd.s32 $0xFFFF6000  }
0x1d: {  	[hbm4b:s31+s2] =	stream.linear.scatter [tilespmem:s10], [sflag:$0x3], $0xA000, $0x38;
	[tilespmem:$0x14300] =	vst v63  }
0x1e: {  	_ =	swait.ge [sflag:s14], $0xA000  }
0x1f: {  	[sflag:s14] =	ssyncset.done $0x0  }
0x20: {  	[sflag:s14] =	ssyncadd.s32 $0xFFFF6000  }
0x21: {  	[hbm4b:s5+s2] =	stream.linear.scatter [tilespmem:s12], [sflag:$0x4], $0xA000, $0x38;
	[tilespmem:$0x14300] =	vst v63  }
0x22: {  	_ =	swait.ge [sflag:s15], $0xA000  }
0x23: {  	[sflag:s15] =	ssyncset.done $0x0  }
0x24: {  	[sflag:s15] =	ssyncadd.s32 $0xFFFF6000  }
0x25: {  	s19 =	simm.s32 $0x50;
	_ =	swait.ge [sflag:s16], $0xA000  }
0x26: {  	s20 =	simm.s32 $0xA0;
	s18 =	sadd.s32 $0x2800, s5;
	[sflag:s16] =	ssyncset.done $0x0  }
.LBB2_2:
0x27: {  	s21 =	sadd.s32 s19, s7  }
0x28: {  	[sflag:s16] =	ssyncadd.s32 $0xFFFF6000;
	s22 =	smov.u32 s20;
	s23 =	sadd.s32 $0x50, s20  }
0x29: {  	[tilespmem:s2], [sflag:$0x5] =	stream.linear.gather [hbm4b:s21+s2], $0x140, $0x38;
	[tilespmem:$0x14300] =	vst v63  }
0x2a: {  	p0 =	sne.s32 s20, $0x230;
	_ =	swait.ge [sflag:s8], $0x140  }
0x2b: {  	[sflag:s8] =	ssyncset.done $0x0  }
0x2c: {  	[sflag:s8] =	ssyncadd.s32 $0xFFFFFEC0  }
0x2d: {  	[tilespmem:s10], [sflag:$0x1] =	stream.indirect.gather [hbm4b:s3+s9], $0x80, s2, s9, $0xb8;
	[tilespmem:$0x14300] =	vst v63  }
0x2e: {  	s20 =	sadd.s32 s19, s6;
	s19 =	smov.u32 s22  }
0x2f: {  	[tilespmem:s11], [sflag:$0x5] =	stream.linear.gather [hbm4b:s20+s2], $0x140, $0x38;
	[tilespmem:$0x14300] =	vst v63  }
0x30: {  	_ =	swait.ge [sflag:s8], $0x140  }
0x31: {  	[sflag:s8] =	ssyncset.done $0x0  }
0x32: {  	[sflag:s8] =	ssyncadd.s32 $0xFFFFFEC0  }
0x33: {  	[tilespmem:s12], [sflag:$0x2] =	stream.indirect.gather [hbm4b:s3+s9], $0x80, s11, s9, $0xb8;
	[tilespmem:$0x14300] =	vst v63  }
0x34: {  	_ =	swait.ge [sflag:s13], $0xA000  }
0x35: {  	[sflag:s13] =	ssyncset.done $0x0  }
0x36: {  	s20 =	sadd.s32 $0xFFFFEC00, s18;
	[sflag:s13] =	ssyncadd.s32 $0xFFFF6000  }
0x37: {  	[hbm4b:s20+s2] =	stream.linear.scatter [tilespmem:s10], [sflag:$0x3], $0xA000, $0x38;
	[tilespmem:$0x14300] =	vst v63  }
0x38: {  	_ =	swait.ge [sflag:s14], $0xA000  }
0x39: {  	[sflag:s14] =	ssyncset.done $0x0  }
0x3a: {  	[sflag:s14] =	ssyncadd.s32 $0xFFFF6000  }
0x3b: {  	[hbm4b:s18+s2] =	stream.linear.scatter [tilespmem:s12], [sflag:$0x4], $0xA000, $0x38;
	[tilespmem:$0x14300] =	vst v63  }
.Ltmp0:
0x3c: {  	_ =	swait.ge [sflag:s15], $0xA000;
	(pc) =	sbr.rel @p0 .LBB2_2-.Ltmp0, $4  }
0x3d: {  	[sflag:s15] =	ssyncset.done $0x0  }
0x3e: {  	[sflag:s15] =	ssyncadd.s32 $0xFFFF6000  }
0x3f: {  	_ =	swait.ge [sflag:s16], $0xA000  }
0x40: {  	s20 =	smov.u32 s23;
	s18 =	sadd.s32 $0x2800, s18;
	[sflag:s16] =	ssyncset.done $0x0  }
0x41: {  	s20 =	sadd.s32 s19, s7;
	[sflag:s16] =	ssyncadd.s32 $0xFFFF6000  }
0x42: {  	[tilespmem:s2], [sflag:$0x5] =	stream.linear.gather [hbm4b:s20+s2], $0x140, $0x38;
	[tilespmem:$0x14300] =	vst v63  }
0x43: {  	_ =	swait.ge [sflag:s8], $0x140  }
0x44: {  	[sflag:s8] =	ssyncset.done $0x0  }
0x45: {  	[sflag:s8] =	ssyncadd.s32 $0xFFFFFEC0  }
0x46: {  	[tilespmem:s10], [sflag:$0x1] =	stream.indirect.gather [hbm4b:s3+s9], $0x80, s2, s9, $0xb8;
	[tilespmem:$0x14300] =	vst v63  }
0x47: {  	s30 =	sadd.s32 s19, s6  }
0x48: {  	[tilespmem:s11], [sflag:$0x5] =	stream.linear.gather [hbm4b:s30+s2], $0x140, $0x38;
	[tilespmem:$0x14300] =	vst v63  }
0x49: {  	_ =	swait.ge [sflag:s8], $0x140  }
0x4a: {  	[sflag:s8] =	ssyncset.done $0x0  }
0x4b: {  	[sflag:s8] =	ssyncadd.s32 $0xFFFFFEC0  }
0x4c: {  	[tilespmem:s12], [sflag:$0x2] =	stream.indirect.gather [hbm4b:s3+s9], $0x80, s11, s9, $0xb8;
	[tilespmem:$0x14300] =	vst v63  }
0x4d: {  	_ =	swait.ge [sflag:s13], $0xA000  }
0x4e: {  	[sflag:s13] =	ssyncset.done $0x0  }
0x4f: {  	s31 =	sadd.s32 $0xFFFFEC00, s18;
	[sflag:s13] =	ssyncadd.s32 $0xFFFF6000  }
0x50: {  	[hbm4b:s31+s2] =	stream.linear.scatter [tilespmem:s10], [sflag:$0x3], $0xA000, $0x38;
	[tilespmem:$0x14300] =	vst v63  }
0x51: {  	_ =	swait.ge [sflag:s14], $0xA000  }
0x52: {  	[sflag:s14] =	ssyncset.done $0x0  }
0x53: {  	s17 =	sadd.s32 $0x1, s17;
	[sflag:s14] =	ssyncadd.s32 $0xFFFF6000  }
0x54: {  	[hbm4b:s18+s2] =	stream.linear.scatter [tilespmem:s12], [sflag:$0x4], $0xA000, $0x38;
	[tilespmem:$0x14300] =	vst v63  }
0x55: {  	p0 =	sne.s32 s17, s4;
	_ =	swait.ge [sflag:s15], $0xA000  }
.Ltmp1:
0x56: {  	[sflag:s15] =	ssyncset.done $0x0;
	(pc) =	sbr.rel @p0 .LBB2_1-.Ltmp1, $4  }
0x57: {  	[sflag:s15] =	ssyncadd.s32 $0xFFFF6000  }
0x58: {  	_ =	swait.ge [sflag:s16], $0xA000  }
0x59: {  	[sflag:s16] =	ssyncset.done $0x0  }
0x5a: {  	[sflag:s16] =	ssyncadd.s32 $0xFFFF6000  }
0x5b: {  	_ =	sfence.sel $0x180000  }
0x5c: {  	[bflag:$0x0] =	sbarrier.arrive $0xFFFF  }
0x5d: {  	p0 =	sne.s32 s1, $0x0;
	_ =	strace $0x9000004D  }
0x5e: {  	s0 =	sadd.s32 @!p0 $0x100000, s0;
	[bflag:$0x2] =	sbarrier.arrive $0xFFFF  }
0x5f: {  	[sflag:s0] =	ssyncadd.tile.s32 @!p0 $0x1;
	_ =	shalt  }
.Lfunc_end2:
_tile_overlayer_lowered:
.L_overlay_start_2:
0x60: {  	(tag) =	ssettag $0x2  }
0x61: {  	s0 =	rddreg [dreg:$0x0];
	s2 =	stileid.u32  }
0x62: {  	s1 =	rddreg [dreg:$0x1];
	p0 =	sne.s32 s2, $0x0  }
0x63: {  	s3 =	rddreg [dreg:$0x2];
	[bflag:$0x3] =	sbarrier.arrive $0xFFFF;
	s2 =	simm.s32 @!p0 $0x1C05  }
0x64: {  	[timem:s3], [sflag:s2] =	dma.local @!p0 [hbm:s0], s1  }
0x65: {  	s0 =	simm.s32 @!p0 $0x5  }
0x66: {  	_ =	swait.ge @!p0 [sflag:s0], s1  }
0x67: {  	s1 =	ssub.s32 @!p0 $0x0, s1;
	[sflag:s0] =	ssyncset.done @!p0 $0x0  }
0x68: {  	[sflag:s0] =	ssyncadd.s32 @!p0 s1  }
0x69: {  	[bflag:$0x3] =	sbarrier.arrive $0xFFFF  }
0x6a: {  	_ =	shalt  }

// kernel: kernel.34.cloned.1.call-start
scs
__scs_entry_jumppad:
0x0: {  	(pc) =	sbr.rel $0x88, $3  }
0x1: {  	(tag) =	ssettag $0x0;
	lr =	simm.s32 $0x1  }
0x2: {  	[smem:$0x3F94] =	sst lr;
	_ =	strace $0xD0000000  }
0x3: {  	_ = 	snop  }
0x4: {  	_ = 	snop  }
0x5: {  	_ = 	snop  }
0x6: {  	_ = 	snop  }
0x7: {  	_ = 	snop  }
__scs_overlays_trampoline_lowered:
0x8: {  	[smem:$0x3FA3] =	sst s0  }
0x9: {  	[smem:$0x3FA4] =	sst s1  }
0xa: {  	[smem:$0x3FA5] =	sst s2  }
0xb: {  	[smem:$0x3FA6] =	sst s3  }
0xc: {  	[smem:$0x3FA7] =	sst s4  }
0xd: {  	[smem:$0x3FA8] =	sst s5  }
0xe: {  	[smem:$0x3FA9] =	sst s6  }
0xf: {  	[smem:$0x3FAA] =	sst s7  }
0x10: {  	[smem:$0x3FAB] =	sst s8  }
0x11: {  	[smem:$0x3FAC] =	sst s9;
	s0 =	simm.s32 @!p0 $0x0  }
0x12: {  	s1 =	sld [smem:$0x3F92];
	s0 =	simm.s32 @p0 $0x1  }
0x13: {  	[smem:$0x3FAD] =	sst s0;
	s0 =	simm.s32 @!p1 $0x0  }
0x14: {  	s2 =	sld [smem:$0x3F91];
	s0 =	simm.s32 @p1 $0x1  }
0x15: {  	[smem:$0x3FAE] =	sst s0;
	s0 =	simm.s32 @!p2 $0x0  }
0x16: {  	s3 =	sld [smem:$0x3FDB];
	s0 =	simm.s32 @p2 $0x1  }
0x17: {  	s4 =	simm.s32 $0x1BF5;
	[smem:$0x3FB0] =	sst s0  }
0x18: {  	s0 =	sld [smem:$0x3F93];
	_ =	swait.ge [sflag:s4], $0x0  }
0x19: {  	s7 =	sld [smem:$0x3F94]  }
0x1a: {  	s8 =	sadd.s32 $0xFFFFE003, lr  }
0x1b: {  	s9 =	sadd.s32 $0xFFFFFEF7, lr;
	s5 =	simm.s32 $0xFFFFFFFF;
	p2 =	slt.u32 s8, $0xFFFFF086  }
0x1c: {  	p1 =	slt.u32 s9, $0xF7A;
	s5 =	simm.s32 @!p2 $0x0  }
0x1d: {  	s5 =	simm.s32 @p1 $0x1;
	p0 =	seq.s32 s7, s2  }
0x1e: {  	s7 =	smul.u32 @!p0 $0xF7A, s2;
	p2 =	seq.s32 @!p0 s5, $0x0  }
0x1f: {  	s9 =	smul.u32 $0xF7A, s1;
	s8 =	simm.s32 @!p0 $0x1BF5;
	p2 =	por !p2, p0  }
0x20: {  	[sflag:s8] =	ssyncset.s32 @!p0 $0xFFFFF086;
	s6 =	sadd.s32 @!p0 s3, s7;
	s7 =	simm.s32 @!p0 $0x108  }
0x21: {  	s3 =	sadd.s32 s3, s9;
	s6 =	sadd.s32 @!p0 $0x88, s6;
	s7 =	simm.s32 @p2 $0x1082  }
0x22: {  	[simem:s7], [sflag:s8] =	dma.local @!p0 [hbm:s6], $0xF7A  }
0x23: {  	s9 =	sor.u32 $0xD0000000, s2;
	s6 =	simm.s32 $0x108;
	_ =	swait.ge @!p0 [sflag:s8], $0x0  }
0x24: {  	s3 =	sadd.s32 $0x88, s3;
	s6 =	simm.s32 @!p1 $0x1082;
	[sflag:s4] =	ssyncset.s32 $0xFFFFF086  }
0x25: {  	[simem:s6], [sflag:s4] =	dma.local [hbm:s3], $0xF7A  }
0x26: {  	[smem:$0x3F94] =	sst s1;
	(tag) =	ssettag s2;
	_ =	strace s9  }
0x27: {  	s1 =	sld [smem:$0x3FA4]  }
0x28: {  	s2 =	sld [smem:$0x3FA5]  }
0x29: {  	s4 =	sld [smem:$0x3FA7]  }
0x2a: {  	p0 =	seq.s32 s5, $0x0;
	s5 =	sld [smem:$0x3FA8]  }
0x2b: {  	s6 =	sld [smem:$0x3FA9]  }
0x2c: {  	s7 =	sld [smem:$0x3FAA]  }
0x2d: {  	s3 =	simm.s32 $0x108;
	s8 =	sld [smem:$0x3FAB]  }
0x2e: {  	s3 =	simm.s32 @!p0 $0x1082;
	s9 =	sld [smem:$0x3FAC]  }
0x2f: {  	lr =	sadd.s32 s0, s3;
	s0 =	sld [smem:$0x3FA3]  }
0x30: {  	s3 =	sld [smem:$0x3FA6]  }
0x31: {  	[smem:$0x3FAF] =	sst s10  }
0x32: {  	s10 =	sld [smem:$0x3FAD];
	_ =	sdelay $0x3  }
0x33: {  	p0 =	seq.s32 s10, $0x1;
	s10 =	sld [smem:$0x3FAF];
	_ =	sdelay $0x3  }
0x34: {  	[smem:$0x3FAF] =	sst s10  }
0x35: {  	s10 =	sld [smem:$0x3FAE];
	_ =	sdelay $0x3  }
0x36: {  	p1 =	seq.s32 s10, $0x1;
	s10 =	sld [smem:$0x3FAF];
	_ =	sdelay $0x3  }
0x37: {  	[smem:$0x3FAF] =	sst s10  }
0x38: {  	s10 =	sld [smem:$0x3FB0]  }
0x39: {  	_ = 	snop;
	(pc) =	sbr.ind lr, $3  }
0x3a: {  	_ = 	snop  }
0x3b: {  	_ = 	snop  }
0x3c: {  	p2 =	seq.s32 s10, $0x1;
	s10 =	sld [smem:$0x3FAF]  }
0x3d: {  	_ =	shalt  }
0x3e: {  	_ =	shalt  }
0x3f: {  	_ =	shalt  }
0x40: {  	_ =	shalt  }
0x41: {  	_ =	shalt  }
0x42: {  	_ =	shalt  }
0x43: {  	_ =	shalt  }
0x44: {  	_ =	shalt  }
0x45: {  	_ =	shalt  }
0x46: {  	_ =	shalt  }
0x47: {  	_ =	shalt  }
0x48: {  	_ =	shalt  }
0x49: {  	_ =	shalt  }
0x4a: {  	_ =	shalt  }
0x4b: {  	_ =	shalt  }
0x4c: {  	_ =	shalt  }
0x4d: {  	_ =	shalt  }
0x4e: {  	_ =	shalt  }
0x4f: {  	_ =	shalt  }
0x50: {  	_ =	shalt  }
0x51: {  	_ =	shalt  }
0x52: {  	_ =	shalt  }
0x53: {  	_ =	shalt  }
0x54: {  	_ =	shalt  }
0x55: {  	_ =	shalt  }
0x56: {  	_ =	shalt  }
0x57: {  	_ =	shalt  }
0x58: {  	_ =	shalt  }
0x59: {  	_ =	shalt  }
0x5a: {  	_ =	shalt  }
0x5b: {  	_ =	shalt  }
0x5c: {  	_ =	shalt  }
0x5d: {  	_ =	shalt  }
0x5e: {  	_ =	shalt  }
0x5f: {  	_ =	shalt  }
0x60: {  	_ =	shalt  }
0x61: {  	_ =	shalt  }
0x62: {  	_ =	shalt  }
0x63: {  	_ =	shalt  }
0x64: {  	_ =	shalt  }
0x65: {  	_ =	shalt  }
0x66: {  	_ =	shalt  }
0x67: {  	_ =	shalt  }
0x68: {  	_ =	shalt  }
0x69: {  	_ =	shalt  }
0x6a: {  	_ =	shalt  }
0x6b: {  	_ =	shalt  }
0x6c: {  	_ =	shalt  }
0x6d: {  	_ =	shalt  }
0x6e: {  	_ =	shalt  }
0x6f: {  	_ =	shalt  }
0x70: {  	_ =	shalt  }
0x71: {  	_ =	shalt  }
0x72: {  	_ =	shalt  }
0x73: {  	_ =	shalt  }
0x74: {  	_ =	shalt  }
0x75: {  	_ =	shalt  }
0x76: {  	_ =	shalt  }
0x77: {  	_ =	shalt  }
0x78: {  	_ =	shalt  }
0x79: {  	_ =	shalt  }
0x7a: {  	_ =	shalt  }
0x7b: {  	_ =	shalt  }
0x7c: {  	_ =	shalt  }
0x7d: {  	_ =	shalt  }
0x7e: {  	_ =	shalt  }
0x7f: {  	_ =	shalt  }
0x80: {  	_ =	shalt  }
0x81: {  	_ =	shalt  }
0x82: {  	_ =	shalt  }
0x83: {  	_ =	shalt  }
0x84: {  	_ =	shalt  }
0x85: {  	_ =	shalt  }
0x86: {  	_ =	shalt  }
0x87: {  	_ =	shalt  }
.Lfunc_end0:
.L_simem_size_0:
called_computation.3_lowered:
.L_overlay_start_0:
0x88: {  	s2 =	sld [smem:$0x3FD9]  }
0x89: {  	s3 =	sld [smem:$0x3FFE];
	_ =	sdelay $0x1  }
0x8a: {  	s1 =	srdreg.scid  }
0x8b: {  	s0 =	sand.u32 $0x1, s1  }
0x8c: {  	s17 =	sshll.u32 s0, $0xA;
	s2 =	sadd.s32 s3, s2  }
0x8d: {  	s2 =	sadd.s32 s2, s17  }
0x8e: {  	[smem:$0x3FBB] =	sst s2  }
0x8f: {  	_ = 	snop  }
0x90: {  	(tm) =	ssettm $0x1  }
0x91: {  	s18 =	sld [smem:$0x3FFB];
	_ =	sdelay $0x3  }
0x92: {  	_ =	strace s18  }
0x93: {  	s2 =	sld [smem:$0x3FFC];
	_ =	sdelay $0x3  }
0x94: {  	_ =	strace s2  }
0x95: {  	s2 =	sld [smem:$0x3FFD];
	_ =	sdelay $0x3  }
0x96: {  	_ =	strace s2  }
0x97: {  	_ =	strace $0x8FFFFFFF  }
0x98: {  	s19 =	sld [smem:$0x3FDB];
	_ =	sdelay $0x1  }
0x99: {  	s20 =	simm.s32 $_scs_section_size  }
0x9a: {  	s4 =	simm.s32 $_size__tile_overlayer_lowered;
	s5 =	simm.s32 $_tile_overlayer_lowered  }
0x9b: {  	s6 =	simm.s32 $0x1BFF;
	s21 =	sshll.u32 s5, $0x1;
	s3 =	sadd.s32 s20, s19  }
0x9c: {  	s22 =	simm.s32 $0x0;
	s4 =	sshll.u32 s4, $0x1;
	s5 =	sadd.s32 s21, s3  }
0x9d: {  	[timem:s22], [sflag:s6] =	dma.local [hbm:s5], s4  }
0x9e: {  	_ =	swait.ge [sflag:s6], s4  }
0x9f: {  	s4 =	ssub.s32 $0x0, s4;
	[sflag:s6] =	ssyncset.done $0x0  }
0xa0: {  	[sflag:s6] =	ssyncadd.s32 s4;
	_ =	sdelay $0x1  }
0xa1: {  	s23 =	simm.s32 $0x1B8B  }
0xa2: {  	_ =	swait.ge [sflag:s23], $0x1  }
0xa3: {  	[sflag:s23] =	ssyncset.done $0x0  }
0xa4: {  	[sflag:s23] =	ssyncadd.s32 $0xFFFFFFFF  }
0xa5: {  	s4 =	sld [smem:$0x0]  }
0xa6: {  	s5 =	sand.u32 $0xFFFFFFFE, s1  }
0xa7: {  	p0 =	sne.s32 s1, s5  }
0xa8: {  	s5 =	sshll.u32 @p0 s5, $0xE  }
0xa9: {  	s5 =	sadd.s32 @p0 $0x11B8D, s5;
	s6 =	sshll.u32 @p0 s4, $0x11  }
0xaa: {  	s5 =	sor.u32 @p0 s6, s5  }
0xab: {  	[sflag:s5] =	ssyncadd.remote.s32 @p0 $0x1;
	_ =	sdelay $0x1  }
0xac: {  	s5 =	simm.s32 @p0 $0x1B8D  }
0xad: {  	_ =	swait.eq @p0 [sflag:s5], $0x1  }
0xae: {  	[sflag:s5] =	ssyncadd.s32 @p0 $0xFFFFFFFF  }
0xaf: {  	s6 =	sshll.u32 @!p0 s1, $0xE  }
0xb0: {  	s6 =	sor.u32 @!p0 $0x4000, s6;
	s5 =	simm.s32 @!p0 $0x1B8D  }
0xb1: {  	s4 =	sshll.u32 @!p0 s4, $0x11;
	s6 =	sadd.s32 @!p0 $0x11B8D, s6;
	_ =	swait.eq @!p0 [sflag:s5], $0x1  }
0xb2: {  	s4 =	sor.u32 @!p0 s4, s6;
	[sflag:s5] =	ssyncadd.s32 @!p0 $0xFFFFFFFF  }
0xb3: {  	s25 =	simm.s32 $0x1B8E;
	s24 =	sld [smem:$0x3FFE];
	[sflag:s4] =	ssyncadd.remote.s32 @!p0 $0x1  }
0xb4: {  	s26 =	simm.s32 $execute0_lowered;
	[smem:$0x3FD2] =	sst s25  }
0xb5: {  	s5 =	sshll.u32 s26, $0x1;
	_ =	strace $0x8000004F;
	[dreg:$0x1] =	wrdreg $0xFFFFFFFF  }
0xb6: {  	s28 =	simm.s32 $_size_execute0_lowered;
	s3 =	sadd.s32 s3, s5;
	[dreg:$0x0] =	wrdreg $0x0  }
0xb7: {  	s5 =	sshll.u32 s28, $0x1;
	[dreg:$0x2] =	wrdreg s3  }
0xb8: {  	[dreg:$0x3] =	wrdreg s5  }
0xb9: {  	[dreg:$0x4] =	wrdreg $0xC0  }
0xba: {  	_ =	task [dreg:s22], $0x5FFFF  }
0xbb: {  	[dreg:$0x1] =	wrdreg $0xFFFFFFFF  }
0xbc: {  	[dreg:$0x0] =	wrdreg $0x60  }
0xbd: {  	[dreg:$0x2] =	wrdreg s24  }
0xbe: {  	[dreg:$0x3] =	wrdreg $0xA  }
0xbf: {  	_ =	task.clear_ibuf [dreg:s22], $0x4FFFF;
	_ =	strace $0x9000004F  }
0xc0: {  	s29 =	simm.s32 $0xA;
	_ =	strace $0x80000051  }
0xc1: {  	_ =	swait.ge [sflag:s29], $0x1  }
0xc2: {  	[sflag:s29] =	ssyncadd.s32 $0xFFFFFFFF  }
0xc3: {  	_ =	strace $0x90000051  }
0xc4: {  	_ =	sfence  }
0xc5: {  	s30 =	sld [smem:$0x0];
	_ =	sdelay $0x2  }
0xc6: {  	s31 =	sshll.u32 s1, $0xD;
	s1 =	sshrl.u32 s1, $0x2  }
0xc7: {  	s4 =	sand.u32 $0x4000, s31;
	s1 =	sadd.s32 s1, s30  }
0xc8: {  	s0 =	sor.u32 s4, s0;
	s1 =	sshll.u32 s1, $0x11  }
0xc9: {  	s0 =	sor.u32 s1, s0  }
0xca: {  	s0 =	sadd.s32 $0x8F2B, s0  }
0xcb: {  	[sflag:s0] =	ssyncadd.remote.s32 $0x1  }
0xcc: {  	_ =	sfence.sel $0xFFFF  }
0xcd: {  	[dreg:$0x0] =	wrdreg $0xFFFFFFFF;
	(pc) =	sbr.abs _section_cstart, $3  }
0xce: {  	[dreg:$0x1] =	wrdreg $0xFFFFFFFF  }
0xcf: {  	_ =	task.clear_ibuf [dreg:s22], $0x2FFFF;
	_ =	strace $0x9FFFFFFF  }
0xd0: {  	(tm) =	ssettm $0x7FFFFFFF  }
0xd1: {  	_ =	shalt  }
tec
execute0_lowered:
.L_overlay_start_1:
0x0: {  	(tag) =	ssettag $0x1  }
0x1: {  	s4 =	rddreg [dreg:$0x0]  }
0x2: {  	s0 =	rddreg [dreg:$0x1];
	s2 =	simm.s32 $0x0;
	s1 =	stileid.u32  }
0x3: {  	s3 =	srdreg.scid;
	s12 =	simm.s32 $0xA300;
	s13 =	simm.s32 $0x1  }
0x4: {  	s14 =	simm.s32 $0x2;
	s15 =	simm.s32 $0x3;
	s16 =	simm.s32 $0x4  }
0x5: {  	s17 =	simm.s32 $0x0;
	[smem:$0x7FF] =	sst s2;
	s5 =	smul.u32 $0x28000, s1  }
0x6: {  	s6 =	sand.u32 $0x1, s3;
	s7 =	smul.u32 $0x2800, s1;
	s3 =	sadd.s32 $0x65E00, s4  }
0x7: {  	s10 =	sadd.s32 $0x30AE00, s4;
	s8 =	ssub.s32 $0x2, s6;
	s9 =	smul.u32 $0x1400, s6  }
0x8: {  	_ =	strace $0x80000050;
	s6 =	smul.u32 $0x14000, s6;
	s11 =	sshrl.u32 s8, $0x1  }
0x9: {  	s5 =	sadd.s32 s5, s4;
	s30 =	ssub.s32 s8, s11;
	s7 =	sadd.s32 s9, s7  }
0xa: {  	s5 =	sadd.s32 s6, s5;
	s8 =	simm.s32 $0x5;
	s9 =	simm.s32 $0x140  }
0xb: {  	s11 =	simm.s32 $0x180;
	s4 =	smax.u32 s30, $0x1;
	s31 =	sor.u32 $0x140, s7  }
0xc: {  	s5 =	sadd.s32 $0x311200, s5;
	s7 =	sshrl.u32 s7, $0x3;
	s6 =	sshrl.u32 s31, $0x3  }
0xd: {  	s7 =	sadd.s32 s7, s10;
	s6 =	sadd.s32 s6, s10;
	s10 =	simm.s32 $0x300  }
.LBB2_1:
0xe: {  	s18 =	sadd.s32 $0x0, s7  }
0xf: {  	[tilespmem:s2], [sflag:$0x5] =	stream.linear.gather [hbm4b:s18+s2], $0x140, $0x38;
	[tilespmem:$0x14300] =	vst v63  }
0x10: {  	_ =	swait.ge [sflag:s8], $0x140  }
0x11: {  	[sflag:s8] =	ssyncset.done $0x0  }
0x12: {  	[sflag:s8] =	ssyncadd.s32 $0xFFFFFEC0  }
0x13: {  	[tilespmem:s10], [sflag:$0x1] =	stream.indirect.gather [hbm4b:s3+s9], $0x80, s2, s9, $0xb8;
	[tilespmem:$0x14300] =	vst v63  }
0x14: {  	s30 =	sadd.s32 $0x0, s6  }
0x15: {  	[tilespmem:s11], [sflag:$0x5] =	stream.linear.gather [hbm4b:s30+s2], $0x140, $0x38;
	[tilespmem:$0x14300] =	vst v63  }
0x16: {  	_ =	swait.ge [sflag:s8], $0x140  }
0x17: {  	[sflag:s8] =	ssyncset.done $0x0  }
0x18: {  	[sflag:s8] =	ssyncadd.s32 $0xFFFFFEC0  }
0x19: {  	[tilespmem:s12], [sflag:$0x2] =	stream.indirect.gather [hbm4b:s3+s9], $0x80, s11, s9, $0xb8;
	[tilespmem:$0x14300] =	vst v63  }
0x1a: {  	_ =	swait.ge [sflag:s13], $0xA000  }
0x1b: {  	[sflag:s13] =	ssyncset.done $0x0  }
0x1c: {  	s31 =	sadd.s32 $0xFFFFEC00, s5;
	[sflag:s13] =	ssyncadd.s32 $0xFFFF6000  }
0x1d: {  	[hbm4b:s31+s2] =	stream.linear.scatter [tilespmem:s10], [sflag:$0x3], $0xA000, $0x38;
	[tilespmem:$0x14300] =	vst v63  }
0x1e: {  	_ =	swait.ge [sflag:s14], $0xA000  }
0x1f: {  	[sflag:s14] =	ssyncset.done $0x0  }
0x20: {  	[sflag:s14] =	ssyncadd.s32 $0xFFFF6000  }
0x21: {  	[hbm4b:s5+s2] =	stream.linear.scatter [tilespmem:s12], [sflag:$0x4], $0xA000, $0x38;
	[tilespmem:$0x14300] =	vst v63  }
0x22: {  	_ =	swait.ge [sflag:s15], $0xA000  }
0x23: {  	[sflag:s15] =	ssyncset.done $0x0  }
0x24: {  	[sflag:s15] =	ssyncadd.s32 $0xFFFF6000  }
0x25: {  	s19 =	simm.s32 $0x50;
	_ =	swait.ge [sflag:s16], $0xA000  }
0x26: {  	s20 =	simm.s32 $0xA0;
	s18 =	sadd.s32 $0x2800, s5;
	[sflag:s16] =	ssyncset.done $0x0  }
.LBB2_2:
0x27: {  	s21 =	sadd.s32 s19, s7  }
0x28: {  	[sflag:s16] =	ssyncadd.s32 $0xFFFF6000;
	s22 =	smov.u32 s20;
	s23 =	sadd.s32 $0x50, s20  }
0x29: {  	[tilespmem:s2], [sflag:$0x5] =	stream.linear.gather [hbm4b:s21+s2], $0x140, $0x38;
	[tilespmem:$0x14300] =	vst v63  }
0x2a: {  	p0 =	sne.s32 s20, $0x230;
	_ =	swait.ge [sflag:s8], $0x140  }
0x2b: {  	[sflag:s8] =	ssyncset.done $0x0  }
0x2c: {  	[sflag:s8] =	ssyncadd.s32 $0xFFFFFEC0  }
0x2d: {  	[tilespmem:s10], [sflag:$0x1] =	stream.indirect.gather [hbm4b:s3+s9], $0x80, s2, s9, $0xb8;
	[tilespmem:$0x14300] =	vst v63  }
0x2e: {  	s20 =	sadd.s32 s19, s6;
	s19 =	smov.u32 s22  }
0x2f: {  	[tilespmem:s11], [sflag:$0x5] =	stream.linear.gather [hbm4b:s20+s2], $0x140, $0x38;
	[tilespmem:$0x14300] =	vst v63  }
0x30: {  	_ =	swait.ge [sflag:s8], $0x140  }
0x31: {  	[sflag:s8] =	ssyncset.done $0x0  }
0x32: {  	[sflag:s8] =	ssyncadd.s32 $0xFFFFFEC0  }
0x33: {  	[tilespmem:s12], [sflag:$0x2] =	stream.indirect.gather [hbm4b:s3+s9], $0x80, s11, s9, $0xb8;
	[tilespmem:$0x14300] =	vst v63  }
0x34: {  	_ =	swait.ge [sflag:s13], $0xA000  }
0x35: {  	[sflag:s13] =	ssyncset.done $0x0  }
0x36: {  	s20 =	sadd.s32 $0xFFFFEC00, s18;
	[sflag:s13] =	ssyncadd.s32 $0xFFFF6000  }
0x37: {  	[hbm4b:s20+s2] =	stream.linear.scatter [tilespmem:s10], [sflag:$0x3], $0xA000, $0x38;
	[tilespmem:$0x14300] =	vst v63  }
0x38: {  	_ =	swait.ge [sflag:s14], $0xA000  }
0x39: {  	[sflag:s14] =	ssyncset.done $0x0  }
0x3a: {  	[sflag:s14] =	ssyncadd.s32 $0xFFFF6000  }
0x3b: {  	[hbm4b:s18+s2] =	stream.linear.scatter [tilespmem:s12], [sflag:$0x4], $0xA000, $0x38;
	[tilespmem:$0x14300] =	vst v63  }
.Ltmp0:
0x3c: {  	_ =	swait.ge [sflag:s15], $0xA000;
	(pc) =	sbr.rel @p0 .LBB2_2-.Ltmp0, $4  }
0x3d: {  	[sflag:s15] =	ssyncset.done $0x0  }
0x3e: {  	[sflag:s15] =	ssyncadd.s32 $0xFFFF6000  }
0x3f: {  	_ =	swait.ge [sflag:s16], $0xA000  }
0x40: {  	s20 =	smov.u32 s23;
	s18 =	sadd.s32 $0x2800, s18;
	[sflag:s16] =	ssyncset.done $0x0  }
0x41: {  	s20 =	sadd.s32 s19, s7;
	[sflag:s16] =	ssyncadd.s32 $0xFFFF6000  }
0x42: {  	[tilespmem:s2], [sflag:$0x5] =	stream.linear.gather [hbm4b:s20+s2], $0x140, $0x38;
	[tilespmem:$0x14300] =	vst v63  }
0x43: {  	_ =	swait.ge [sflag:s8], $0x140  }
0x44: {  	[sflag:s8] =	ssyncset.done $0x0  }
0x45: {  	[sflag:s8] =	ssyncadd.s32 $0xFFFFFEC0  }
0x46: {  	[tilespmem:s10], [sflag:$0x1] =	stream.indirect.gather [hbm4b:s3+s9], $0x80, s2, s9, $0xb8;
	[tilespmem:$0x14300] =	vst v63  }
0x47: {  	s30 =	sadd.s32 s19, s6  }
0x48: {  	[tilespmem:s11], [sflag:$0x5] =	stream.linear.gather [hbm4b:s30+s2], $0x140, $0x38;
	[tilespmem:$0x14300] =	vst v63  }
0x49: {  	_ =	swait.ge [sflag:s8], $0x140  }
0x4a: {  	[sflag:s8] =	ssyncset.done $0x0  }
0x4b: {  	[sflag:s8] =	ssyncadd.s32 $0xFFFFFEC0  }
0x4c: {  	[tilespmem:s12], [sflag:$0x2] =	stream.indirect.gather [hbm4b:s3+s9], $0x80, s11, s9, $0xb8;
	[tilespmem:$0x14300] =	vst v63  }
0x4d: {  	_ =	swait.ge [sflag:s13], $0xA000  }
0x4e: {  	[sflag:s13] =	ssyncset.done $0x0  }
0x4f: {  	s31 =	sadd.s32 $0xFFFFEC00, s18;
	[sflag:s13] =	ssyncadd.s32 $0xFFFF6000  }
0x50: {  	[hbm4b:s31+s2] =	stream.linear.scatter [tilespmem:s10], [sflag:$0x3], $0xA000, $0x38;
	[tilespmem:$0x14300] =	vst v63  }
0x51: {  	_ =	swait.ge [sflag:s14], $0xA000  }
0x52: {  	[sflag:s14] =	ssyncset.done $0x0  }
0x53: {  	s17 =	sadd.s32 $0x1, s17;
	[sflag:s14] =	ssyncadd.s32 $0xFFFF6000  }
0x54: {  	[hbm4b:s18+s2] =	stream.linear.scatter [tilespmem:s12], [sflag:$0x4], $0xA000, $0x38;
	[tilespmem:$0x14300] =	vst v63  }
0x55: {  	p0 =	sne.s32 s17, s4;
	_ =	swait.ge [sflag:s15], $0xA000  }
.Ltmp1:
0x56: {  	[sflag:s15] =	ssyncset.done $0x0;
	(pc) =	sbr.rel @p0 .LBB2_1-.Ltmp1, $4  }
0x57: {  	[sflag:s15] =	ssyncadd.s32 $0xFFFF6000  }
0x58: {  	_ =	swait.ge [sflag:s16], $0xA000  }
0x59: {  	[sflag:s16] =	ssyncset.done $0x0  }
0x5a: {  	[sflag:s16] =	ssyncadd.s32 $0xFFFF6000  }
0x5b: {  	_ =	sfence.sel $0x180000  }
0x5c: {  	[bflag:$0x0] =	sbarrier.arrive $0xFFFF  }
0x5d: {  	p0 =	sne.s32 s1, $0x0;
	_ =	strace $0x90000050  }
0x5e: {  	s0 =	sadd.s32 @!p0 $0x100000, s0;
	[bflag:$0x2] =	sbarrier.arrive $0xFFFF  }
0x5f: {  	[sflag:s0] =	ssyncadd.tile.s32 @!p0 $0x1;
	_ =	shalt  }
.Lfunc_end2:
_tile_overlayer_lowered:
.L_overlay_start_2:
0x60: {  	(tag) =	ssettag $0x2  }
0x61: {  	s0 =	rddreg [dreg:$0x0];
	s2 =	stileid.u32  }
0x62: {  	s1 =	rddreg [dreg:$0x1];
	p0 =	sne.s32 s2, $0x0  }
0x63: {  	s3 =	rddreg [dreg:$0x2];
	[bflag:$0x3] =	sbarrier.arrive $0xFFFF;
	s2 =	simm.s32 @!p0 $0x1C05  }
0x64: {  	[timem:s3], [sflag:s2] =	dma.local @!p0 [hbm:s0], s1  }
0x65: {  	s0 =	simm.s32 @!p0 $0x5  }
0x66: {  	_ =	swait.ge @!p0 [sflag:s0], s1  }
0x67: {  	s1 =	ssub.s32 @!p0 $0x0, s1;
	[sflag:s0] =	ssyncset.done @!p0 $0x0  }
0x68: {  	[sflag:s0] =	ssyncadd.s32 @!p0 s1  }
0x69: {  	[bflag:$0x3] =	sbarrier.arrive $0xFFFF  }
0x6a: {  	_ =	shalt  }

// kernel: kernel.37.cloned.1.call-start
scs
__scs_entry_jumppad:
0x0: {  	(pc) =	sbr.rel $0x88, $3  }
0x1: {  	(tag) =	ssettag $0x0;
	lr =	simm.s32 $0x1  }
0x2: {  	[smem:$0x3F94] =	sst lr;
	_ =	strace $0xD0000000  }
0x3: {  	_ = 	snop  }
0x4: {  	_ = 	snop  }
0x5: {  	_ = 	snop  }
0x6: {  	_ = 	snop  }
0x7: {  	_ = 	snop  }
__scs_overlays_trampoline_lowered:
0x8: {  	[smem:$0x3FA3] =	sst s0  }
0x9: {  	[smem:$0x3FA4] =	sst s1  }
0xa: {  	[smem:$0x3FA5] =	sst s2  }
0xb: {  	[smem:$0x3FA6] =	sst s3  }
0xc: {  	[smem:$0x3FA7] =	sst s4  }
0xd: {  	[smem:$0x3FA8] =	sst s5  }
0xe: {  	[smem:$0x3FA9] =	sst s6  }
0xf: {  	[smem:$0x3FAA] =	sst s7  }
0x10: {  	[smem:$0x3FAB] =	sst s8  }
0x11: {  	[smem:$0x3FAC] =	sst s9;
	s0 =	simm.s32 @!p0 $0x0  }
0x12: {  	s1 =	sld [smem:$0x3F92];
	s0 =	simm.s32 @p0 $0x1  }
0x13: {  	[smem:$0x3FAD] =	sst s0;
	s0 =	simm.s32 @!p1 $0x0  }
0x14: {  	s2 =	sld [smem:$0x3F91];
	s0 =	simm.s32 @p1 $0x1  }
0x15: {  	[smem:$0x3FAE] =	sst s0;
	s0 =	simm.s32 @!p2 $0x0  }
0x16: {  	s3 =	sld [smem:$0x3FDB];
	s0 =	simm.s32 @p2 $0x1  }
0x17: {  	s4 =	simm.s32 $0x1BF5;
	[smem:$0x3FB0] =	sst s0  }
0x18: {  	s0 =	sld [smem:$0x3F93];
	_ =	swait.ge [sflag:s4], $0x0  }
0x19: {  	s7 =	sld [smem:$0x3F94]  }
0x1a: {  	s8 =	sadd.s32 $0xFFFFE003, lr  }
0x1b: {  	s9 =	sadd.s32 $0xFFFFFEF7, lr;
	s5 =	simm.s32 $0xFFFFFFFF;
	p2 =	slt.u32 s8, $0xFFFFF086  }
0x1c: {  	p1 =	slt.u32 s9, $0xF7A;
	s5 =	simm.s32 @!p2 $0x0  }
0x1d: {  	s5 =	simm.s32 @p1 $0x1;
	p0 =	seq.s32 s7, s2  }
0x1e: {  	s7 =	smul.u32 @!p0 $0xF7A, s2;
	p2 =	seq.s32 @!p0 s5, $0x0  }
0x1f: {  	s9 =	smul.u32 $0xF7A, s1;
	s8 =	simm.s32 @!p0 $0x1BF5;
	p2 =	por !p2, p0  }
0x20: {  	[sflag:s8] =	ssyncset.s32 @!p0 $0xFFFFF086;
	s6 =	sadd.s32 @!p0 s3, s7;
	s7 =	simm.s32 @!p0 $0x108  }
0x21: {  	s3 =	sadd.s32 s3, s9;
	s6 =	sadd.s32 @!p0 $0x88, s6;
	s7 =	simm.s32 @p2 $0x1082  }
0x22: {  	[simem:s7], [sflag:s8] =	dma.local @!p0 [hbm:s6], $0xF7A  }
0x23: {  	s9 =	sor.u32 $0xD0000000, s2;
	s6 =	simm.s32 $0x108;
	_ =	swait.ge @!p0 [sflag:s8], $0x0  }
0x24: {  	s3 =	sadd.s32 $0x88, s3;
	s6 =	simm.s32 @!p1 $0x1082;
	[sflag:s4] =	ssyncset.s32 $0xFFFFF086  }
0x25: {  	[simem:s6], [sflag:s4] =	dma.local [hbm:s3], $0xF7A  }
0x26: {  	[smem:$0x3F94] =	sst s1;
	(tag) =	ssettag s2;
	_ =	strace s9  }
0x27: {  	s1 =	sld [smem:$0x3FA4]  }
0x28: {  	s2 =	sld [smem:$0x3FA5]  }
0x29: {  	s4 =	sld [smem:$0x3FA7]  }
0x2a: {  	p0 =	seq.s32 s5, $0x0;
	s5 =	sld [smem:$0x3FA8]  }
0x2b: {  	s6 =	sld [smem:$0x3FA9]  }
0x2c: {  	s7 =	sld [smem:$0x3FAA]  }
0x2d: {  	s3 =	simm.s32 $0x108;
	s8 =	sld [smem:$0x3FAB]  }
0x2e: {  	s3 =	simm.s32 @!p0 $0x1082;
	s9 =	sld [smem:$0x3FAC]  }
0x2f: {  	lr =	sadd.s32 s0, s3;
	s0 =	sld [smem:$0x3FA3]  }
0x30: {  	s3 =	sld [smem:$0x3FA6]  }
0x31: {  	[smem:$0x3FAF] =	sst s10  }
0x32: {  	s10 =	sld [smem:$0x3FAD];
	_ =	sdelay $0x3  }
0x33: {  	p0 =	seq.s32 s10, $0x1;
	s10 =	sld [smem:$0x3FAF];
	_ =	sdelay $0x3  }
0x34: {  	[smem:$0x3FAF] =	sst s10  }
0x35: {  	s10 =	sld [smem:$0x3FAE];
	_ =	sdelay $0x3  }
0x36: {  	p1 =	seq.s32 s10, $0x1;
	s10 =	sld [smem:$0x3FAF];
	_ =	sdelay $0x3  }
0x37: {  	[smem:$0x3FAF] =	sst s10  }
0x38: {  	s10 =	sld [smem:$0x3FB0]  }
0x39: {  	_ = 	snop;
	(pc) =	sbr.ind lr, $3  }
0x3a: {  	_ = 	snop  }
0x3b: {  	_ = 	snop  }
0x3c: {  	p2 =	seq.s32 s10, $0x1;
	s10 =	sld [smem:$0x3FAF]  }
0x3d: {  	_ =	shalt  }
0x3e: {  	_ =	shalt  }
0x3f: {  	_ =	shalt  }
0x40: {  	_ =	shalt  }
0x41: {  	_ =	shalt  }
0x42: {  	_ =	shalt  }
0x43: {  	_ =	shalt  }
0x44: {  	_ =	shalt  }
0x45: {  	_ =	shalt  }
0x46: {  	_ =	shalt  }
0x47: {  	_ =	shalt  }
0x48: {  	_ =	shalt  }
0x49: {  	_ =	shalt  }
0x4a: {  	_ =	shalt  }
0x4b: {  	_ =	shalt  }
0x4c: {  	_ =	shalt  }
0x4d: {  	_ =	shalt  }
0x4e: {  	_ =	shalt  }
0x4f: {  	_ =	shalt  }
0x50: {  	_ =	shalt  }
0x51: {  	_ =	shalt  }
0x52: {  	_ =	shalt  }
0x53: {  	_ =	shalt  }
0x54: {  	_ =	shalt  }
0x55: {  	_ =	shalt  }
0x56: {  	_ =	shalt  }
0x57: {  	_ =	shalt  }
0x58: {  	_ =	shalt  }
0x59: {  	_ =	shalt  }
0x5a: {  	_ =	shalt  }
0x5b: {  	_ =	shalt  }
0x5c: {  	_ =	shalt  }
0x5d: {  	_ =	shalt  }
0x5e: {  	_ =	shalt  }
0x5f: {  	_ =	shalt  }
0x60: {  	_ =	shalt  }
0x61: {  	_ =	shalt  }
0x62: {  	_ =	shalt  }
0x63: {  	_ =	shalt  }
0x64: {  	_ =	shalt  }
0x65: {  	_ =	shalt  }
0x66: {  	_ =	shalt  }
0x67: {  	_ =	shalt  }
0x68: {  	_ =	shalt  }
0x69: {  	_ =	shalt  }
0x6a: {  	_ =	shalt  }
0x6b: {  	_ =	shalt  }
0x6c: {  	_ =	shalt  }
0x6d: {  	_ =	shalt  }
0x6e: {  	_ =	shalt  }
0x6f: {  	_ =	shalt  }
0x70: {  	_ =	shalt  }
0x71: {  	_ =	shalt  }
0x72: {  	_ =	shalt  }
0x73: {  	_ =	shalt  }
0x74: {  	_ =	shalt  }
0x75: {  	_ =	shalt  }
0x76: {  	_ =	shalt  }
0x77: {  	_ =	shalt  }
0x78: {  	_ =	shalt  }
0x79: {  	_ =	shalt  }
0x7a: {  	_ =	shalt  }
0x7b: {  	_ =	shalt  }
0x7c: {  	_ =	shalt  }
0x7d: {  	_ =	shalt  }
0x7e: {  	_ =	shalt  }
0x7f: {  	_ =	shalt  }
0x80: {  	_ =	shalt  }
0x81: {  	_ =	shalt  }
0x82: {  	_ =	shalt  }
0x83: {  	_ =	shalt  }
0x84: {  	_ =	shalt  }
0x85: {  	_ =	shalt  }
0x86: {  	_ =	shalt  }
0x87: {  	_ =	shalt  }
.Lfunc_end0:
.L_simem_size_0:
called_computation.4_lowered:
.L_overlay_start_0:
0x88: {  	s2 =	sld [smem:$0x3FD9]  }
0x89: {  	s3 =	sld [smem:$0x3FFE];
	_ =	sdelay $0x1  }
0x8a: {  	s1 =	srdreg.scid  }
0x8b: {  	s0 =	sand.u32 $0x1, s1  }
0x8c: {  	s16 =	sshll.u32 s0, $0xA;
	s2 =	sadd.s32 s3, s2  }
0x8d: {  	s2 =	sadd.s32 s2, s16  }
0x8e: {  	[smem:$0x3FBB] =	sst s2  }
0x8f: {  	_ = 	snop  }
0x90: {  	(tm) =	ssettm $0x1  }
0x91: {  	s17 =	sld [smem:$0x3FFB];
	_ =	sdelay $0x3  }
0x92: {  	_ =	strace s17  }
0x93: {  	s2 =	sld [smem:$0x3FFC];
	_ =	sdelay $0x3  }
0x94: {  	_ =	strace s2  }
0x95: {  	s2 =	sld [smem:$0x3FFD];
	_ =	sdelay $0x3  }
0x96: {  	_ =	strace s2  }
0x97: {  	_ =	strace $0x8FFFFFFF  }
0x98: {  	s18 =	sld [smem:$0x3FDB];
	_ =	sdelay $0x1  }
0x99: {  	s19 =	simm.s32 $_scs_section_size  }
0x9a: {  	s4 =	simm.s32 $_size__tile_overlayer_lowered;
	s5 =	simm.s32 $_tile_overlayer_lowered  }
0x9b: {  	s22 =	simm.s32 $0x1BFF;
	s21 =	sshll.u32 s5, $0x1;
	s2 =	sadd.s32 s19, s18  }
0x9c: {  	s6 =	simm.s32 $0x0;
	s20 =	sshll.u32 s4, $0x1;
	s4 =	sadd.s32 s21, s2  }
0x9d: {  	[timem:s6], [sflag:s22] =	dma.local [hbm:s4], s20  }
0x9e: {  	_ =	swait.ge [sflag:s22], s20  }
0x9f: {  	s3 =	ssub.s32 $0x0, s20;
	[sflag:s22] =	ssyncset.done $0x0  }
0xa0: {  	[sflag:s22] =	ssyncadd.s32 s3;
	_ =	sdelay $0x1  }
0xa1: {  	s23 =	simm.s32 $0x1B8B  }
0xa2: {  	_ =	swait.ge [sflag:s23], $0x1  }
0xa3: {  	[sflag:s23] =	ssyncset.done $0x0  }
0xa4: {  	s25 =	simm.s32 $0x1B8E;
	s24 =	sld [smem:$0x3FFE];
	[sflag:s23] =	ssyncadd.s32 $0xFFFFFFFF  }
0xa5: {  	s26 =	simm.s32 $execute0_lowered;
	[smem:$0x3FD2] =	sst s25  }
0xa6: {  	s4 =	sshll.u32 s26, $0x1;
	_ =	strace $0x80000052;
	[dreg:$0x1] =	wrdreg $0xFFFFFFFF  }
0xa7: {  	s28 =	simm.s32 $_size_execute0_lowered;
	s2 =	sadd.s32 s2, s4;
	[dreg:$0x0] =	wrdreg $0x0  }
0xa8: {  	s4 =	sshll.u32 s28, $0x1;
	[dreg:$0x2] =	wrdreg s2  }
0xa9: {  	[dreg:$0x3] =	wrdreg s4  }
0xaa: {  	[dreg:$0x4] =	wrdreg $0xC0  }
0xab: {  	_ =	task [dreg:s6], $0x5FFFF  }
0xac: {  	[dreg:$0x1] =	wrdreg $0xFFFFFFFF  }
0xad: {  	[dreg:$0x0] =	wrdreg $0x60  }
0xae: {  	[dreg:$0x2] =	wrdreg s24  }
0xaf: {  	[dreg:$0x3] =	wrdreg $0x9  }
0xb0: {  	_ =	task.clear_ibuf [dreg:s6], $0x4FFFF;
	_ =	strace $0x90000052  }
0xb1: {  	s29 =	simm.s32 $0x9;
	_ =	strace $0x80000054  }
0xb2: {  	_ =	swait.ge [sflag:s29], $0x1  }
0xb3: {  	[sflag:s29] =	ssyncadd.s32 $0xFFFFFFFF  }
0xb4: {  	_ =	strace $0x90000054  }
0xb5: {  	_ =	sfence  }
0xb6: {  	s30 =	sld [smem:$0x0];
	_ =	sdelay $0x2  }
0xb7: {  	s31 =	sshll.u32 s1, $0xD;
	s1 =	sshrl.u32 s1, $0x2  }
0xb8: {  	s3 =	sand.u32 $0x4000, s31;
	s1 =	sadd.s32 s1, s30  }
0xb9: {  	s0 =	sor.u32 s3, s0;
	s1 =	sshll.u32 s1, $0x11  }
0xba: {  	s0 =	sor.u32 s1, s0  }
0xbb: {  	s0 =	sadd.s32 $0x8F2B, s0  }
0xbc: {  	[sflag:s0] =	ssyncadd.remote.s32 $0x1  }
0xbd: {  	_ =	sfence.sel $0xFFFF  }
0xbe: {  	[dreg:$0x0] =	wrdreg $0xFFFFFFFF;
	(pc) =	sbr.abs _section_cstart, $3  }
0xbf: {  	[dreg:$0x1] =	wrdreg $0xFFFFFFFF  }
0xc0: {  	_ =	task.clear_ibuf [dreg:s6], $0x2FFFF;
	_ =	strace $0x9FFFFFFF  }
0xc1: {  	(tm) =	ssettm $0x7FFFFFFF  }
tec
execute0_lowered:
.L_overlay_start_1:
0x0: {  	(tag) =	ssettag $0x1  }
0x1: {  	s4 =	rddreg [dreg:$0x0]  }
0x2: {  	s0 =	rddreg [dreg:$0x1];
	s2 =	simm.s32 $0x0;
	s1 =	stileid.u32  }
0x3: {  	s3 =	srdreg.scid;
	s12 =	simm.s32 $0xA300;
	s13 =	simm.s32 $0x1  }
0x4: {  	s14 =	simm.s32 $0x2;
	s15 =	simm.s32 $0x3;
	s16 =	simm.s32 $0x4  }
0x5: {  	s17 =	simm.s32 $0x0;
	[smem:$0x7FF] =	sst s2;
	s5 =	smul.u32 $0x28000, s1  }
0x6: {  	s6 =	sand.u32 $0x1, s3;
	s7 =	smul.u32 $0x2800, s1;
	s3 =	sadd.s32 $0x85E00, s4  }
0x7: {  	s10 =	sadd.s32 $0xC5E00, s4;
	s8 =	ssub.s32 $0x2, s6;
	s9 =	smul.u32 $0x1400, s6  }
0x8: {  	_ =	strace $0x80000053;
	s6 =	smul.u32 $0x14000, s6;
	s11 =	sshrl.u32 s8, $0x1  }
0x9: {  	s5 =	sadd.s32 s5, s4;
	s30 =	ssub.s32 s8, s11;
	s7 =	sadd.s32 s9, s7  }
0xa: {  	s5 =	sadd.s32 s6, s5;
	s8 =	simm.s32 $0x5;
	s9 =	simm.s32 $0x140  }
0xb: {  	s11 =	simm.s32 $0x180;
	s4 =	smax.u32 s30, $0x1;
	s31 =	sor.u32 $0x140, s7  }
0xc: {  	s5 =	sadd.s32 $0xCC200, s5;
	s7 =	sshrl.u32 s7, $0x3;
	s6 =	sshrl.u32 s31, $0x3  }
0xd: {  	s7 =	sadd.s32 s7, s10;
	s6 =	sadd.s32 s6, s10;
	s10 =	simm.s32 $0x300  }
.LBB2_1:
0xe: {  	s18 =	sadd.s32 $0x0, s7  }
0xf: {  	[tilespmem:s2], [sflag:$0x5] =	stream.linear.gather [hbm4b:s18+s2], $0x140, $0x38;
	[tilespmem:$0x14300] =	vst v63  }
0x10: {  	_ =	swait.ge [sflag:s8], $0x140  }
0x11: {  	[sflag:s8] =	ssyncset.done $0x0  }
0x12: {  	[sflag:s8] =	ssyncadd.s32 $0xFFFFFEC0  }
0x13: {  	[tilespmem:s10], [sflag:$0x1] =	stream.indirect.gather [hbm4b:s3+s9], $0x80, s2, s9, $0xb8;
	[tilespmem:$0x14300] =	vst v63  }
0x14: {  	s30 =	sadd.s32 $0x0, s6  }
0x15: {  	[tilespmem:s11], [sflag:$0x5] =	stream.linear.gather [hbm4b:s30+s2], $0x140, $0x38;
	[tilespmem:$0x14300] =	vst v63  }
0x16: {  	_ =	swait.ge [sflag:s8], $0x140  }
0x17: {  	[sflag:s8] =	ssyncset.done $0x0  }
0x18: {  	[sflag:s8] =	ssyncadd.s32 $0xFFFFFEC0  }
0x19: {  	[tilespmem:s12], [sflag:$0x2] =	stream.indirect.gather [hbm4b:s3+s9], $0x80, s11, s9, $0xb8;
	[tilespmem:$0x14300] =	vst v63  }
0x1a: {  	_ =	swait.ge [sflag:s13], $0xA000  }
0x1b: {  	[sflag:s13] =	ssyncset.done $0x0  }
0x1c: {  	s31 =	sadd.s32 $0xFFFFEC00, s5;
	[sflag:s13] =	ssyncadd.s32 $0xFFFF6000  }
0x1d: {  	[hbm4b:s31+s2] =	stream.linear.scatter [tilespmem:s10], [sflag:$0x3], $0xA000, $0x38;
	[tilespmem:$0x14300] =	vst v63  }
0x1e: {  	_ =	swait.ge [sflag:s14], $0xA000  }
0x1f: {  	[sflag:s14] =	ssyncset.done $0x0  }
0x20: {  	[sflag:s14] =	ssyncadd.s32 $0xFFFF6000  }
0x21: {  	[hbm4b:s5+s2] =	stream.linear.scatter [tilespmem:s12], [sflag:$0x4], $0xA000, $0x38;
	[tilespmem:$0x14300] =	vst v63  }
0x22: {  	_ =	swait.ge [sflag:s15], $0xA000  }
0x23: {  	[sflag:s15] =	ssyncset.done $0x0  }
0x24: {  	[sflag:s15] =	ssyncadd.s32 $0xFFFF6000  }
0x25: {  	s19 =	simm.s32 $0x50;
	_ =	swait.ge [sflag:s16], $0xA000  }
0x26: {  	s20 =	simm.s32 $0xA0;
	s18 =	sadd.s32 $0x2800, s5;
	[sflag:s16] =	ssyncset.done $0x0  }
.LBB2_2:
0x27: {  	s21 =	sadd.s32 s19, s7  }
0x28: {  	[sflag:s16] =	ssyncadd.s32 $0xFFFF6000;
	s22 =	smov.u32 s20;
	s23 =	sadd.s32 $0x50, s20  }
0x29: {  	[tilespmem:s2], [sflag:$0x5] =	stream.linear.gather [hbm4b:s21+s2], $0x140, $0x38;
	[tilespmem:$0x14300] =	vst v63  }
0x2a: {  	p0 =	sne.s32 s20, $0x230;
	_ =	swait.ge [sflag:s8], $0x140  }
0x2b: {  	[sflag:s8] =	ssyncset.done $0x0  }
0x2c: {  	[sflag:s8] =	ssyncadd.s32 $0xFFFFFEC0  }
0x2d: {  	[tilespmem:s10], [sflag:$0x1] =	stream.indirect.gather [hbm4b:s3+s9], $0x80, s2, s9, $0xb8;
	[tilespmem:$0x14300] =	vst v63  }
0x2e: {  	s20 =	sadd.s32 s19, s6;
	s19 =	smov.u32 s22  }
0x2f: {  	[tilespmem:s11], [sflag:$0x5] =	stream.linear.gather [hbm4b:s20+s2], $0x140, $0x38;
	[tilespmem:$0x14300] =	vst v63  }
0x30: {  	_ =	swait.ge [sflag:s8], $0x140  }
0x31: {  	[sflag:s8] =	ssyncset.done $0x0  }
0x32: {  	[sflag:s8] =	ssyncadd.s32 $0xFFFFFEC0  }
0x33: {  	[tilespmem:s12], [sflag:$0x2] =	stream.indirect.gather [hbm4b:s3+s9], $0x80, s11, s9, $0xb8;
	[tilespmem:$0x14300] =	vst v63  }
0x34: {  	_ =	swait.ge [sflag:s13], $0xA000  }
0x35: {  	[sflag:s13] =	ssyncset.done $0x0  }
0x36: {  	s20 =	sadd.s32 $0xFFFFEC00, s18;
	[sflag:s13] =	ssyncadd.s32 $0xFFFF6000  }
0x37: {  	[hbm4b:s20+s2] =	stream.linear.scatter [tilespmem:s10], [sflag:$0x3], $0xA000, $0x38;
	[tilespmem:$0x14300] =	vst v63  }
0x38: {  	_ =	swait.ge [sflag:s14], $0xA000  }
0x39: {  	[sflag:s14] =	ssyncset.done $0x0  }
0x3a: {  	[sflag:s14] =	ssyncadd.s32 $0xFFFF6000  }
0x3b: {  	[hbm4b:s18+s2] =	stream.linear.scatter [tilespmem:s12], [sflag:$0x4], $0xA000, $0x38;
	[tilespmem:$0x14300] =	vst v63  }
.Ltmp0:
0x3c: {  	_ =	swait.ge [sflag:s15], $0xA000;
	(pc) =	sbr.rel @p0 .LBB2_2-.Ltmp0, $4  }
0x3d: {  	[sflag:s15] =	ssyncset.done $0x0  }
0x3e: {  	[sflag:s15] =	ssyncadd.s32 $0xFFFF6000  }
0x3f: {  	_ =	swait.ge [sflag:s16], $0xA000  }
0x40: {  	s20 =	smov.u32 s23;
	s18 =	sadd.s32 $0x2800, s18;
	[sflag:s16] =	ssyncset.done $0x0  }
0x41: {  	s20 =	sadd.s32 s19, s7;
	[sflag:s16] =	ssyncadd.s32 $0xFFFF6000  }
0x42: {  	[tilespmem:s2], [sflag:$0x5] =	stream.linear.gather [hbm4b:s20+s2], $0x140, $0x38;
	[tilespmem:$0x14300] =	vst v63  }
0x43: {  	_ =	swait.ge [sflag:s8], $0x140  }
0x44: {  	[sflag:s8] =	ssyncset.done $0x0  }
0x45: {  	[sflag:s8] =	ssyncadd.s32 $0xFFFFFEC0  }
0x46: {  	[tilespmem:s10], [sflag:$0x1] =	stream.indirect.gather [hbm4b:s3+s9], $0x80, s2, s9, $0xb8;
	[tilespmem:$0x14300] =	vst v63  }
0x47: {  	s30 =	sadd.s32 s19, s6  }
0x48: {  	[tilespmem:s11], [sflag:$0x5] =	stream.linear.gather [hbm4b:s30+s2], $0x140, $0x38;
	[tilespmem:$0x14300] =	vst v63  }
0x49: {  	_ =	swait.ge [sflag:s8], $0x140  }
0x4a: {  	[sflag:s8] =	ssyncset.done $0x0  }
0x4b: {  	[sflag:s8] =	ssyncadd.s32 $0xFFFFFEC0  }
0x4c: {  	[tilespmem:s12], [sflag:$0x2] =	stream.indirect.gather [hbm4b:s3+s9], $0x80, s11, s9, $0xb8;
	[tilespmem:$0x14300] =	vst v63  }
0x4d: {  	_ =	swait.ge [sflag:s13], $0xA000  }
0x4e: {  	[sflag:s13] =	ssyncset.done $0x0  }
0x4f: {  	s31 =	sadd.s32 $0xFFFFEC00, s18;
	[sflag:s13] =	ssyncadd.s32 $0xFFFF6000  }
0x50: {  	[hbm4b:s31+s2] =	stream.linear.scatter [tilespmem:s10], [sflag:$0x3], $0xA000, $0x38;
	[tilespmem:$0x14300] =	vst v63  }
0x51: {  	_ =	swait.ge [sflag:s14], $0xA000  }
0x52: {  	[sflag:s14] =	ssyncset.done $0x0  }
0x53: {  	s17 =	sadd.s32 $0x1, s17;
	[sflag:s14] =	ssyncadd.s32 $0xFFFF6000  }
0x54: {  	[hbm4b:s18+s2] =	stream.linear.scatter [tilespmem:s12], [sflag:$0x4], $0xA000, $0x38;
	[tilespmem:$0x14300] =	vst v63  }
0x55: {  	p0 =	sne.s32 s17, s4;
	_ =	swait.ge [sflag:s15], $0xA000  }
.Ltmp1:
0x56: {  	[sflag:s15] =	ssyncset.done $0x0;
	(pc) =	sbr.rel @p0 .LBB2_1-.Ltmp1, $4  }
0x57: {  	[sflag:s15] =	ssyncadd.s32 $0xFFFF6000  }
0x58: {  	_ =	swait.ge [sflag:s16], $0xA000  }
0x59: {  	[sflag:s16] =	ssyncset.done $0x0  }
0x5a: {  	[sflag:s16] =	ssyncadd.s32 $0xFFFF6000  }
0x5b: {  	_ =	sfence.sel $0x180000  }
0x5c: {  	[bflag:$0x0] =	sbarrier.arrive $0xFFFF  }
0x5d: {  	p0 =	sne.s32 s1, $0x0;
	_ =	strace $0x90000053  }
0x5e: {  	s0 =	sadd.s32 @!p0 $0x100000, s0;
	[bflag:$0x2] =	sbarrier.arrive $0xFFFF  }
0x5f: {  	[sflag:s0] =	ssyncadd.tile.s32 @!p0 $0x1;
	_ =	shalt  }
.Lfunc_end2:
_tile_overlayer_lowered:
.L_overlay_start_2:
0x60: {  	(tag) =	ssettag $0x2  }
0x61: {  	s0 =	rddreg [dreg:$0x0];
	s2 =	stileid.u32  }
0x62: {  	s1 =	rddreg [dreg:$0x1];
	p0 =	sne.s32 s2, $0x0  }
0x63: {  	s3 =	rddreg [dreg:$0x2];
	[bflag:$0x3] =	sbarrier.arrive $0xFFFF;
	s2 =	simm.s32 @!p0 $0x1C05  }
0x64: {  	[timem:s3], [sflag:s2] =	dma.local @!p0 [hbm:s0], s1  }
0x65: {  	s0 =	simm.s32 @!p0 $0x5  }
0x66: {  	_ =	swait.ge @!p0 [sflag:s0], s1  }
0x67: {  	s1 =	ssub.s32 @!p0 $0x0, s1;
	[sflag:s0] =	ssyncset.done @!p0 $0x0  }
0x68: {  	[sflag:s0] =	ssyncadd.s32 @!p0 s1  }
0x69: {  	[bflag:$0x3] =	sbarrier.arrive $0xFFFF  }
0x6a: {  	_ =	shalt  }

// kernel: kernel.40.cloned.1.call-start
scs
__scs_entry_jumppad:
0x0: {  	(pc) =	sbr.rel $0x88, $3  }
0x1: {  	(tag) =	ssettag $0x0;
	lr =	simm.s32 $0x1  }
0x2: {  	[smem:$0x3F94] =	sst lr;
	_ =	strace $0xD0000000  }
0x3: {  	_ = 	snop  }
0x4: {  	_ = 	snop  }
0x5: {  	_ = 	snop  }
0x6: {  	_ = 	snop  }
0x7: {  	_ = 	snop  }
__scs_overlays_trampoline_lowered:
0x8: {  	[smem:$0x3FA3] =	sst s0  }
0x9: {  	[smem:$0x3FA4] =	sst s1  }
0xa: {  	[smem:$0x3FA5] =	sst s2  }
0xb: {  	[smem:$0x3FA6] =	sst s3  }
0xc: {  	[smem:$0x3FA7] =	sst s4  }
0xd: {  	[smem:$0x3FA8] =	sst s5  }
0xe: {  	[smem:$0x3FA9] =	sst s6  }
0xf: {  	[smem:$0x3FAA] =	sst s7  }
0x10: {  	[smem:$0x3FAB] =	sst s8  }
0x11: {  	[smem:$0x3FAC] =	sst s9;
	s0 =	simm.s32 @!p0 $0x0  }
0x12: {  	s1 =	sld [smem:$0x3F92];
	s0 =	simm.s32 @p0 $0x1  }
0x13: {  	[smem:$0x3FAD] =	sst s0;
	s0 =	simm.s32 @!p1 $0x0  }
0x14: {  	s2 =	sld [smem:$0x3F91];
	s0 =	simm.s32 @p1 $0x1  }
0x15: {  	[smem:$0x3FAE] =	sst s0;
	s0 =	simm.s32 @!p2 $0x0  }
0x16: {  	s3 =	sld [smem:$0x3FDB];
	s0 =	simm.s32 @p2 $0x1  }
0x17: {  	s4 =	simm.s32 $0x1BF5;
	[smem:$0x3FB0] =	sst s0  }
0x18: {  	s0 =	sld [smem:$0x3F93];
	_ =	swait.ge [sflag:s4], $0x0  }
0x19: {  	s7 =	sld [smem:$0x3F94]  }
0x1a: {  	s8 =	sadd.s32 $0xFFFFE003, lr  }
0x1b: {  	s9 =	sadd.s32 $0xFFFFFEF7, lr;
	s5 =	simm.s32 $0xFFFFFFFF;
	p2 =	slt.u32 s8, $0xFFFFF086  }
0x1c: {  	p1 =	slt.u32 s9, $0xF7A;
	s5 =	simm.s32 @!p2 $0x0  }
0x1d: {  	s5 =	simm.s32 @p1 $0x1;
	p0 =	seq.s32 s7, s2  }
0x1e: {  	s7 =	smul.u32 @!p0 $0xF7A, s2;
	p2 =	seq.s32 @!p0 s5, $0x0  }
0x1f: {  	s9 =	smul.u32 $0xF7A, s1;
	s8 =	simm.s32 @!p0 $0x1BF5;
	p2 =	por !p2, p0  }
0x20: {  	[sflag:s8] =	ssyncset.s32 @!p0 $0xFFFFF086;
	s6 =	sadd.s32 @!p0 s3, s7;
	s7 =	simm.s32 @!p0 $0x108  }
0x21: {  	s3 =	sadd.s32 s3, s9;
	s6 =	sadd.s32 @!p0 $0x88, s6;
	s7 =	simm.s32 @p2 $0x1082  }
0x22: {  	[simem:s7], [sflag:s8] =	dma.local @!p0 [hbm:s6], $0xF7A  }
0x23: {  	s9 =	sor.u32 $0xD0000000, s2;
	s6 =	simm.s32 $0x108;
	_ =	swait.ge @!p0 [sflag:s8], $0x0  }
0x24: {  	s3 =	sadd.s32 $0x88, s3;
	s6 =	simm.s32 @!p1 $0x1082;
	[sflag:s4] =	ssyncset.s32 $0xFFFFF086  }
0x25: {  	[simem:s6], [sflag:s4] =	dma.local [hbm:s3], $0xF7A  }
0x26: {  	[smem:$0x3F94] =	sst s1;
	(tag) =	ssettag s2;
	_ =	strace s9  }
0x27: {  	s1 =	sld [smem:$0x3FA4]  }
0x28: {  	s2 =	sld [smem:$0x3FA5]  }
0x29: {  	s4 =	sld [smem:$0x3FA7]  }
0x2a: {  	p0 =	seq.s32 s5, $0x0;
	s5 =	sld [smem:$0x3FA8]  }
0x2b: {  	s6 =	sld [smem:$0x3FA9]  }
0x2c: {  	s7 =	sld [smem:$0x3FAA]  }
0x2d: {  	s3 =	simm.s32 $0x108;
	s8 =	sld [smem:$0x3FAB]  }
0x2e: {  	s3 =	simm.s32 @!p0 $0x1082;
	s9 =	sld [smem:$0x3FAC]  }
0x2f: {  	lr =	sadd.s32 s0, s3;
	s0 =	sld [smem:$0x3FA3]  }
0x30: {  	s3 =	sld [smem:$0x3FA6]  }
0x31: {  	[smem:$0x3FAF] =	sst s10  }
0x32: {  	s10 =	sld [smem:$0x3FAD];
	_ =	sdelay $0x3  }
0x33: {  	p0 =	seq.s32 s10, $0x1;
	s10 =	sld [smem:$0x3FAF];
	_ =	sdelay $0x3  }
0x34: {  	[smem:$0x3FAF] =	sst s10  }
0x35: {  	s10 =	sld [smem:$0x3FAE];
	_ =	sdelay $0x3  }
0x36: {  	p1 =	seq.s32 s10, $0x1;
	s10 =	sld [smem:$0x3FAF];
	_ =	sdelay $0x3  }
0x37: {  	[smem:$0x3FAF] =	sst s10  }
0x38: {  	s10 =	sld [smem:$0x3FB0]  }
0x39: {  	_ = 	snop;
	(pc) =	sbr.ind lr, $3  }
0x3a: {  	_ = 	snop  }
0x3b: {  	_ = 	snop  }
0x3c: {  	p2 =	seq.s32 s10, $0x1;
	s10 =	sld [smem:$0x3FAF]  }
0x3d: {  	_ =	shalt  }
0x3e: {  	_ =	shalt  }
0x3f: {  	_ =	shalt  }
0x40: {  	_ =	shalt  }
0x41: {  	_ =	shalt  }
0x42: {  	_ =	shalt  }
0x43: {  	_ =	shalt  }
0x44: {  	_ =	shalt  }
0x45: {  	_ =	shalt  }
0x46: {  	_ =	shalt  }
0x47: {  	_ =	shalt  }
0x48: {  	_ =	shalt  }
0x49: {  	_ =	shalt  }
0x4a: {  	_ =	shalt  }
0x4b: {  	_ =	shalt  }
0x4c: {  	_ =	shalt  }
0x4d: {  	_ =	shalt  }
0x4e: {  	_ =	shalt  }
0x4f: {  	_ =	shalt  }
0x50: {  	_ =	shalt  }
0x51: {  	_ =	shalt  }
0x52: {  	_ =	shalt  }
0x53: {  	_ =	shalt  }
0x54: {  	_ =	shalt  }
0x55: {  	_ =	shalt  }
0x56: {  	_ =	shalt  }
0x57: {  	_ =	shalt  }
0x58: {  	_ =	shalt  }
0x59: {  	_ =	shalt  }
0x5a: {  	_ =	shalt  }
0x5b: {  	_ =	shalt  }
0x5c: {  	_ =	shalt  }
0x5d: {  	_ =	shalt  }
0x5e: {  	_ =	shalt  }
0x5f: {  	_ =	shalt  }
0x60: {  	_ =	shalt  }
0x61: {  	_ =	shalt  }
0x62: {  	_ =	shalt  }
0x63: {  	_ =	shalt  }
0x64: {  	_ =	shalt  }
0x65: {  	_ =	shalt  }
0x66: {  	_ =	shalt  }
0x67: {  	_ =	shalt  }
0x68: {  	_ =	shalt  }
0x69: {  	_ =	shalt  }
0x6a: {  	_ =	shalt  }
0x6b: {  	_ =	shalt  }
0x6c: {  	_ =	shalt  }
0x6d: {  	_ =	shalt  }
0x6e: {  	_ =	shalt  }
0x6f: {  	_ =	shalt  }
0x70: {  	_ =	shalt  }
0x71: {  	_ =	shalt  }
0x72: {  	_ =	shalt  }
0x73: {  	_ =	shalt  }
0x74: {  	_ =	shalt  }
0x75: {  	_ =	shalt  }
0x76: {  	_ =	shalt  }
0x77: {  	_ =	shalt  }
0x78: {  	_ =	shalt  }
0x79: {  	_ =	shalt  }
0x7a: {  	_ =	shalt  }
0x7b: {  	_ =	shalt  }
0x7c: {  	_ =	shalt  }
0x7d: {  	_ =	shalt  }
0x7e: {  	_ =	shalt  }
0x7f: {  	_ =	shalt  }
0x80: {  	_ =	shalt  }
0x81: {  	_ =	shalt  }
0x82: {  	_ =	shalt  }
0x83: {  	_ =	shalt  }
0x84: {  	_ =	shalt  }
0x85: {  	_ =	shalt  }
0x86: {  	_ =	shalt  }
0x87: {  	_ =	shalt  }
.Lfunc_end0:
.L_simem_size_0:
called_computation.5_lowered:
.L_overlay_start_0:
0x88: {  	s2 =	sld [smem:$0x3FD9]  }
0x89: {  	s3 =	sld [smem:$0x3FFE];
	_ =	sdelay $0x1  }
0x8a: {  	s1 =	srdreg.scid  }
0x8b: {  	s0 =	sand.u32 $0x1, s1  }
0x8c: {  	s17 =	sshll.u32 s0, $0xA;
	s2 =	sadd.s32 s3, s2  }
0x8d: {  	s2 =	sadd.s32 s2, s17  }
0x8e: {  	[smem:$0x3FBB] =	sst s2  }
0x8f: {  	_ = 	snop  }
0x90: {  	(tm) =	ssettm $0x1  }
0x91: {  	s18 =	sld [smem:$0x3FFB];
	_ =	sdelay $0x3  }
0x92: {  	_ =	strace s18  }
0x93: {  	s2 =	sld [smem:$0x3FFC];
	_ =	sdelay $0x3  }
0x94: {  	_ =	strace s2  }
0x95: {  	s2 =	sld [smem:$0x3FFD];
	_ =	sdelay $0x3  }
0x96: {  	_ =	strace s2  }
0x97: {  	_ =	strace $0x8FFFFFFF  }
0x98: {  	s19 =	sld [smem:$0x3FDB];
	_ =	sdelay $0x1  }
0x99: {  	s20 =	simm.s32 $_scs_section_size  }
0x9a: {  	s4 =	simm.s32 $_size__tile_overlayer_lowered;
	s5 =	simm.s32 $_tile_overlayer_lowered  }
0x9b: {  	s6 =	simm.s32 $0x1BFF;
	s21 =	sshll.u32 s5, $0x1;
	s3 =	sadd.s32 s20, s19  }
0x9c: {  	s22 =	simm.s32 $0x0;
	s4 =	sshll.u32 s4, $0x1;
	s5 =	sadd.s32 s21, s3  }
0x9d: {  	[timem:s22], [sflag:s6] =	dma.local [hbm:s5], s4  }
0x9e: {  	_ =	swait.ge [sflag:s6], s4  }
0x9f: {  	s4 =	ssub.s32 $0x0, s4;
	[sflag:s6] =	ssyncset.done $0x0  }
0xa0: {  	[sflag:s6] =	ssyncadd.s32 s4;
	_ =	sdelay $0x1  }
0xa1: {  	s23 =	simm.s32 $0x1B8B  }
0xa2: {  	_ =	swait.ge [sflag:s23], $0x1  }
0xa3: {  	[sflag:s23] =	ssyncset.done $0x0  }
0xa4: {  	[sflag:s23] =	ssyncadd.s32 $0xFFFFFFFF  }
0xa5: {  	s4 =	sld [smem:$0x0]  }
0xa6: {  	s5 =	sand.u32 $0xFFFFFFFE, s1  }
0xa7: {  	p0 =	sne.s32 s1, s5  }
0xa8: {  	s5 =	sshll.u32 @p0 s5, $0xE  }
0xa9: {  	s5 =	sadd.s32 @p0 $0x11B8D, s5;
	s6 =	sshll.u32 @p0 s4, $0x11  }
0xaa: {  	s5 =	sor.u32 @p0 s6, s5  }
0xab: {  	[sflag:s5] =	ssyncadd.remote.s32 @p0 $0x1;
	_ =	sdelay $0x1  }
0xac: {  	s5 =	simm.s32 @p0 $0x1B8D  }
0xad: {  	_ =	swait.eq @p0 [sflag:s5], $0x1  }
0xae: {  	[sflag:s5] =	ssyncadd.s32 @p0 $0xFFFFFFFF  }
0xaf: {  	s6 =	sshll.u32 @!p0 s1, $0xE  }
0xb0: {  	s6 =	sor.u32 @!p0 $0x4000, s6;
	s5 =	simm.s32 @!p0 $0x1B8D  }
0xb1: {  	s4 =	sshll.u32 @!p0 s4, $0x11;
	s6 =	sadd.s32 @!p0 $0x11B8D, s6;
	_ =	swait.eq @!p0 [sflag:s5], $0x1  }
0xb2: {  	s4 =	sor.u32 @!p0 s4, s6;
	[sflag:s5] =	ssyncadd.s32 @!p0 $0xFFFFFFFF  }
0xb3: {  	s25 =	simm.s32 $0x1B8E;
	s24 =	sld [smem:$0x3FFE];
	[sflag:s4] =	ssyncadd.remote.s32 @!p0 $0x1  }
0xb4: {  	s26 =	simm.s32 $execute0_lowered;
	[smem:$0x3FD2] =	sst s25  }
0xb5: {  	s5 =	sshll.u32 s26, $0x1;
	_ =	strace $0x80000055;
	[dreg:$0x1] =	wrdreg $0xFFFFFFFF  }
0xb6: {  	s28 =	simm.s32 $_size_execute0_lowered;
	s3 =	sadd.s32 s3, s5;
	[dreg:$0x0] =	wrdreg $0x0  }
0xb7: {  	s5 =	sshll.u32 s28, $0x1;
	[dreg:$0x2] =	wrdreg s3  }
0xb8: {  	[dreg:$0x3] =	wrdreg s5  }
0xb9: {  	[dreg:$0x4] =	wrdreg $0xC0  }
0xba: {  	_ =	task [dreg:s22], $0x5FFFF  }
0xbb: {  	[dreg:$0x1] =	wrdreg $0xFFFFFFFF  }
0xbc: {  	[dreg:$0x0] =	wrdreg $0x60  }
0xbd: {  	[dreg:$0x2] =	wrdreg s24  }
0xbe: {  	[dreg:$0x3] =	wrdreg $0xA  }
0xbf: {  	_ =	task.clear_ibuf [dreg:s22], $0x4FFFF;
	_ =	strace $0x90000055  }
0xc0: {  	s29 =	simm.s32 $0xA;
	_ =	strace $0x80000057  }
0xc1: {  	_ =	swait.ge [sflag:s29], $0x1  }
0xc2: {  	[sflag:s29] =	ssyncadd.s32 $0xFFFFFFFF  }
0xc3: {  	_ =	strace $0x90000057  }
0xc4: {  	_ =	sfence  }
0xc5: {  	s30 =	sld [smem:$0x0];
	_ =	sdelay $0x2  }
0xc6: {  	s31 =	sshll.u32 s1, $0xD;
	s1 =	sshrl.u32 s1, $0x2  }
0xc7: {  	s4 =	sand.u32 $0x4000, s31;
	s1 =	sadd.s32 s1, s30  }
0xc8: {  	s0 =	sor.u32 s4, s0;
	s1 =	sshll.u32 s1, $0x11  }
0xc9: {  	s0 =	sor.u32 s1, s0  }
0xca: {  	s0 =	sadd.s32 $0x8F2B, s0  }
0xcb: {  	[sflag:s0] =	ssyncadd.remote.s32 $0x1  }
0xcc: {  	_ =	sfence.sel $0xFFFF  }
0xcd: {  	[dreg:$0x0] =	wrdreg $0xFFFFFFFF;
	(pc) =	sbr.abs _section_cstart, $3  }
0xce: {  	[dreg:$0x1] =	wrdreg $0xFFFFFFFF  }
0xcf: {  	_ =	task.clear_ibuf [dreg:s22], $0x2FFFF;
	_ =	strace $0x9FFFFFFF  }
0xd0: {  	(tm) =	ssettm $0x7FFFFFFF  }
0xd1: {  	_ =	shalt  }
tec
execute0_lowered:
.L_overlay_start_1:
0x0: {  	(tag) =	ssettag $0x1  }
0x1: {  	s4 =	rddreg [dreg:$0x0]  }
0x2: {  	s0 =	rddreg [dreg:$0x1];
	s2 =	simm.s32 $0x0;
	s1 =	stileid.u32  }
0x3: {  	s3 =	srdreg.scid;
	s12 =	simm.s32 $0xA300;
	s13 =	simm.s32 $0x1  }
0x4: {  	s14 =	simm.s32 $0x2;
	s15 =	simm.s32 $0x3;
	s16 =	simm.s32 $0x4  }
0x5: {  	s17 =	simm.s32 $0x0;
	[smem:$0x7FF] =	sst s2;
	s5 =	smul.u32 $0x28000, s1  }
0x6: {  	s6 =	sand.u32 $0x1, s3;
	s7 =	smul.u32 $0x2800, s1;
	s3 =	sadd.s32 $0xA5E00, s4  }
0x7: {  	s10 =	sadd.s32 $0x34AE00, s4;
	s8 =	ssub.s32 $0x2, s6;
	s9 =	smul.u32 $0x1400, s6  }
0x8: {  	_ =	strace $0x80000056;
	s6 =	smul.u32 $0x14000, s6;
	s11 =	sshrl.u32 s8, $0x1  }
0x9: {  	s5 =	sadd.s32 s5, s4;
	s30 =	ssub.s32 s8, s11;
	s7 =	sadd.s32 s9, s7  }
0xa: {  	s5 =	sadd.s32 s6, s5;
	s8 =	simm.s32 $0x5;
	s9 =	simm.s32 $0x140  }
0xb: {  	s11 =	simm.s32 $0x180;
	s4 =	smax.u32 s30, $0x1;
	s31 =	sor.u32 $0x140, s7  }
0xc: {  	s5 =	sadd.s32 $0x351200, s5;
	s7 =	sshrl.u32 s7, $0x3;
	s6 =	sshrl.u32 s31, $0x3  }
0xd: {  	s7 =	sadd.s32 s7, s10;
	s6 =	sadd.s32 s6, s10;
	s10 =	simm.s32 $0x300  }
.LBB2_1:
0xe: {  	s18 =	sadd.s32 $0x0, s7  }
0xf: {  	[tilespmem:s2], [sflag:$0x5] =	stream.linear.gather [hbm4b:s18+s2], $0x140, $0x38;
	[tilespmem:$0x14300] =	vst v63  }
0x10: {  	_ =	swait.ge [sflag:s8], $0x140  }
0x11: {  	[sflag:s8] =	ssyncset.done $0x0  }
0x12: {  	[sflag:s8] =	ssyncadd.s32 $0xFFFFFEC0  }
0x13: {  	[tilespmem:s10], [sflag:$0x1] =	stream.indirect.gather [hbm4b:s3+s9], $0x80, s2, s9, $0xb8;
	[tilespmem:$0x14300] =	vst v63  }
0x14: {  	s30 =	sadd.s32 $0x0, s6  }
0x15: {  	[tilespmem:s11], [sflag:$0x5] =	stream.linear.gather [hbm4b:s30+s2], $0x140, $0x38;
	[tilespmem:$0x14300] =	vst v63  }
0x16: {  	_ =	swait.ge [sflag:s8], $0x140  }
0x17: {  	[sflag:s8] =	ssyncset.done $0x0  }
0x18: {  	[sflag:s8] =	ssyncadd.s32 $0xFFFFFEC0  }
0x19: {  	[tilespmem:s12], [sflag:$0x2] =	stream.indirect.gather [hbm4b:s3+s9], $0x80, s11, s9, $0xb8;
	[tilespmem:$0x14300] =	vst v63  }
0x1a: {  	_ =	swait.ge [sflag:s13], $0xA000  }
0x1b: {  	[sflag:s13] =	ssyncset.done $0x0  }
0x1c: {  	s31 =	sadd.s32 $0xFFFFEC00, s5;
	[sflag:s13] =	ssyncadd.s32 $0xFFFF6000  }
0x1d: {  	[hbm4b:s31+s2] =	stream.linear.scatter [tilespmem:s10], [sflag:$0x3], $0xA000, $0x38;
	[tilespmem:$0x14300] =	vst v63  }
0x1e: {  	_ =	swait.ge [sflag:s14], $0xA000  }
0x1f: {  	[sflag:s14] =	ssyncset.done $0x0  }
0x20: {  	[sflag:s14] =	ssyncadd.s32 $0xFFFF6000  }
0x21: {  	[hbm4b:s5+s2] =	stream.linear.scatter [tilespmem:s12], [sflag:$0x4], $0xA000, $0x38;
	[tilespmem:$0x14300] =	vst v63  }
0x22: {  	_ =	swait.ge [sflag:s15], $0xA000  }
0x23: {  	[sflag:s15] =	ssyncset.done $0x0  }
0x24: {  	[sflag:s15] =	ssyncadd.s32 $0xFFFF6000  }
0x25: {  	s19 =	simm.s32 $0x50;
	_ =	swait.ge [sflag:s16], $0xA000  }
0x26: {  	s20 =	simm.s32 $0xA0;
	s18 =	sadd.s32 $0x2800, s5;
	[sflag:s16] =	ssyncset.done $0x0  }
.LBB2_2:
0x27: {  	s21 =	sadd.s32 s19, s7  }
0x28: {  	[sflag:s16] =	ssyncadd.s32 $0xFFFF6000;
	s22 =	smov.u32 s20;
	s23 =	sadd.s32 $0x50, s20  }
0x29: {  	[tilespmem:s2], [sflag:$0x5] =	stream.linear.gather [hbm4b:s21+s2], $0x140, $0x38;
	[tilespmem:$0x14300] =	vst v63  }
0x2a: {  	p0 =	sne.s32 s20, $0x230;
	_ =	swait.ge [sflag:s8], $0x140  }
0x2b: {  	[sflag:s8] =	ssyncset.done $0x0  }
0x2c: {  	[sflag:s8] =	ssyncadd.s32 $0xFFFFFEC0  }
0x2d: {  	[tilespmem:s10], [sflag:$0x1] =	stream.indirect.gather [hbm4b:s3+s9], $0x80, s2, s9, $0xb8;
	[tilespmem:$0x14300] =	vst v63  }
0x2e: {  	s20 =	sadd.s32 s19, s6;
	s19 =	smov.u32 s22  }
0x2f: {  	[tilespmem:s11], [sflag:$0x5] =	stream.linear.gather [hbm4b:s20+s2], $0x140, $0x38;
	[tilespmem:$0x14300] =	vst v63  }
0x30: {  	_ =	swait.ge [sflag:s8], $0x140  }
0x31: {  	[sflag:s8] =	ssyncset.done $0x0  }
0x32: {  	[sflag:s8] =	ssyncadd.s32 $0xFFFFFEC0  }
0x33: {  	[tilespmem:s12], [sflag:$0x2] =	stream.indirect.gather [hbm4b:s3+s9], $0x80, s11, s9, $0xb8;
	[tilespmem:$0x14300] =	vst v63  }
0x34: {  	_ =	swait.ge [sflag:s13], $0xA000  }
0x35: {  	[sflag:s13] =	ssyncset.done $0x0  }
0x36: {  	s20 =	sadd.s32 $0xFFFFEC00, s18;
	[sflag:s13] =	ssyncadd.s32 $0xFFFF6000  }
0x37: {  	[hbm4b:s20+s2] =	stream.linear.scatter [tilespmem:s10], [sflag:$0x3], $0xA000, $0x38;
	[tilespmem:$0x14300] =	vst v63  }
0x38: {  	_ =	swait.ge [sflag:s14], $0xA000  }
0x39: {  	[sflag:s14] =	ssyncset.done $0x0  }
0x3a: {  	[sflag:s14] =	ssyncadd.s32 $0xFFFF6000  }
0x3b: {  	[hbm4b:s18+s2] =	stream.linear.scatter [tilespmem:s12], [sflag:$0x4], $0xA000, $0x38;
	[tilespmem:$0x14300] =	vst v63  }
.Ltmp0:
0x3c: {  	_ =	swait.ge [sflag:s15], $0xA000;
	(pc) =	sbr.rel @p0 .LBB2_2-.Ltmp0, $4  }
0x3d: {  	[sflag:s15] =	ssyncset.done $0x0  }
0x3e: {  	[sflag:s15] =	ssyncadd.s32 $0xFFFF6000  }
0x3f: {  	_ =	swait.ge [sflag:s16], $0xA000  }
0x40: {  	s20 =	smov.u32 s23;
	s18 =	sadd.s32 $0x2800, s18;
	[sflag:s16] =	ssyncset.done $0x0  }
0x41: {  	s20 =	sadd.s32 s19, s7;
	[sflag:s16] =	ssyncadd.s32 $0xFFFF6000  }
0x42: {  	[tilespmem:s2], [sflag:$0x5] =	stream.linear.gather [hbm4b:s20+s2], $0x140, $0x38;
	[tilespmem:$0x14300] =	vst v63  }
0x43: {  	_ =	swait.ge [sflag:s8], $0x140  }
0x44: {  	[sflag:s8] =	ssyncset.done $0x0  }
0x45: {  	[sflag:s8] =	ssyncadd.s32 $0xFFFFFEC0  }
0x46: {  	[tilespmem:s10], [sflag:$0x1] =	stream.indirect.gather [hbm4b:s3+s9], $0x80, s2, s9, $0xb8;
	[tilespmem:$0x14300] =	vst v63  }
0x47: {  	s30 =	sadd.s32 s19, s6  }
0x48: {  	[tilespmem:s11], [sflag:$0x5] =	stream.linear.gather [hbm4b:s30+s2], $0x140, $0x38;
	[tilespmem:$0x14300] =	vst v63  }
0x49: {  	_ =	swait.ge [sflag:s8], $0x140  }
0x4a: {  	[sflag:s8] =	ssyncset.done $0x0  }
0x4b: {  	[sflag:s8] =	ssyncadd.s32 $0xFFFFFEC0  }
0x4c: {  	[tilespmem:s12], [sflag:$0x2] =	stream.indirect.gather [hbm4b:s3+s9], $0x80, s11, s9, $0xb8;
	[tilespmem:$0x14300] =	vst v63  }
0x4d: {  	_ =	swait.ge [sflag:s13], $0xA000  }
0x4e: {  	[sflag:s13] =	ssyncset.done $0x0  }
0x4f: {  	s31 =	sadd.s32 $0xFFFFEC00, s18;
	[sflag:s13] =	ssyncadd.s32 $0xFFFF6000  }
0x50: {  	[hbm4b:s31+s2] =	stream.linear.scatter [tilespmem:s10], [sflag:$0x3], $0xA000, $0x38;
	[tilespmem:$0x14300] =	vst v63  }
0x51: {  	_ =	swait.ge [sflag:s14], $0xA000  }
0x52: {  	[sflag:s14] =	ssyncset.done $0x0  }
0x53: {  	s17 =	sadd.s32 $0x1, s17;
	[sflag:s14] =	ssyncadd.s32 $0xFFFF6000  }
0x54: {  	[hbm4b:s18+s2] =	stream.linear.scatter [tilespmem:s12], [sflag:$0x4], $0xA000, $0x38;
	[tilespmem:$0x14300] =	vst v63  }
0x55: {  	p0 =	sne.s32 s17, s4;
	_ =	swait.ge [sflag:s15], $0xA000  }
.Ltmp1:
0x56: {  	[sflag:s15] =	ssyncset.done $0x0;
	(pc) =	sbr.rel @p0 .LBB2_1-.Ltmp1, $4  }
0x57: {  	[sflag:s15] =	ssyncadd.s32 $0xFFFF6000  }
0x58: {  	_ =	swait.ge [sflag:s16], $0xA000  }
0x59: {  	[sflag:s16] =	ssyncset.done $0x0  }
0x5a: {  	[sflag:s16] =	ssyncadd.s32 $0xFFFF6000  }
0x5b: {  	_ =	sfence.sel $0x180000  }
0x5c: {  	[bflag:$0x0] =	sbarrier.arrive $0xFFFF  }
0x5d: {  	p0 =	sne.s32 s1, $0x0;
	_ =	strace $0x90000056  }
0x5e: {  	s0 =	sadd.s32 @!p0 $0x100000, s0;
	[bflag:$0x2] =	sbarrier.arrive $0xFFFF  }
0x5f: {  	[sflag:s0] =	ssyncadd.tile.s32 @!p0 $0x1;
	_ =	shalt  }
.Lfunc_end2:
_tile_overlayer_lowered:
.L_overlay_start_2:
0x60: {  	(tag) =	ssettag $0x2  }
0x61: {  	s0 =	rddreg [dreg:$0x0];
	s2 =	stileid.u32  }
0x62: {  	s1 =	rddreg [dreg:$0x1];
	p0 =	sne.s32 s2, $0x0  }
0x63: {  	s3 =	rddreg [dreg:$0x2];
	[bflag:$0x3] =	sbarrier.arrive $0xFFFF;
	s2 =	simm.s32 @!p0 $0x1C05  }
0x64: {  	[timem:s3], [sflag:s2] =	dma.local @!p0 [hbm:s0], s1  }
0x65: {  	s0 =	simm.s32 @!p0 $0x5  }
0x66: {  	_ =	swait.ge @!p0 [sflag:s0], s1  }
0x67: {  	s1 =	ssub.s32 @!p0 $0x0, s1;
	[sflag:s0] =	ssyncset.done @!p0 $0x0  }
0x68: {  	[sflag:s0] =	ssyncadd.s32 @!p0 s1  }
0x69: {  	[bflag:$0x3] =	sbarrier.arrive $0xFFFF  }
0x6a: {  	_ =	shalt  }

</sc_bundles>
